<compile_context>
chip_gen: v7x
topology: tpu7x:2x2x1
jax: 0.10.2.dev20260603
libtpu: 0.0.44.dev20260713+nightly
codegen_flags: <defaults>
</compile_context>

<pallas_src>
import functools

import jax
import jax.numpy as jnp
from jax import lax
from jax.experimental import pallas as pl
from jax.experimental.pallas import tpu as pltpu
from jax.experimental.pallas import tpu_sc as plsc

N_NODES = 10000
D = 128

NC = 2
NS = 16
NW = NC * NS
CHUNK = 128
CPW = 80
SEG = 40
EPW = CPW * CHUNK
E_PAD = NW * EPW
ACC_ROWS = 10240
ROWS_PER_TILE = ACC_ROWS // NS
N_DUMMY = ACC_ROWS - N_NODES

@functools.cache
def _mesh():
    return plsc.VectorSubcoreMesh(
        core_axis_name="c", subcore_axis_name="s", num_cores=NC, num_subcores=NS)


def _zero_vmem(ref, nrows, width):
    z = jnp.zeros((16,), jnp.float32)

    def body(i, _):
        r = i // (width // 16)
        k = i % (width // 16)
        ref[r, pl.ds(k * 16, 16)] = z
        return 0

    lax.fori_loop(0, nrows * (width // 16), body, 0)


def _deg_body(dst_hbm, out_hbm, didx, ones_v, acc):
    c = lax.axis_index("c")
    s = lax.axis_index("s")
    wid = c * NS + s
    pltpu.sync_copy(dst_hbm.at[wid], didx)
    _zero_vmem(ones_v, CHUNK, 16)
    for k in range(ROWS_PER_TILE // CHUNK):
        pltpu.sync_copy(ones_v, acc.at[pl.ds(s * ROWS_PER_TILE + k * CHUNK, CHUNK)])

    def refill(i, _):
        ones_v[i, pl.ds(0, 16)] = jnp.ones((16,), jnp.float32)
        return 0

    lax.fori_loop(0, CHUNK, refill, 0)
    plsc.subcore_barrier()

    def body(j, _):
        pltpu.sync_copy(ones_v, acc.at[didx.at[j]], add=True)
        return 0

    lax.fori_loop(0, CPW, body, 0)
    plsc.subcore_barrier()
    pltpu.sync_copy(
        acc.at[pl.ds(s * ROWS_PER_TILE, ROWS_PER_TILE)],
        out_hbm.at[c, pl.ds(s * ROWS_PER_TILE, ROWS_PER_TILE)],
    )


@functools.cache
def _deg_call():
    return pl.kernel(
        _deg_body,
        out_type=jax.ShapeDtypeStruct((NC, ACC_ROWS, 16), jnp.float32),
        mesh=_mesh(),
        scratch_types=[
            pltpu.VMEM((CPW, CHUNK), jnp.int32),
            pltpu.VMEM((CHUNK, 16), jnp.float32),
            pltpu.VMEM_SHARED((ACC_ROWS, 16), jnp.float32),
        ],
    )


def _agg_body(h_hbm, src_hbm, dst_hbm, out_hbm, sidx, didx, rows0, rows1,
              acc, gsem0, gsem1):
    c = lax.axis_index("c")
    s = lax.axis_index("s")
    wid = c * NS + s
    _zero_vmem(rows0, CHUNK, D)
    for k in range(ROWS_PER_TILE // CHUNK):
        pltpu.sync_copy(rows0, acc.at[pl.ds(s * ROWS_PER_TILE + k * CHUNK, CHUNK)])
    plsc.subcore_barrier()

    for seg in range(CPW // SEG):
        pltpu.sync_copy(src_hbm.at[wid, pl.ds(seg * SEG, SEG)], sidx)
        pltpu.sync_copy(dst_hbm.at[wid, pl.ds(seg * SEG, SEG)], didx)
        pltpu.async_copy(h_hbm.at[sidx.at[0]], rows0, gsem0)

        def body(g, _):
            j0 = 2 * g
            j1 = 2 * g + 1
            pltpu.make_async_copy(h_hbm.at[sidx.at[j0]], rows0, gsem0).wait()
            pltpu.async_copy(h_hbm.at[sidx.at[j1]], rows1, gsem1)
            pltpu.sync_copy(rows0, acc.at[didx.at[j0]], add=True)
            pltpu.make_async_copy(h_hbm.at[sidx.at[j1]], rows1, gsem1).wait()

            @pl.when(j1 + 1 < SEG)
            def _():
                pltpu.async_copy(h_hbm.at[sidx.at[j1 + 1]], rows0, gsem0)

            pltpu.sync_copy(rows1, acc.at[didx.at[j1]], add=True)
            return 0

        lax.fori_loop(0, SEG // 2, body, 0)
    plsc.subcore_barrier()
    for k in range(ROWS_PER_TILE // CHUNK):
        pltpu.sync_copy(
            acc.at[pl.ds(s * ROWS_PER_TILE + k * CHUNK, CHUNK)],
            out_hbm.at[c, pl.ds(s * ROWS_PER_TILE + k * CHUNK, CHUNK)],
        )


@functools.cache
def _agg_call():
    return pl.kernel(
        _agg_body,
        out_type=jax.ShapeDtypeStruct((NC, ACC_ROWS, D), jnp.float32),
        mesh=_mesh(),
        scratch_types=[
            pltpu.VMEM((SEG, CHUNK), jnp.int32),
            pltpu.VMEM((SEG, CHUNK), jnp.int32),
            pltpu.VMEM((CHUNK, D), jnp.float32),
            pltpu.VMEM((CHUNK, D), jnp.float32),
            pltpu.VMEM_SHARED((ACC_ROWS, D), jnp.float32),
            pltpu.SemaphoreType.DMA,
            pltpu.SemaphoreType.DMA,
        ],
    )



_BLK = 1000


def _dinv_from_deg(deg_ref):
    deg = deg_ref[0, :, 0] + deg_ref[1, :, 0] + 1.0
    return lax.rsqrt(deg)


def _tc_b_body(x_ref, w_ref, deg_ref, o_ref):
    dinv = _dinv_from_deg(deg_ref)
    h = jnp.dot(x_ref[...], w_ref[...], preferred_element_type=jnp.float32)
    o_ref[...] = h * dinv[:, None]


def _tc_d_body(s_ref, hp_ref, deg_ref, w_ref, b_ref, o_ref):
    dinv = _dinv_from_deg(deg_ref)
    t = dinv[:, None] * (s_ref[0] + s_ref[1] + hp_ref[...]) + b_ref[...][None, :]
    z = jnp.maximum(t, 0.0)
    h = jnp.dot(z, w_ref[...], preferred_element_type=jnp.float32)
    o_ref[...] = h * dinv[:, None]


def _tc_f_body(s_ref, hp_ref, deg_ref, b_ref, o_ref):
    dinv = _dinv_from_deg(deg_ref)
    t = dinv[:, None] * (s_ref[0] + s_ref[1] + hp_ref[...]) + b_ref[...][None, :]
    m = jnp.max(t, axis=1, keepdims=True)
    lse = jnp.log(jnp.sum(jnp.exp(t - m), axis=1, keepdims=True)) + m
    o_ref[...] = t - lse


_row_spec = pl.BlockSpec((_BLK, D), lambda i: (i, 0))
_deg_spec = pl.BlockSpec((NC, _BLK, 16), lambda i: (0, i, 0))
_s_spec = pl.BlockSpec((NC, _BLK, D), lambda i: (0, i, 0))
_w_spec = pl.BlockSpec((D, D), lambda i: (0, 0))
_b_spec = pl.BlockSpec((D,), lambda i: (0,))
_out_struct = jax.ShapeDtypeStruct((N_NODES, D), jnp.float32)

_tc_b = pl.pallas_call(
    _tc_b_body, grid=(N_NODES // _BLK,),
    in_specs=[_row_spec, _w_spec, _deg_spec],
    out_specs=_row_spec, out_shape=_out_struct)

_tc_d = pl.pallas_call(
    _tc_d_body, grid=(N_NODES // _BLK,),
    in_specs=[_s_spec, _row_spec, _deg_spec, _w_spec, _b_spec],
    out_specs=_row_spec, out_shape=_out_struct)

_tc_f = pl.pallas_call(
    _tc_f_body, grid=(N_NODES // _BLK,),
    in_specs=[_s_spec, _row_spec, _deg_spec, _b_spec],
    out_specs=_row_spec, out_shape=_out_struct)


def kernel(x, edge_index, W1, b1, W2, b2):
    n_edges = edge_index.shape[1]
    src = edge_index[0].astype(jnp.int32)
    dst = edge_index[1].astype(jnp.int32)
    pad = E_PAD - n_edges
    pad_i = jnp.arange(pad, dtype=jnp.int32)
    src_tab = jnp.concatenate([src, pad_i % N_NODES]).reshape(NW, CPW, CHUNK)
    dst_tab = jnp.concatenate([dst, N_NODES + pad_i % N_DUMMY]).reshape(NW, CPW, CHUNK)

    degp = _deg_call()(dst_tab)
    h1p = _tc_b(x, W1, degp)
    s1 = _agg_call()(h1p, src_tab, dst_tab)
    h2p = _tc_d(s1, h1p, degp, W2, b1)
    s2 = _agg_call()(h2p, src_tab, dst_tab)
    return _tc_f(s2, h2p, degp, b2)

# --- scband reference (transcript-rebuilt; emitter-appended) ---
"""Pipeline reference for scband-custom-gnnmodel-28106265985597 (READ-ONLY COPY).

The authoritative reference and input builder live on the scoring server;
editing this copy changes nothing except your own understanding.
"""

import jax, jax.numpy as jnp
import numpy as np

N_NODES = 10000
N_EDGES = 320000
D_IN = 128
D_HID = 128
D_OUT = 128


def setup_inputs(seed: int = 0) -> dict:
    key = jax.random.key(seed)
    k1, k2, k3, k4, k5, k6 = jax.random.split(key, 6)
    x = jax.random.normal(k1, (N_NODES, D_IN), dtype=jnp.float32)
    edge_index = jax.random.randint(k2, (2, N_EDGES), 0, N_NODES, dtype=jnp.int64)
    # GCNConv parameters (Glorot-ish scaled normals)
    W1 = jax.random.normal(k3, (D_IN, D_HID), dtype=jnp.float32) * (1.0 / np.sqrt(D_IN))
    b1 = jnp.zeros((D_HID,), dtype=jnp.float32)
    W2 = jax.random.normal(k4, (D_HID, D_OUT), dtype=jnp.float32) * (1.0 / np.sqrt(D_HID))
    b2 = jnp.zeros((D_OUT,), dtype=jnp.float32)
    return {"x": x, "edge_index": edge_index, "W1": W1, "b1": b1, "W2": W2, "b2": b2}


def _gcn_conv(x, src, dst, W, b):
    # PyG GCNConv: add self-loops, symmetric normalization D^{-1/2} A_hat D^{-1/2} X W + b
    N = x.shape[0]
    deg = jnp.zeros((N,), dtype=x.dtype).at[dst].add(1.0)
    dinv = jnp.where(deg > 0, deg ** -0.5, 0.0)
    norm = dinv[src] * dinv[dst]
    h = x @ W
    msg = h[src] * norm[:, None]
    out = jnp.zeros((N, W.shape[1]), dtype=x.dtype).at[dst].add(msg)
    return out + b


def reference(x, edge_index, W1, b1, W2, b2):
    N = x.shape[0]
    loop = jnp.arange(N, dtype=edge_index.dtype)
    src = jnp.concatenate([edge_index[0], loop])
    dst = jnp.concatenate([edge_index[1], loop])
    h = _gcn_conv(x, src, dst, W1, b1)
    h = jax.nn.relu(h)
    h = _gcn_conv(h, src, dst, W2, b2)
    return jax.nn.log_softmax(h, axis=1)

if __name__ == "__main__":
    import jax
    _d = setup_inputs()
    print(jax.jit(kernel)(*tuple(_d.values())))

</pallas_src>

<mosaic_0001>
#map = affine_map<(d0, d1) -> (0, 0)>
#map1 = affine_map<(d0, d1) -> (0, 0, 0)>
module attributes {stable_mosaic.version = 14 : i64} {
  func.func @_agg_body(%arg0: i32, %arg1: i32, %arg2: memref<10000x128xf32, #tpu.memory_space<hbm>>, %arg3: memref<32x80x128xi32, #tpu.memory_space<hbm>>, %arg4: memref<32x80x128xi32, #tpu.memory_space<hbm>>, %arg5: memref<2x10240x128xf32, #tpu.memory_space<hbm>>, %arg6: memref<40x128xi32, #tpu.memory_space<vmem>>, %arg7: memref<40x128xi32, #tpu.memory_space<vmem>>, %arg8: memref<128x128xf32, #tpu.memory_space<vmem>>, %arg9: memref<128x128xf32, #tpu.memory_space<vmem>>, %arg10: memref<10240x128xf32, #tpu.memory_space<vmem_shared>>, %arg11: memref<!tpu.dma_semaphore, #tpu.memory_space<semaphore_mem>>, %arg12: memref<!tpu.dma_semaphore, #tpu.memory_space<semaphore_mem>>) attributes {dimension_semantics = [#tpu.dimension_semantics<core_parallel>, #tpu.dimension_semantics<subcore_parallel>], iteration_bounds = array<i64: 2, 16>, scalar_prefetch = 0 : i64, scratch_operands = 7 : i64, tpu.core_type = #tpu.core_type<sc_vector_subcore>, window_params = [{transform_indices = #map}, {transform_indices = #map1}, {transform_indices = #map1}, {transform_indices = #map1}]} {
    %mul3A = arith.constant 16 : i32
    %mul3A_0 = arith.muli %arg0, %mul3A : i32
    %add3A = arith.addi %mul3A_0, %arg1 : i32
    %broadcast_in_dim3A = arith.constant 0.000000e+00 : f32
    %broadcast_in_dim3A_1 = vector.broadcast %broadcast_in_dim3A : f32 to vector<16xf32>
    %scan3A = arith.constant 0 : i32
    %scan3A_2 = arith.constant 0 : i32
    %scan3A_3 = arith.constant 1024 : i32
    %scan3A_4 = arith.addi %scan3A_2, %scan3A_3 : i32
    %scan3A_5 = arith.constant 1 : i32
    %scan3A_6 = scf.for %scan3A_96 = %scan3A_2 to %scan3A_4 step %scan3A_5 iter_args(%scan3A_97 = %scan3A) -> (i32)  : i32 {
      %jit3A = arith.constant 8 : i32
      %div3A = arith.divsi %scan3A_96, %jit3A : i32
      %sign3A = arith.constant 0 : i32
      %sign3A_98 = arith.cmpi sgt, %scan3A_96, %sign3A : i32
      %sign3A_99 = arith.extui %sign3A_98 : i1 to i32
      %sign3A_100 = arith.constant 0 : i32
      %sign3A_101 = arith.cmpi slt, %scan3A_96, %sign3A_100 : i32
      %sign3A_102 = arith.extui %sign3A_101 : i1 to i32
      %sign3A_103 = arith.subi %sign3A_99, %sign3A_102 : i32
      %sign3A_104 = arith.constant 0 : i32
      %sign3A_105 = arith.cmpi sgt, %jit3A, %sign3A_104 : i32
      %sign3A_106 = arith.extui %sign3A_105 : i1 to i32
      %sign3A_107 = arith.constant 0 : i32
      %sign3A_108 = arith.cmpi slt, %jit3A, %sign3A_107 : i32
      %sign3A_109 = arith.extui %sign3A_108 : i1 to i32
      %sign3A_110 = arith.subi %sign3A_106, %sign3A_109 : i32
      %ne3A = arith.cmpi ne, %sign3A_103, %sign3A_110 : i32
      %rem3A = arith.remsi %scan3A_96, %jit3A : i32
      %ne3A_111 = arith.constant 0 : i32
      %ne3A_112 = arith.cmpi ne, %rem3A, %ne3A_111 : i32
      %and3A = arith.andi %ne3A, %ne3A_112 : i1
      %sub3A = arith.constant 1 : i32
      %sub3A_113 = arith.subi %div3A, %sub3A : i32
      %select_n3A = arith.select %and3A, %sub3A_113, %div3A : i32
      %jit3A_114 = arith.constant 8 : i32
      %eq3A = arith.constant 0 : i32
      %eq3A_115 = arith.cmpi eq, %jit3A_114, %eq3A : i32
      %jit3A_116 = arith.constant 1 : i32
      %select_n3A_117 = arith.select %eq3A_115, %jit3A_116, %jit3A_114 : i32
      %rem3A_118 = arith.remsi %scan3A_96, %select_n3A_117 : i32
      %ne3A_119 = arith.constant 0 : i32
      %ne3A_120 = arith.cmpi ne, %rem3A_118, %ne3A_119 : i32
      %lt3A = arith.constant 0 : i32
      %lt3A_121 = arith.cmpi slt, %rem3A_118, %lt3A : i32
      %lt3A_122 = arith.constant 0 : i32
      %lt3A_123 = arith.cmpi slt, %select_n3A_117, %lt3A_122 : i32
      %ne3A_124 = arith.xori %lt3A_121, %lt3A_123 : i1
      %and3A_125 = arith.andi %ne3A_124, %ne3A_120 : i1
      %add3A_126 = arith.addi %rem3A_118, %select_n3A_117 : i32
      %select_n3A_127 = arith.select %and3A_125, %add3A_126, %rem3A_118 : i32
      %mul3A_128 = arith.constant 16 : i32
      %mul3A_129 = arith.muli %select_n3A_127, %mul3A_128 : i32
      %swap3A = arith.index_cast %select_n3A : i32 to index
      %swap3A_130 = arith.index_cast %mul3A_129 : i32 to index
      %swap3A_131 = tpu.vector_load %arg8[%swap3A, %swap3A_130] {strides = array<i32>} : memref<128x128xf32, #tpu.memory_space<vmem>>, vector<1x16xf32>,
      %swap3A_132 = vector.shape_cast %swap3A_131 : vector<1x16xf32> to vector<16xf32>
      %swap3A_133 = vector.shape_cast %broadcast_in_dim3A_1 : vector<16xf32> to vector<1x16xf32>
      tpu.vector_store %arg8[%swap3A, %swap3A_130], %swap3A_133 {strides = array<i32>} : memref<128x128xf32, #tpu.memory_space<vmem>>, vector<1x16xf32>,
      %scan3A_134 = arith.constant 0 : i32
      scf.yield %scan3A_134 : i32
    }
    %scan3A_7 = arith.constant 1024 : i32
    %mul3A_8 = arith.constant 640 : i32
    %mul3A_9 = arith.muli %arg1, %mul3A_8 : i32
    %add3A_10 = arith.constant 0 : i32
    %add3A_11 = arith.addi %mul3A_9, %add3A_10 : i32
    "tpu.region"() ({
      %run_scoped3A = tpu.sem_alloc : memref<!tpu.dma_semaphore, #tpu.memory_space<semaphore_mem>>
      %dma_start3A_96 = arith.constant 0 : i32
      %dma_start3A_97 = tpu.memref_slice %arg10[%add3A_11, %dma_start3A_96] : memref<10240x128xf32, #tpu.memory_space<vmem_shared>> -> memref<128x128xf32, #tpu.memory_space<vmem_shared>>
      %dma_start3A_98 = arith.constant 0 : i32
      %dma_start3A_99 = tpu.memref_slice %arg10[%add3A_11, %dma_start3A_98] : memref<10240x128xf32, #tpu.memory_space<vmem_shared>> -> memref<128x128xf32, #tpu.memory_space<vmem_shared>>
      tpu.enqueue_dma source(%arg8 : memref<128x128xf32, #tpu.memory_space<vmem>>) target(%dma_start3A_99 : memref<128x128xf32, #tpu.memory_space<vmem_shared>>) target_semaphore(%run_scoped3A : memref<!tpu.dma_semaphore, #tpu.memory_space<semaphore_mem>>)
      %dma_wait3A = arith.constant 0 : i32
      %dma_wait3A_100 = tpu.memref_slice %arg10[%add3A_11, %dma_wait3A] : memref<10240x128xf32, #tpu.memory_space<vmem_shared>> -> memref<128x128xf32, #tpu.memory_space<vmem_shared>>
      %dma_wait3A_101 = arith.constant 0 : i32
      %dma_wait3A_102 = tpu.memref_slice %arg10[%add3A_11, %dma_wait3A_101] : memref<10240x128xf32, #tpu.memory_space<vmem_shared>> -> memref<128x128xf32, #tpu.memory_space<vmem_shared>>
      tpu.wait_dma2 semaphore(%run_scoped3A : memref<!tpu.dma_semaphore, #tpu.memory_space<semaphore_mem>>) src(%arg8 : memref<128x128xf32, #tpu.memory_space<vmem>>) dst(%dma_wait3A_102 : memref<128x128xf32, #tpu.memory_space<vmem_shared>>)
      tpu.yield
    }) : () -> ()
    %mul3A_12 = arith.constant 640 : i32
    %mul3A_13 = arith.muli %arg1, %mul3A_12 : i32
    %add3A_14 = arith.constant 128 : i32
    %add3A_15 = arith.addi %mul3A_13, %add3A_14 : i32
    "tpu.region"() ({
      %run_scoped3A = tpu.sem_alloc : memref<!tpu.dma_semaphore, #tpu.memory_space<semaphore_mem>>
      %dma_start3A_96 = arith.constant 0 : i32
      %dma_start3A_97 = tpu.memref_slice %arg10[%add3A_15, %dma_start3A_96] : memref<10240x128xf32, #tpu.memory_space<vmem_shared>> -> memref<128x128xf32, #tpu.memory_space<vmem_shared>>
      %dma_start3A_98 = arith.constant 0 : i32
      %dma_start3A_99 = tpu.memref_slice %arg10[%add3A_15, %dma_start3A_98] : memref<10240x128xf32, #tpu.memory_space<vmem_shared>> -> memref<128x128xf32, #tpu.memory_space<vmem_shared>>
      tpu.enqueue_dma source(%arg8 : memref<128x128xf32, #tpu.memory_space<vmem>>) target(%dma_start3A_99 : memref<128x128xf32, #tpu.memory_space<vmem_shared>>) target_semaphore(%run_scoped3A : memref<!tpu.dma_semaphore, #tpu.memory_space<semaphore_mem>>)
      %dma_wait3A = arith.constant 0 : i32
      %dma_wait3A_100 = tpu.memref_slice %arg10[%add3A_15, %dma_wait3A] : memref<10240x128xf32, #tpu.memory_space<vmem_shared>> -> memref<128x128xf32, #tpu.memory_space<vmem_shared>>
      %dma_wait3A_101 = arith.constant 0 : i32
      %dma_wait3A_102 = tpu.memref_slice %arg10[%add3A_15, %dma_wait3A_101] : memref<10240x128xf32, #tpu.memory_space<vmem_shared>> -> memref<128x128xf32, #tpu.memory_space<vmem_shared>>
      tpu.wait_dma2 semaphore(%run_scoped3A : memref<!tpu.dma_semaphore, #tpu.memory_space<semaphore_mem>>) src(%arg8 : memref<128x128xf32, #tpu.memory_space<vmem>>) dst(%dma_wait3A_102 : memref<128x128xf32, #tpu.memory_space<vmem_shared>>)
      tpu.yield
    }) : () -> ()
    %mul3A_16 = arith.constant 640 : i32
    %mul3A_17 = arith.muli %arg1, %mul3A_16 : i32
    %add3A_18 = arith.constant 256 : i32
    %add3A_19 = arith.addi %mul3A_17, %add3A_18 : i32
    "tpu.region"() ({
      %run_scoped3A = tpu.sem_alloc : memref<!tpu.dma_semaphore, #tpu.memory_space<semaphore_mem>>
      %dma_start3A_96 = arith.constant 0 : i32
      %dma_start3A_97 = tpu.memref_slice %arg10[%add3A_19, %dma_start3A_96] : memref<10240x128xf32, #tpu.memory_space<vmem_shared>> -> memref<128x128xf32, #tpu.memory_space<vmem_shared>>
      %dma_start3A_98 = arith.constant 0 : i32
      %dma_start3A_99 = tpu.memref_slice %arg10[%add3A_19, %dma_start3A_98] : memref<10240x128xf32, #tpu.memory_space<vmem_shared>> -> memref<128x128xf32, #tpu.memory_space<vmem_shared>>
      tpu.enqueue_dma source(%arg8 : memref<128x128xf32, #tpu.memory_space<vmem>>) target(%dma_start3A_99 : memref<128x128xf32, #tpu.memory_space<vmem_shared>>) target_semaphore(%run_scoped3A : memref<!tpu.dma_semaphore, #tpu.memory_space<semaphore_mem>>)
      %dma_wait3A = arith.constant 0 : i32
      %dma_wait3A_100 = tpu.memref_slice %arg10[%add3A_19, %dma_wait3A] : memref<10240x128xf32, #tpu.memory_space<vmem_shared>> -> memref<128x128xf32, #tpu.memory_space<vmem_shared>>
      %dma_wait3A_101 = arith.constant 0 : i32
      %dma_wait3A_102 = tpu.memref_slice %arg10[%add3A_19, %dma_wait3A_101] : memref<10240x128xf32, #tpu.memory_space<vmem_shared>> -> memref<128x128xf32, #tpu.memory_space<vmem_shared>>
      tpu.wait_dma2 semaphore(%run_scoped3A : memref<!tpu.dma_semaphore, #tpu.memory_space<semaphore_mem>>) src(%arg8 : memref<128x128xf32, #tpu.memory_space<vmem>>) dst(%dma_wait3A_102 : memref<128x128xf32, #tpu.memory_space<vmem_shared>>)
      tpu.yield
    }) : () -> ()
    %mul3A_20 = arith.constant 640 : i32
    %mul3A_21 = arith.muli %arg1, %mul3A_20 : i32
    %add3A_22 = arith.constant 384 : i32
    %add3A_23 = arith.addi %mul3A_21, %add3A_22 : i32
    "tpu.region"() ({
      %run_scoped3A = tpu.sem_alloc : memref<!tpu.dma_semaphore, #tpu.memory_space<semaphore_mem>>
      %dma_start3A_96 = arith.constant 0 : i32
      %dma_start3A_97 = tpu.memref_slice %arg10[%add3A_23, %dma_start3A_96] : memref<10240x128xf32, #tpu.memory_space<vmem_shared>> -> memref<128x128xf32, #tpu.memory_space<vmem_shared>>
      %dma_start3A_98 = arith.constant 0 : i32
      %dma_start3A_99 = tpu.memref_slice %arg10[%add3A_23, %dma_start3A_98] : memref<10240x128xf32, #tpu.memory_space<vmem_shared>> -> memref<128x128xf32, #tpu.memory_space<vmem_shared>>
      tpu.enqueue_dma source(%arg8 : memref<128x128xf32, #tpu.memory_space<vmem>>) target(%dma_start3A_99 : memref<128x128xf32, #tpu.memory_space<vmem_shared>>) target_semaphore(%run_scoped3A : memref<!tpu.dma_semaphore, #tpu.memory_space<semaphore_mem>>)
      %dma_wait3A = arith.constant 0 : i32
      %dma_wait3A_100 = tpu.memref_slice %arg10[%add3A_23, %dma_wait3A] : memref<10240x128xf32, #tpu.memory_space<vmem_shared>> -> memref<128x128xf32, #tpu.memory_space<vmem_shared>>
      %dma_wait3A_101 = arith.constant 0 : i32
      %dma_wait3A_102 = tpu.memref_slice %arg10[%add3A_23, %dma_wait3A_101] : memref<10240x128xf32, #tpu.memory_space<vmem_shared>> -> memref<128x128xf32, #tpu.memory_space<vmem_shared>>
      tpu.wait_dma2 semaphore(%run_scoped3A : memref<!tpu.dma_semaphore, #tpu.memory_space<semaphore_mem>>) src(%arg8 : memref<128x128xf32, #tpu.memory_space<vmem>>) dst(%dma_wait3A_102 : memref<128x128xf32, #tpu.memory_space<vmem_shared>>)
      tpu.yield
    }) : () -> ()
    %mul3A_24 = arith.constant 640 : i32
    %mul3A_25 = arith.muli %arg1, %mul3A_24 : i32
    %add3A_26 = arith.constant 512 : i32
    %add3A_27 = arith.addi %mul3A_25, %add3A_26 : i32
    "tpu.region"() ({
      %run_scoped3A = tpu.sem_alloc : memref<!tpu.dma_semaphore, #tpu.memory_space<semaphore_mem>>
      %dma_start3A_96 = arith.constant 0 : i32
      %dma_start3A_97 = tpu.memref_slice %arg10[%add3A_27, %dma_start3A_96] : memref<10240x128xf32, #tpu.memory_space<vmem_shared>> -> memref<128x128xf32, #tpu.memory_space<vmem_shared>>
      %dma_start3A_98 = arith.constant 0 : i32
      %dma_start3A_99 = tpu.memref_slice %arg10[%add3A_27, %dma_start3A_98] : memref<10240x128xf32, #tpu.memory_space<vmem_shared>> -> memref<128x128xf32, #tpu.memory_space<vmem_shared>>
      tpu.enqueue_dma source(%arg8 : memref<128x128xf32, #tpu.memory_space<vmem>>) target(%dma_start3A_99 : memref<128x128xf32, #tpu.memory_space<vmem_shared>>) target_semaphore(%run_scoped3A : memref<!tpu.dma_semaphore, #tpu.memory_space<semaphore_mem>>)
      %dma_wait3A = arith.constant 0 : i32
      %dma_wait3A_100 = tpu.memref_slice %arg10[%add3A_27, %dma_wait3A] : memref<10240x128xf32, #tpu.memory_space<vmem_shared>> -> memref<128x128xf32, #tpu.memory_space<vmem_shared>>
      %dma_wait3A_101 = arith.constant 0 : i32
      %dma_wait3A_102 = tpu.memref_slice %arg10[%add3A_27, %dma_wait3A_101] : memref<10240x128xf32, #tpu.memory_space<vmem_shared>> -> memref<128x128xf32, #tpu.memory_space<vmem_shared>>
      tpu.wait_dma2 semaphore(%run_scoped3A : memref<!tpu.dma_semaphore, #tpu.memory_space<semaphore_mem>>) src(%arg8 : memref<128x128xf32, #tpu.memory_space<vmem>>) dst(%dma_wait3A_102 : memref<128x128xf32, #tpu.memory_space<vmem_shared>>)
      tpu.yield
    }) : () -> ()
    %barrier3A = arith.constant 0 : index
    tpu.barrier barrier_id(%barrier3A)
    "tpu.region"() ({
      %run_scoped3A = tpu.sem_alloc : memref<!tpu.dma_semaphore, #tpu.memory_space<semaphore_mem>>
      %dma_start3A_96 = arith.constant 0 : i32
      %dma_start3A_97 = arith.constant 0 : i32
      %dma_start3A_98 = tpu.memref_slice %arg3[%add3A, %dma_start3A_96, %dma_start3A_97] : memref<32x80x128xi32, #tpu.memory_space<hbm>> -> memref<1x40x128xi32, #tpu.memory_space<hbm>>
      %dma_start3A_99 = tpu.memref_squeeze %dma_start3A_98 : memref<1x40x128xi32, #tpu.memory_space<hbm>> -> memref<40x128xi32, #tpu.memory_space<hbm>>
      %dma_start3A_100 = arith.constant 0 : i32
      %dma_start3A_101 = arith.constant 0 : i32
      %dma_start3A_102 = tpu.memref_slice %arg3[%add3A, %dma_start3A_100, %dma_start3A_101] : memref<32x80x128xi32, #tpu.memory_space<hbm>> -> memref<1x40x128xi32, #tpu.memory_space<hbm>>
      %dma_start3A_103 = tpu.memref_squeeze %dma_start3A_102 : memref<1x40x128xi32, #tpu.memory_space<hbm>> -> memref<40x128xi32, #tpu.memory_space<hbm>>
      tpu.enqueue_dma source(%dma_start3A_103 : memref<40x128xi32, #tpu.memory_space<hbm>>) target(%arg6 : memref<40x128xi32, #tpu.memory_space<vmem>>) target_semaphore(%run_scoped3A : memref<!tpu.dma_semaphore, #tpu.memory_space<semaphore_mem>>)
      %dma_wait3A = arith.constant 0 : i32
      %dma_wait3A_104 = arith.constant 0 : i32
      %dma_wait3A_105 = tpu.memref_slice %arg3[%add3A, %dma_wait3A, %dma_wait3A_104] : memref<32x80x128xi32, #tpu.memory_space<hbm>> -> memref<1x40x128xi32, #tpu.memory_space<hbm>>
      %dma_wait3A_106 = tpu.memref_squeeze %dma_wait3A_105 : memref<1x40x128xi32, #tpu.memory_space<hbm>> -> memref<40x128xi32, #tpu.memory_space<hbm>>
      %dma_wait3A_107 = arith.constant 0 : i32
      %dma_wait3A_108 = arith.constant 0 : i32
      %dma_wait3A_109 = tpu.memref_slice %arg3[%add3A, %dma_wait3A_107, %dma_wait3A_108] : memref<32x80x128xi32, #tpu.memory_space<hbm>> -> memref<1x40x128xi32, #tpu.memory_space<hbm>>
      %dma_wait3A_110 = tpu.memref_squeeze %dma_wait3A_109 : memref<1x40x128xi32, #tpu.memory_space<hbm>> -> memref<40x128xi32, #tpu.memory_space<hbm>>
      tpu.wait_dma2 semaphore(%run_scoped3A : memref<!tpu.dma_semaphore, #tpu.memory_space<semaphore_mem>>) src(%dma_wait3A_110 : memref<40x128xi32, #tpu.memory_space<hbm>>) dst(%arg6 : memref<40x128xi32, #tpu.memory_space<vmem>>)
      tpu.yield
    }) : () -> ()
    "tpu.region"() ({
      %run_scoped3A = tpu.sem_alloc : memref<!tpu.dma_semaphore, #tpu.memory_space<semaphore_mem>>
      %dma_start3A_96 = arith.constant 0 : i32
      %dma_start3A_97 = arith.constant 0 : i32
      %dma_start3A_98 = tpu.memref_slice %arg4[%add3A, %dma_start3A_96, %dma_start3A_97] : memref<32x80x128xi32, #tpu.memory_space<hbm>> -> memref<1x40x128xi32, #tpu.memory_space<hbm>>
      %dma_start3A_99 = tpu.memref_squeeze %dma_start3A_98 : memref<1x40x128xi32, #tpu.memory_space<hbm>> -> memref<40x128xi32, #tpu.memory_space<hbm>>
      %dma_start3A_100 = arith.constant 0 : i32
      %dma_start3A_101 = arith.constant 0 : i32
      %dma_start3A_102 = tpu.memref_slice %arg4[%add3A, %dma_start3A_100, %dma_start3A_101] : memref<32x80x128xi32, #tpu.memory_space<hbm>> -> memref<1x40x128xi32, #tpu.memory_space<hbm>>
      %dma_start3A_103 = tpu.memref_squeeze %dma_start3A_102 : memref<1x40x128xi32, #tpu.memory_space<hbm>> -> memref<40x128xi32, #tpu.memory_space<hbm>>
      tpu.enqueue_dma source(%dma_start3A_103 : memref<40x128xi32, #tpu.memory_space<hbm>>) target(%arg7 : memref<40x128xi32, #tpu.memory_space<vmem>>) target_semaphore(%run_scoped3A : memref<!tpu.dma_semaphore, #tpu.memory_space<semaphore_mem>>)
      %dma_wait3A = arith.constant 0 : i32
      %dma_wait3A_104 = arith.constant 0 : i32
      %dma_wait3A_105 = tpu.memref_slice %arg4[%add3A, %dma_wait3A, %dma_wait3A_104] : memref<32x80x128xi32, #tpu.memory_space<hbm>> -> memref<1x40x128xi32, #tpu.memory_space<hbm>>
      %dma_wait3A_106 = tpu.memref_squeeze %dma_wait3A_105 : memref<1x40x128xi32, #tpu.memory_space<hbm>> -> memref<40x128xi32, #tpu.memory_space<hbm>>
      %dma_wait3A_107 = arith.constant 0 : i32
      %dma_wait3A_108 = arith.constant 0 : i32
      %dma_wait3A_109 = tpu.memref_slice %arg4[%add3A, %dma_wait3A_107, %dma_wait3A_108] : memref<32x80x128xi32, #tpu.memory_space<hbm>> -> memref<1x40x128xi32, #tpu.memory_space<hbm>>
      %dma_wait3A_110 = tpu.memref_squeeze %dma_wait3A_109 : memref<1x40x128xi32, #tpu.memory_space<hbm>> -> memref<40x128xi32, #tpu.memory_space<hbm>>
      tpu.wait_dma2 semaphore(%run_scoped3A : memref<!tpu.dma_semaphore, #tpu.memory_space<semaphore_mem>>) src(%dma_wait3A_110 : memref<40x128xi32, #tpu.memory_space<hbm>>) dst(%arg7 : memref<40x128xi32, #tpu.memory_space<vmem>>)
      tpu.yield
    }) : () -> ()
    %dma_start3A = arith.constant 0 : i32
    %dma_start3A_28 = arith.constant 0 : i32
    %dma_start3A_29 = tpu.memref_slice %arg6[%dma_start3A, %dma_start3A_28] : memref<40x128xi32, #tpu.memory_space<vmem>> -> memref<1x128xi32, #tpu.memory_space<vmem>>
    %dma_start3A_30 = tpu.memref_squeeze %dma_start3A_29 : memref<1x128xi32, #tpu.memory_space<vmem>> -> memref<128xi32, #tpu.memory_space<vmem>>
    %dma_start3A_31 = arith.constant 0 : i32
    %dma_start3A_32 = arith.constant 0 : i32
    %dma_start3A_33 = tpu.memref_slice %arg2[%dma_start3A_31, %dma_start3A_32] : memref<10000x128xf32, #tpu.memory_space<hbm>> -> memref<10000x128xf32, #tpu.memory_space<hbm>>
    tpu.enqueue_indirect_dma source(%dma_start3A_33 : memref<10000x128xf32, #tpu.memory_space<hbm>>) target(%arg8 : memref<128x128xf32, #tpu.memory_space<vmem>>) offsets(%dma_start3A_30 : memref<128xi32, #tpu.memory_space<vmem>>) semaphore(%arg11 : memref<!tpu.dma_semaphore, #tpu.memory_space<semaphore_mem>>)
    %scan3A_34 = arith.constant 0 : i32
    %scan3A_35 = arith.constant 0 : i32
    %scan3A_36 = arith.constant 20 : i32
    %scan3A_37 = arith.addi %scan3A_35, %scan3A_36 : i32
    %scan3A_38 = arith.constant 1 : i32
    %scan3A_39 = scf.for %scan3A_96 = %scan3A_35 to %scan3A_37 step %scan3A_38 iter_args(%scan3A_97 = %scan3A_34) -> (i32)  : i32 {
      %mul3A_98 = arith.constant 2 : i32
      %mul3A_99 = arith.muli %mul3A_98, %scan3A_96 : i32
      %mul3A_100 = arith.constant 2 : i32
      %mul3A_101 = arith.muli %mul3A_100, %scan3A_96 : i32
      %add3A_102 = arith.constant 1 : i32
      %add3A_103 = arith.addi %mul3A_101, %add3A_102 : i32
      %dma_wait3A = arith.constant 0 : i32
      %dma_wait3A_104 = tpu.memref_slice %arg6[%mul3A_99, %dma_wait3A] : memref<40x128xi32, #tpu.memory_space<vmem>> -> memref<1x128xi32, #tpu.memory_space<vmem>>
      %dma_wait3A_105 = tpu.memref_squeeze %dma_wait3A_104 : memref<1x128xi32, #tpu.memory_space<vmem>> -> memref<128xi32, #tpu.memory_space<vmem>>
      %dma_wait3A_106 = arith.constant 0 : i32
      %dma_wait3A_107 = arith.constant 0 : i32
      %dma_wait3A_108 = tpu.memref_slice %arg2[%dma_wait3A_106, %dma_wait3A_107] : memref<10000x128xf32, #tpu.memory_space<hbm>> -> memref<10000x128xf32, #tpu.memory_space<hbm>>
      tpu.wait_indirect_dma semaphore(%arg11 : memref<!tpu.dma_semaphore, #tpu.memory_space<semaphore_mem>>) src(%dma_wait3A_108 : memref<10000x128xf32, #tpu.memory_space<hbm>>) dst(%arg8 : memref<128x128xf32, #tpu.memory_space<vmem>>)
      %dma_start3A_109 = arith.constant 0 : i32
      %dma_start3A_110 = tpu.memref_slice %arg6[%add3A_103, %dma_start3A_109] : memref<40x128xi32, #tpu.memory_space<vmem>> -> memref<1x128xi32, #tpu.memory_space<vmem>>
      %dma_start3A_111 = tpu.memref_squeeze %dma_start3A_110 : memref<1x128xi32, #tpu.memory_space<vmem>> -> memref<128xi32, #tpu.memory_space<vmem>>
      %dma_start3A_112 = arith.constant 0 : i32
      %dma_start3A_113 = arith.constant 0 : i32
      %dma_start3A_114 = tpu.memref_slice %arg2[%dma_start3A_112, %dma_start3A_113] : memref<10000x128xf32, #tpu.memory_space<hbm>> -> memref<10000x128xf32, #tpu.memory_space<hbm>>
      tpu.enqueue_indirect_dma source(%dma_start3A_114 : memref<10000x128xf32, #tpu.memory_space<hbm>>) target(%arg9 : memref<128x128xf32, #tpu.memory_space<vmem>>) offsets(%dma_start3A_111 : memref<128xi32, #tpu.memory_space<vmem>>) semaphore(%arg12 : memref<!tpu.dma_semaphore, #tpu.memory_space<semaphore_mem>>)
      "tpu.region"() ({
        %run_scoped3A = tpu.sem_alloc : memref<!tpu.dma_semaphore, #tpu.memory_space<semaphore_mem>>
        %dma_start3A_126 = arith.constant 0 : i32
        %dma_start3A_127 = tpu.memref_slice %arg7[%mul3A_99, %dma_start3A_126] : memref<40x128xi32, #tpu.memory_space<vmem>> -> memref<1x128xi32, #tpu.memory_space<vmem>>
        %dma_start3A_128 = tpu.memref_squeeze %dma_start3A_127 : memref<1x128xi32, #tpu.memory_space<vmem>> -> memref<128xi32, #tpu.memory_space<vmem>>
        %dma_start3A_129 = arith.constant 0 : i32
        %dma_start3A_130 = arith.constant 0 : i32
        %dma_start3A_131 = tpu.memref_slice %arg10[%dma_start3A_129, %dma_start3A_130] : memref<10240x128xf32, #tpu.memory_space<vmem_shared>> -> memref<10240x128xf32, #tpu.memory_space<vmem_shared>>
        tpu.enqueue_indirect_dma source(%arg8 : memref<128x128xf32, #tpu.memory_space<vmem>>) target(%dma_start3A_131 : memref<10240x128xf32, #tpu.memory_space<vmem_shared>>) offsets(%dma_start3A_128 : memref<128xi32, #tpu.memory_space<vmem>>) semaphore(%run_scoped3A : memref<!tpu.dma_semaphore, #tpu.memory_space<semaphore_mem>>) {add = true}
        %dma_wait3A_132 = arith.constant 0 : i32
        %dma_wait3A_133 = tpu.memref_slice %arg7[%mul3A_99, %dma_wait3A_132] : memref<40x128xi32, #tpu.memory_space<vmem>> -> memref<1x128xi32, #tpu.memory_space<vmem>>
        %dma_wait3A_134 = tpu.memref_squeeze %dma_wait3A_133 : memref<1x128xi32, #tpu.memory_space<vmem>> -> memref<128xi32, #tpu.memory_space<vmem>>
        %dma_wait3A_135 = arith.constant 0 : i32
        %dma_wait3A_136 = arith.constant 0 : i32
        %dma_wait3A_137 = tpu.memref_slice %arg10[%dma_wait3A_135, %dma_wait3A_136] : memref<10240x128xf32, #tpu.memory_space<vmem_shared>> -> memref<10240x128xf32, #tpu.memory_space<vmem_shared>>
        tpu.wait_indirect_dma semaphore(%run_scoped3A : memref<!tpu.dma_semaphore, #tpu.memory_space<semaphore_mem>>) src(%arg8 : memref<128x128xf32, #tpu.memory_space<vmem>>) dst(%dma_wait3A_137 : memref<10240x128xf32, #tpu.memory_space<vmem_shared>>)
        tpu.yield
      }) : () -> ()
      %dma_wait3A_115 = arith.constant 0 : i32
      %dma_wait3A_116 = tpu.memref_slice %arg6[%add3A_103, %dma_wait3A_115] : memref<40x128xi32, #tpu.memory_space<vmem>> -> memref<1x128xi32, #tpu.memory_space<vmem>>
      %dma_wait3A_117 = tpu.memref_squeeze %dma_wait3A_116 : memref<1x128xi32, #tpu.memory_space<vmem>> -> memref<128xi32, #tpu.memory_space<vmem>>
      %dma_wait3A_118 = arith.constant 0 : i32
      %dma_wait3A_119 = arith.constant 0 : i32
      %dma_wait3A_120 = tpu.memref_slice %arg2[%dma_wait3A_118, %dma_wait3A_119] : memref<10000x128xf32, #tpu.memory_space<hbm>> -> memref<10000x128xf32, #tpu.memory_space<hbm>>
      tpu.wait_indirect_dma semaphore(%arg12 : memref<!tpu.dma_semaphore, #tpu.memory_space<semaphore_mem>>) src(%dma_wait3A_120 : memref<10000x128xf32, #tpu.memory_space<hbm>>) dst(%arg9 : memref<128x128xf32, #tpu.memory_space<vmem>>)
      %add3A_121 = arith.constant 1 : i32
      %add3A_122 = arith.addi %add3A_103, %add3A_121 : i32
      %lt3A = arith.constant 40 : i32
      %lt3A_123 = arith.cmpi slt, %add3A_122, %lt3A : i32
      %convert_element_type3A = arith.extui %lt3A_123 : i1 to i32
      %cond3A = arith.constant 0 : i32
      %cond3A_124 = arith.cmpi ne, %convert_element_type3A, %cond3A : i32
      scf.if %cond3A_124 {
        %add3A_126 = arith.constant 1 : i32
        %add3A_127 = arith.addi %add3A_103, %add3A_126 : i32
        %dma_start3A_128 = arith.constant 0 : i32
        %dma_start3A_129 = tpu.memref_slice %arg6[%add3A_127, %dma_start3A_128] : memref<40x128xi32, #tpu.memory_space<vmem>> -> memref<1x128xi32, #tpu.memory_space<vmem>>
        %dma_start3A_130 = tpu.memref_squeeze %dma_start3A_129 : memref<1x128xi32, #tpu.memory_space<vmem>> -> memref<128xi32, #tpu.memory_space<vmem>>
        %dma_start3A_131 = arith.constant 0 : i32
        %dma_start3A_132 = arith.constant 0 : i32
        %dma_start3A_133 = tpu.memref_slice %arg2[%dma_start3A_131, %dma_start3A_132] : memref<10000x128xf32, #tpu.memory_space<hbm>> -> memref<10000x128xf32, #tpu.memory_space<hbm>>
        tpu.enqueue_indirect_dma source(%dma_start3A_133 : memref<10000x128xf32, #tpu.memory_space<hbm>>) target(%arg8 : memref<128x128xf32, #tpu.memory_space<vmem>>) offsets(%dma_start3A_130 : memref<128xi32, #tpu.memory_space<vmem>>) semaphore(%arg11 : memref<!tpu.dma_semaphore, #tpu.memory_space<semaphore_mem>>)
      } else {
      }
      "tpu.region"() ({
        %run_scoped3A = tpu.sem_alloc : memref<!tpu.dma_semaphore, #tpu.memory_space<semaphore_mem>>
        %dma_start3A_126 = arith.constant 0 : i32
        %dma_start3A_127 = tpu.memref_slice %arg7[%add3A_103, %dma_start3A_126] : memref<40x128xi32, #tpu.memory_space<vmem>> -> memref<1x128xi32, #tpu.memory_space<vmem>>
        %dma_start3A_128 = tpu.memref_squeeze %dma_start3A_127 : memref<1x128xi32, #tpu.memory_space<vmem>> -> memref<128xi32, #tpu.memory_space<vmem>>
        %dma_start3A_129 = arith.constant 0 : i32
        %dma_start3A_130 = arith.constant 0 : i32
        %dma_start3A_131 = tpu.memref_slice %arg10[%dma_start3A_129, %dma_start3A_130] : memref<10240x128xf32, #tpu.memory_space<vmem_shared>> -> memref<10240x128xf32, #tpu.memory_space<vmem_shared>>
        tpu.enqueue_indirect_dma source(%arg9 : memref<128x128xf32, #tpu.memory_space<vmem>>) target(%dma_start3A_131 : memref<10240x128xf32, #tpu.memory_space<vmem_shared>>) offsets(%dma_start3A_128 : memref<128xi32, #tpu.memory_space<vmem>>) semaphore(%run_scoped3A : memref<!tpu.dma_semaphore, #tpu.memory_space<semaphore_mem>>) {add = true}
        %dma_wait3A_132 = arith.constant 0 : i32
        %dma_wait3A_133 = tpu.memref_slice %arg7[%add3A_103, %dma_wait3A_132] : memref<40x128xi32, #tpu.memory_space<vmem>> -> memref<1x128xi32, #tpu.memory_space<vmem>>
        %dma_wait3A_134 = tpu.memref_squeeze %dma_wait3A_133 : memref<1x128xi32, #tpu.memory_space<vmem>> -> memref<128xi32, #tpu.memory_space<vmem>>
        %dma_wait3A_135 = arith.constant 0 : i32
        %dma_wait3A_136 = arith.constant 0 : i32
        %dma_wait3A_137 = tpu.memref_slice %arg10[%dma_wait3A_135, %dma_wait3A_136] : memref<10240x128xf32, #tpu.memory_space<vmem_shared>> -> memref<10240x128xf32, #tpu.memory_space<vmem_shared>>
        tpu.wait_indirect_dma semaphore(%run_scoped3A : memref<!tpu.dma_semaphore, #tpu.memory_space<semaphore_mem>>) src(%arg9 : memref<128x128xf32, #tpu.memory_space<vmem>>) dst(%dma_wait3A_137 : memref<10240x128xf32, #tpu.memory_space<vmem_shared>>)
        tpu.yield
      }) : () -> ()
      %scan3A_125 = arith.constant 0 : i32
      scf.yield %scan3A_125 : i32
    }
    %scan3A_40 = arith.constant 20 : i32
    "tpu.region"() ({
      %run_scoped3A = tpu.sem_alloc : memref<!tpu.dma_semaphore, #tpu.memory_space<semaphore_mem>>
      %dma_start3A_96 = arith.constant 40 : i32
      %dma_start3A_97 = arith.constant 0 : i32
      %dma_start3A_98 = tpu.memref_slice %arg3[%add3A, %dma_start3A_96, %dma_start3A_97] : memref<32x80x128xi32, #tpu.memory_space<hbm>> -> memref<1x40x128xi32, #tpu.memory_space<hbm>>
      %dma_start3A_99 = tpu.memref_squeeze %dma_start3A_98 : memref<1x40x128xi32, #tpu.memory_space<hbm>> -> memref<40x128xi32, #tpu.memory_space<hbm>>
      %dma_start3A_100 = arith.constant 40 : i32
      %dma_start3A_101 = arith.constant 0 : i32
      %dma_start3A_102 = tpu.memref_slice %arg3[%add3A, %dma_start3A_100, %dma_start3A_101] : memref<32x80x128xi32, #tpu.memory_space<hbm>> -> memref<1x40x128xi32, #tpu.memory_space<hbm>>
      %dma_start3A_103 = tpu.memref_squeeze %dma_start3A_102 : memref<1x40x128xi32, #tpu.memory_space<hbm>> -> memref<40x128xi32, #tpu.memory_space<hbm>>
      tpu.enqueue_dma source(%dma_start3A_103 : memref<40x128xi32, #tpu.memory_space<hbm>>) target(%arg6 : memref<40x128xi32, #tpu.memory_space<vmem>>) target_semaphore(%run_scoped3A : memref<!tpu.dma_semaphore, #tpu.memory_space<semaphore_mem>>)
      %dma_wait3A = arith.constant 40 : i32
      %dma_wait3A_104 = arith.constant 0 : i32
      %dma_wait3A_105 = tpu.memref_slice %arg3[%add3A, %dma_wait3A, %dma_wait3A_104] : memref<32x80x128xi32, #tpu.memory_space<hbm>> -> memref<1x40x128xi32, #tpu.memory_space<hbm>>
      %dma_wait3A_106 = tpu.memref_squeeze %dma_wait3A_105 : memref<1x40x128xi32, #tpu.memory_space<hbm>> -> memref<40x128xi32, #tpu.memory_space<hbm>>
      %dma_wait3A_107 = arith.constant 40 : i32
      %dma_wait3A_108 = arith.constant 0 : i32
      %dma_wait3A_109 = tpu.memref_slice %arg3[%add3A, %dma_wait3A_107, %dma_wait3A_108] : memref<32x80x128xi32, #tpu.memory_space<hbm>> -> memref<1x40x128xi32, #tpu.memory_space<hbm>>
      %dma_wait3A_110 = tpu.memref_squeeze %dma_wait3A_109 : memref<1x40x128xi32, #tpu.memory_space<hbm>> -> memref<40x128xi32, #tpu.memory_space<hbm>>
      tpu.wait_dma2 semaphore(%run_scoped3A : memref<!tpu.dma_semaphore, #tpu.memory_space<semaphore_mem>>) src(%dma_wait3A_110 : memref<40x128xi32, #tpu.memory_space<hbm>>) dst(%arg6 : memref<40x128xi32, #tpu.memory_space<vmem>>)
      tpu.yield
    }) : () -> ()
    "tpu.region"() ({
      %run_scoped3A = tpu.sem_alloc : memref<!tpu.dma_semaphore, #tpu.memory_space<semaphore_mem>>
      %dma_start3A_96 = arith.constant 40 : i32
      %dma_start3A_97 = arith.constant 0 : i32
      %dma_start3A_98 = tpu.memref_slice %arg4[%add3A, %dma_start3A_96, %dma_start3A_97] : memref<32x80x128xi32, #tpu.memory_space<hbm>> -> memref<1x40x128xi32, #tpu.memory_space<hbm>>
      %dma_start3A_99 = tpu.memref_squeeze %dma_start3A_98 : memref<1x40x128xi32, #tpu.memory_space<hbm>> -> memref<40x128xi32, #tpu.memory_space<hbm>>
      %dma_start3A_100 = arith.constant 40 : i32
      %dma_start3A_101 = arith.constant 0 : i32
      %dma_start3A_102 = tpu.memref_slice %arg4[%add3A, %dma_start3A_100, %dma_start3A_101] : memref<32x80x128xi32, #tpu.memory_space<hbm>> -> memref<1x40x128xi32, #tpu.memory_space<hbm>>
      %dma_start3A_103 = tpu.memref_squeeze %dma_start3A_102 : memref<1x40x128xi32, #tpu.memory_space<hbm>> -> memref<40x128xi32, #tpu.memory_space<hbm>>
      tpu.enqueue_dma source(%dma_start3A_103 : memref<40x128xi32, #tpu.memory_space<hbm>>) target(%arg7 : memref<40x128xi32, #tpu.memory_space<vmem>>) target_semaphore(%run_scoped3A : memref<!tpu.dma_semaphore, #tpu.memory_space<semaphore_mem>>)
      %dma_wait3A = arith.constant 40 : i32
      %dma_wait3A_104 = arith.constant 0 : i32
      %dma_wait3A_105 = tpu.memref_slice %arg4[%add3A, %dma_wait3A, %dma_wait3A_104] : memref<32x80x128xi32, #tpu.memory_space<hbm>> -> memref<1x40x128xi32, #tpu.memory_space<hbm>>
      %dma_wait3A_106 = tpu.memref_squeeze %dma_wait3A_105 : memref<1x40x128xi32, #tpu.memory_space<hbm>> -> memref<40x128xi32, #tpu.memory_space<hbm>>
      %dma_wait3A_107 = arith.constant 40 : i32
      %dma_wait3A_108 = arith.constant 0 : i32
      %dma_wait3A_109 = tpu.memref_slice %arg4[%add3A, %dma_wait3A_107, %dma_wait3A_108] : memref<32x80x128xi32, #tpu.memory_space<hbm>> -> memref<1x40x128xi32, #tpu.memory_space<hbm>>
      %dma_wait3A_110 = tpu.memref_squeeze %dma_wait3A_109 : memref<1x40x128xi32, #tpu.memory_space<hbm>> -> memref<40x128xi32, #tpu.memory_space<hbm>>
      tpu.wait_dma2 semaphore(%run_scoped3A : memref<!tpu.dma_semaphore, #tpu.memory_space<semaphore_mem>>) src(%dma_wait3A_110 : memref<40x128xi32, #tpu.memory_space<hbm>>) dst(%arg7 : memref<40x128xi32, #tpu.memory_space<vmem>>)
      tpu.yield
    }) : () -> ()
    %dma_start3A_41 = arith.constant 0 : i32
    %dma_start3A_42 = arith.constant 0 : i32
    %dma_start3A_43 = tpu.memref_slice %arg6[%dma_start3A_41, %dma_start3A_42] : memref<40x128xi32, #tpu.memory_space<vmem>> -> memref<1x128xi32, #tpu.memory_space<vmem>>
    %dma_start3A_44 = tpu.memref_squeeze %dma_start3A_43 : memref<1x128xi32, #tpu.memory_space<vmem>> -> memref<128xi32, #tpu.memory_space<vmem>>
    %dma_start3A_45 = arith.constant 0 : i32
    %dma_start3A_46 = arith.constant 0 : i32
    %dma_start3A_47 = tpu.memref_slice %arg2[%dma_start3A_45, %dma_start3A_46] : memref<10000x128xf32, #tpu.memory_space<hbm>> -> memref<10000x128xf32, #tpu.memory_space<hbm>>
    tpu.enqueue_indirect_dma source(%dma_start3A_47 : memref<10000x128xf32, #tpu.memory_space<hbm>>) target(%arg8 : memref<128x128xf32, #tpu.memory_space<vmem>>) offsets(%dma_start3A_44 : memref<128xi32, #tpu.memory_space<vmem>>) semaphore(%arg11 : memref<!tpu.dma_semaphore, #tpu.memory_space<semaphore_mem>>)
    %scan3A_48 = arith.constant 0 : i32
    %scan3A_49 = arith.constant 0 : i32
    %scan3A_50 = arith.constant 20 : i32
    %scan3A_51 = arith.addi %scan3A_49, %scan3A_50 : i32
    %scan3A_52 = arith.constant 1 : i32
    %scan3A_53 = scf.for %scan3A_96 = %scan3A_49 to %scan3A_51 step %scan3A_52 iter_args(%scan3A_97 = %scan3A_48) -> (i32)  : i32 {
      %mul3A_98 = arith.constant 2 : i32
      %mul3A_99 = arith.muli %mul3A_98, %scan3A_96 : i32
      %mul3A_100 = arith.constant 2 : i32
      %mul3A_101 = arith.muli %mul3A_100, %scan3A_96 : i32
      %add3A_102 = arith.constant 1 : i32
      %add3A_103 = arith.addi %mul3A_101, %add3A_102 : i32
      %dma_wait3A = arith.constant 0 : i32
      %dma_wait3A_104 = tpu.memref_slice %arg6[%mul3A_99, %dma_wait3A] : memref<40x128xi32, #tpu.memory_space<vmem>> -> memref<1x128xi32, #tpu.memory_space<vmem>>
      %dma_wait3A_105 = tpu.memref_squeeze %dma_wait3A_104 : memref<1x128xi32, #tpu.memory_space<vmem>> -> memref<128xi32, #tpu.memory_space<vmem>>
      %dma_wait3A_106 = arith.constant 0 : i32
      %dma_wait3A_107 = arith.constant 0 : i32
      %dma_wait3A_108 = tpu.memref_slice %arg2[%dma_wait3A_106, %dma_wait3A_107] : memref<10000x128xf32, #tpu.memory_space<hbm>> -> memref<10000x128xf32, #tpu.memory_space<hbm>>
      tpu.wait_indirect_dma semaphore(%arg11 : memref<!tpu.dma_semaphore, #tpu.memory_space<semaphore_mem>>) src(%dma_wait3A_108 : memref<10000x128xf32, #tpu.memory_space<hbm>>) dst(%arg8 : memref<128x128xf32, #tpu.memory_space<vmem>>)
      %dma_start3A_109 = arith.constant 0 : i32
      %dma_start3A_110 = tpu.memref_slice %arg6[%add3A_103, %dma_start3A_109] : memref<40x128xi32, #tpu.memory_space<vmem>> -> memref<1x128xi32, #tpu.memory_space<vmem>>
      %dma_start3A_111 = tpu.memref_squeeze %dma_start3A_110 : memref<1x128xi32, #tpu.memory_space<vmem>> -> memref<128xi32, #tpu.memory_space<vmem>>
      %dma_start3A_112 = arith.constant 0 : i32
      %dma_start3A_113 = arith.constant 0 : i32
      %dma_start3A_114 = tpu.memref_slice %arg2[%dma_start3A_112, %dma_start3A_113] : memref<10000x128xf32, #tpu.memory_space<hbm>> -> memref<10000x128xf32, #tpu.memory_space<hbm>>
      tpu.enqueue_indirect_dma source(%dma_start3A_114 : memref<10000x128xf32, #tpu.memory_space<hbm>>) target(%arg9 : memref<128x128xf32, #tpu.memory_space<vmem>>) offsets(%dma_start3A_111 : memref<128xi32, #tpu.memory_space<vmem>>) semaphore(%arg12 : memref<!tpu.dma_semaphore, #tpu.memory_space<semaphore_mem>>)
      "tpu.region"() ({
        %run_scoped3A = tpu.sem_alloc : memref<!tpu.dma_semaphore, #tpu.memory_space<semaphore_mem>>
        %dma_start3A_126 = arith.constant 0 : i32
        %dma_start3A_127 = tpu.memref_slice %arg7[%mul3A_99, %dma_start3A_126] : memref<40x128xi32, #tpu.memory_space<vmem>> -> memref<1x128xi32, #tpu.memory_space<vmem>>
        %dma_start3A_128 = tpu.memref_squeeze %dma_start3A_127 : memref<1x128xi32, #tpu.memory_space<vmem>> -> memref<128xi32, #tpu.memory_space<vmem>>
        %dma_start3A_129 = arith.constant 0 : i32
        %dma_start3A_130 = arith.constant 0 : i32
        %dma_start3A_131 = tpu.memref_slice %arg10[%dma_start3A_129, %dma_start3A_130] : memref<10240x128xf32, #tpu.memory_space<vmem_shared>> -> memref<10240x128xf32, #tpu.memory_space<vmem_shared>>
        tpu.enqueue_indirect_dma source(%arg8 : memref<128x128xf32, #tpu.memory_space<vmem>>) target(%dma_start3A_131 : memref<10240x128xf32, #tpu.memory_space<vmem_shared>>) offsets(%dma_start3A_128 : memref<128xi32, #tpu.memory_space<vmem>>) semaphore(%run_scoped3A : memref<!tpu.dma_semaphore, #tpu.memory_space<semaphore_mem>>) {add = true}
        %dma_wait3A_132 = arith.constant 0 : i32
        %dma_wait3A_133 = tpu.memref_slice %arg7[%mul3A_99, %dma_wait3A_132] : memref<40x128xi32, #tpu.memory_space<vmem>> -> memref<1x128xi32, #tpu.memory_space<vmem>>
        %dma_wait3A_134 = tpu.memref_squeeze %dma_wait3A_133 : memref<1x128xi32, #tpu.memory_space<vmem>> -> memref<128xi32, #tpu.memory_space<vmem>>
        %dma_wait3A_135 = arith.constant 0 : i32
        %dma_wait3A_136 = arith.constant 0 : i32
        %dma_wait3A_137 = tpu.memref_slice %arg10[%dma_wait3A_135, %dma_wait3A_136] : memref<10240x128xf32, #tpu.memory_space<vmem_shared>> -> memref<10240x128xf32, #tpu.memory_space<vmem_shared>>
        tpu.wait_indirect_dma semaphore(%run_scoped3A : memref<!tpu.dma_semaphore, #tpu.memory_space<semaphore_mem>>) src(%arg8 : memref<128x128xf32, #tpu.memory_space<vmem>>) dst(%dma_wait3A_137 : memref<10240x128xf32, #tpu.memory_space<vmem_shared>>)
        tpu.yield
      }) : () -> ()
      %dma_wait3A_115 = arith.constant 0 : i32
      %dma_wait3A_116 = tpu.memref_slice %arg6[%add3A_103, %dma_wait3A_115] : memref<40x128xi32, #tpu.memory_space<vmem>> -> memref<1x128xi32, #tpu.memory_space<vmem>>
      %dma_wait3A_117 = tpu.memref_squeeze %dma_wait3A_116 : memref<1x128xi32, #tpu.memory_space<vmem>> -> memref<128xi32, #tpu.memory_space<vmem>>
      %dma_wait3A_118 = arith.constant 0 : i32
      %dma_wait3A_119 = arith.constant 0 : i32
      %dma_wait3A_120 = tpu.memref_slice %arg2[%dma_wait3A_118, %dma_wait3A_119] : memref<10000x128xf32, #tpu.memory_space<hbm>> -> memref<10000x128xf32, #tpu.memory_space<hbm>>
      tpu.wait_indirect_dma semaphore(%arg12 : memref<!tpu.dma_semaphore, #tpu.memory_space<semaphore_mem>>) src(%dma_wait3A_120 : memref<10000x128xf32, #tpu.memory_space<hbm>>) dst(%arg9 : memref<128x128xf32, #tpu.memory_space<vmem>>)
      %add3A_121 = arith.constant 1 : i32
      %add3A_122 = arith.addi %add3A_103, %add3A_121 : i32
      %lt3A = arith.constant 40 : i32
      %lt3A_123 = arith.cmpi slt, %add3A_122, %lt3A : i32
      %convert_element_type3A = arith.extui %lt3A_123 : i1 to i32
      %cond3A = arith.constant 0 : i32
      %cond3A_124 = arith.cmpi ne, %convert_element_type3A, %cond3A : i32
      scf.if %cond3A_124 {
        %add3A_126 = arith.constant 1 : i32
        %add3A_127 = arith.addi %add3A_103, %add3A_126 : i32
        %dma_start3A_128 = arith.constant 0 : i32
        %dma_start3A_129 = tpu.memref_slice %arg6[%add3A_127, %dma_start3A_128] : memref<40x128xi32, #tpu.memory_space<vmem>> -> memref<1x128xi32, #tpu.memory_space<vmem>>
        %dma_start3A_130 = tpu.memref_squeeze %dma_start3A_129 : memref<1x128xi32, #tpu.memory_space<vmem>> -> memref<128xi32, #tpu.memory_space<vmem>>
        %dma_start3A_131 = arith.constant 0 : i32
        %dma_start3A_132 = arith.constant 0 : i32
        %dma_start3A_133 = tpu.memref_slice %arg2[%dma_start3A_131, %dma_start3A_132] : memref<10000x128xf32, #tpu.memory_space<hbm>> -> memref<10000x128xf32, #tpu.memory_space<hbm>>
        tpu.enqueue_indirect_dma source(%dma_start3A_133 : memref<10000x128xf32, #tpu.memory_space<hbm>>) target(%arg8 : memref<128x128xf32, #tpu.memory_space<vmem>>) offsets(%dma_start3A_130 : memref<128xi32, #tpu.memory_space<vmem>>) semaphore(%arg11 : memref<!tpu.dma_semaphore, #tpu.memory_space<semaphore_mem>>)
      } else {
      }
      "tpu.region"() ({
        %run_scoped3A = tpu.sem_alloc : memref<!tpu.dma_semaphore, #tpu.memory_space<semaphore_mem>>
        %dma_start3A_126 = arith.constant 0 : i32
        %dma_start3A_127 = tpu.memref_slice %arg7[%add3A_103, %dma_start3A_126] : memref<40x128xi32, #tpu.memory_space<vmem>> -> memref<1x128xi32, #tpu.memory_space<vmem>>
        %dma_start3A_128 = tpu.memref_squeeze %dma_start3A_127 : memref<1x128xi32, #tpu.memory_space<vmem>> -> memref<128xi32, #tpu.memory_space<vmem>>
        %dma_start3A_129 = arith.constant 0 : i32
        %dma_start3A_130 = arith.constant 0 : i32
        %dma_start3A_131 = tpu.memref_slice %arg10[%dma_start3A_129, %dma_start3A_130] : memref<10240x128xf32, #tpu.memory_space<vmem_shared>> -> memref<10240x128xf32, #tpu.memory_space<vmem_shared>>
        tpu.enqueue_indirect_dma source(%arg9 : memref<128x128xf32, #tpu.memory_space<vmem>>) target(%dma_start3A_131 : memref<10240x128xf32, #tpu.memory_space<vmem_shared>>) offsets(%dma_start3A_128 : memref<128xi32, #tpu.memory_space<vmem>>) semaphore(%run_scoped3A : memref<!tpu.dma_semaphore, #tpu.memory_space<semaphore_mem>>) {add = true}
        %dma_wait3A_132 = arith.constant 0 : i32
        %dma_wait3A_133 = tpu.memref_slice %arg7[%add3A_103, %dma_wait3A_132] : memref<40x128xi32, #tpu.memory_space<vmem>> -> memref<1x128xi32, #tpu.memory_space<vmem>>
        %dma_wait3A_134 = tpu.memref_squeeze %dma_wait3A_133 : memref<1x128xi32, #tpu.memory_space<vmem>> -> memref<128xi32, #tpu.memory_space<vmem>>
        %dma_wait3A_135 = arith.constant 0 : i32
        %dma_wait3A_136 = arith.constant 0 : i32
        %dma_wait3A_137 = tpu.memref_slice %arg10[%dma_wait3A_135, %dma_wait3A_136] : memref<10240x128xf32, #tpu.memory_space<vmem_shared>> -> memref<10240x128xf32, #tpu.memory_space<vmem_shared>>
        tpu.wait_indirect_dma semaphore(%run_scoped3A : memref<!tpu.dma_semaphore, #tpu.memory_space<semaphore_mem>>) src(%arg9 : memref<128x128xf32, #tpu.memory_space<vmem>>) dst(%dma_wait3A_137 : memref<10240x128xf32, #tpu.memory_space<vmem_shared>>)
        tpu.yield
      }) : () -> ()
      %scan3A_125 = arith.constant 0 : i32
      scf.yield %scan3A_125 : i32
    }
    %scan3A_54 = arith.constant 20 : i32
    %barrier3A_55 = arith.constant 0 : index
    tpu.barrier barrier_id(%barrier3A_55)
    %mul3A_56 = arith.constant 640 : i32
    %mul3A_57 = arith.muli %arg1, %mul3A_56 : i32
    %add3A_58 = arith.constant 0 : i32
    %add3A_59 = arith.addi %mul3A_57, %add3A_58 : i32
    %mul3A_60 = arith.constant 640 : i32
    %mul3A_61 = arith.muli %arg1, %mul3A_60 : i32
    %add3A_62 = arith.constant 0 : i32
    %add3A_63 = arith.addi %mul3A_61, %add3A_62 : i32
    "tpu.region"() ({
      %run_scoped3A = tpu.sem_alloc : memref<!tpu.dma_semaphore, #tpu.memory_space<semaphore_mem>>
      %dma_start3A_96 = arith.constant 0 : i32
      %dma_start3A_97 = tpu.memref_slice %arg5[%arg0, %add3A_63, %dma_start3A_96] : memref<2x10240x128xf32, #tpu.memory_space<hbm>> -> memref<1x128x128xf32, #tpu.memory_space<hbm>>
      %dma_start3A_98 = tpu.memref_squeeze %dma_start3A_97 : memref<1x128x128xf32, #tpu.memory_space<hbm>> -> memref<128x128xf32, #tpu.memory_space<hbm>>
      %dma_start3A_99 = arith.constant 0 : i32
      %dma_start3A_100 = tpu.memref_slice %arg10[%add3A_59, %dma_start3A_99] : memref<10240x128xf32, #tpu.memory_space<vmem_shared>> -> memref<128x128xf32, #tpu.memory_space<vmem_shared>>
      tpu.enqueue_dma source(%dma_start3A_100 : memref<128x128xf32, #tpu.memory_space<vmem_shared>>) target(%dma_start3A_98 : memref<128x128xf32, #tpu.memory_space<hbm>>) target_semaphore(%run_scoped3A : memref<!tpu.dma_semaphore, #tpu.memory_space<semaphore_mem>>)
      %dma_wait3A = arith.constant 0 : i32
      %dma_wait3A_101 = tpu.memref_slice %arg5[%arg0, %add3A_63, %dma_wait3A] : memref<2x10240x128xf32, #tpu.memory_space<hbm>> -> memref<1x128x128xf32, #tpu.memory_space<hbm>>
      %dma_wait3A_102 = tpu.memref_squeeze %dma_wait3A_101 : memref<1x128x128xf32, #tpu.memory_space<hbm>> -> memref<128x128xf32, #tpu.memory_space<hbm>>
      %dma_wait3A_103 = arith.constant 0 : i32
      %dma_wait3A_104 = tpu.memref_slice %arg10[%add3A_59, %dma_wait3A_103] : memref<10240x128xf32, #tpu.memory_space<vmem_shared>> -> memref<128x128xf32, #tpu.memory_space<vmem_shared>>
      tpu.wait_dma2 semaphore(%run_scoped3A : memref<!tpu.dma_semaphore, #tpu.memory_space<semaphore_mem>>) src(%dma_wait3A_104 : memref<128x128xf32, #tpu.memory_space<vmem_shared>>) dst(%dma_wait3A_102 : memref<128x128xf32, #tpu.memory_space<hbm>>)
      tpu.yield
    }) : () -> ()
    %mul3A_64 = arith.constant 640 : i32
    %mul3A_65 = arith.muli %arg1, %mul3A_64 : i32
    %add3A_66 = arith.constant 128 : i32
    %add3A_67 = arith.addi %mul3A_65, %add3A_66 : i32
    %mul3A_68 = arith.constant 640 : i32
    %mul3A_69 = arith.muli %arg1, %mul3A_68 : i32
    %add3A_70 = arith.constant 128 : i32
    %add3A_71 = arith.addi %mul3A_69, %add3A_70 : i32
    "tpu.region"() ({
      %run_scoped3A = tpu.sem_alloc : memref<!tpu.dma_semaphore, #tpu.memory_space<semaphore_mem>>
      %dma_start3A_96 = arith.constant 0 : i32
      %dma_start3A_97 = tpu.memref_slice %arg5[%arg0, %add3A_71, %dma_start3A_96] : memref<2x10240x128xf32, #tpu.memory_space<hbm>> -> memref<1x128x128xf32, #tpu.memory_space<hbm>>
      %dma_start3A_98 = tpu.memref_squeeze %dma_start3A_97 : memref<1x128x128xf32, #tpu.memory_space<hbm>> -> memref<128x128xf32, #tpu.memory_space<hbm>>
      %dma_start3A_99 = arith.constant 0 : i32
      %dma_start3A_100 = tpu.memref_slice %arg10[%add3A_67, %dma_start3A_99] : memref<10240x128xf32, #tpu.memory_space<vmem_shared>> -> memref<128x128xf32, #tpu.memory_space<vmem_shared>>
      tpu.enqueue_dma source(%dma_start3A_100 : memref<128x128xf32, #tpu.memory_space<vmem_shared>>) target(%dma_start3A_98 : memref<128x128xf32, #tpu.memory_space<hbm>>) target_semaphore(%run_scoped3A : memref<!tpu.dma_semaphore, #tpu.memory_space<semaphore_mem>>)
      %dma_wait3A = arith.constant 0 : i32
      %dma_wait3A_101 = tpu.memref_slice %arg5[%arg0, %add3A_71, %dma_wait3A] : memref<2x10240x128xf32, #tpu.memory_space<hbm>> -> memref<1x128x128xf32, #tpu.memory_space<hbm>>
      %dma_wait3A_102 = tpu.memref_squeeze %dma_wait3A_101 : memref<1x128x128xf32, #tpu.memory_space<hbm>> -> memref<128x128xf32, #tpu.memory_space<hbm>>
      %dma_wait3A_103 = arith.constant 0 : i32
      %dma_wait3A_104 = tpu.memref_slice %arg10[%add3A_67, %dma_wait3A_103] : memref<10240x128xf32, #tpu.memory_space<vmem_shared>> -> memref<128x128xf32, #tpu.memory_space<vmem_shared>>
      tpu.wait_dma2 semaphore(%run_scoped3A : memref<!tpu.dma_semaphore, #tpu.memory_space<semaphore_mem>>) src(%dma_wait3A_104 : memref<128x128xf32, #tpu.memory_space<vmem_shared>>) dst(%dma_wait3A_102 : memref<128x128xf32, #tpu.memory_space<hbm>>)
      tpu.yield
    }) : () -> ()
    %mul3A_72 = arith.constant 640 : i32
    %mul3A_73 = arith.muli %arg1, %mul3A_72 : i32
    %add3A_74 = arith.constant 256 : i32
    %add3A_75 = arith.addi %mul3A_73, %add3A_74 : i32
    %mul3A_76 = arith.constant 640 : i32
    %mul3A_77 = arith.muli %arg1, %mul3A_76 : i32
    %add3A_78 = arith.constant 256 : i32
    %add3A_79 = arith.addi %mul3A_77, %add3A_78 : i32
    "tpu.region"() ({
      %run_scoped3A = tpu.sem_alloc : memref<!tpu.dma_semaphore, #tpu.memory_space<semaphore_mem>>
      %dma_start3A_96 = arith.constant 0 : i32
      %dma_start3A_97 = tpu.memref_slice %arg5[%arg0, %add3A_79, %dma_start3A_96] : memref<2x10240x128xf32, #tpu.memory_space<hbm>> -> memref<1x128x128xf32, #tpu.memory_space<hbm>>
      %dma_start3A_98 = tpu.memref_squeeze %dma_start3A_97 : memref<1x128x128xf32, #tpu.memory_space<hbm>> -> memref<128x128xf32, #tpu.memory_space<hbm>>
      %dma_start3A_99 = arith.constant 0 : i32
      %dma_start3A_100 = tpu.memref_slice %arg10[%add3A_75, %dma_start3A_99] : memref<10240x128xf32, #tpu.memory_space<vmem_shared>> -> memref<128x128xf32, #tpu.memory_space<vmem_shared>>
      tpu.enqueue_dma source(%dma_start3A_100 : memref<128x128xf32, #tpu.memory_space<vmem_shared>>) target(%dma_start3A_98 : memref<128x128xf32, #tpu.memory_space<hbm>>) target_semaphore(%run_scoped3A : memref<!tpu.dma_semaphore, #tpu.memory_space<semaphore_mem>>)
      %dma_wait3A = arith.constant 0 : i32
      %dma_wait3A_101 = tpu.memref_slice %arg5[%arg0, %add3A_79, %dma_wait3A] : memref<2x10240x128xf32, #tpu.memory_space<hbm>> -> memref<1x128x128xf32, #tpu.memory_space<hbm>>
      %dma_wait3A_102 = tpu.memref_squeeze %dma_wait3A_101 : memref<1x128x128xf32, #tpu.memory_space<hbm>> -> memref<128x128xf32, #tpu.memory_space<hbm>>
      %dma_wait3A_103 = arith.constant 0 : i32
      %dma_wait3A_104 = tpu.memref_slice %arg10[%add3A_75, %dma_wait3A_103] : memref<10240x128xf32, #tpu.memory_space<vmem_shared>> -> memref<128x128xf32, #tpu.memory_space<vmem_shared>>
      tpu.wait_dma2 semaphore(%run_scoped3A : memref<!tpu.dma_semaphore, #tpu.memory_space<semaphore_mem>>) src(%dma_wait3A_104 : memref<128x128xf32, #tpu.memory_space<vmem_shared>>) dst(%dma_wait3A_102 : memref<128x128xf32, #tpu.memory_space<hbm>>)
      tpu.yield
    }) : () -> ()
    %mul3A_80 = arith.constant 640 : i32
    %mul3A_81 = arith.muli %arg1, %mul3A_80 : i32
    %add3A_82 = arith.constant 384 : i32
    %add3A_83 = arith.addi %mul3A_81, %add3A_82 : i32
    %mul3A_84 = arith.constant 640 : i32
    %mul3A_85 = arith.muli %arg1, %mul3A_84 : i32
    %add3A_86 = arith.constant 384 : i32
    %add3A_87 = arith.addi %mul3A_85, %add3A_86 : i32
    "tpu.region"() ({
      %run_scoped3A = tpu.sem_alloc : memref<!tpu.dma_semaphore, #tpu.memory_space<semaphore_mem>>
      %dma_start3A_96 = arith.constant 0 : i32
      %dma_start3A_97 = tpu.memref_slice %arg5[%arg0, %add3A_87, %dma_start3A_96] : memref<2x10240x128xf32, #tpu.memory_space<hbm>> -> memref<1x128x128xf32, #tpu.memory_space<hbm>>
      %dma_start3A_98 = tpu.memref_squeeze %dma_start3A_97 : memref<1x128x128xf32, #tpu.memory_space<hbm>> -> memref<128x128xf32, #tpu.memory_space<hbm>>
      %dma_start3A_99 = arith.constant 0 : i32
      %dma_start3A_100 = tpu.memref_slice %arg10[%add3A_83, %dma_start3A_99] : memref<10240x128xf32, #tpu.memory_space<vmem_shared>> -> memref<128x128xf32, #tpu.memory_space<vmem_shared>>
      tpu.enqueue_dma source(%dma_start3A_100 : memref<128x128xf32, #tpu.memory_space<vmem_shared>>) target(%dma_start3A_98 : memref<128x128xf32, #tpu.memory_space<hbm>>) target_semaphore(%run_scoped3A : memref<!tpu.dma_semaphore, #tpu.memory_space<semaphore_mem>>)
      %dma_wait3A = arith.constant 0 : i32
      %dma_wait3A_101 = tpu.memref_slice %arg5[%arg0, %add3A_87, %dma_wait3A] : memref<2x10240x128xf32, #tpu.memory_space<hbm>> -> memref<1x128x128xf32, #tpu.memory_space<hbm>>
      %dma_wait3A_102 = tpu.memref_squeeze %dma_wait3A_101 : memref<1x128x128xf32, #tpu.memory_space<hbm>> -> memref<128x128xf32, #tpu.memory_space<hbm>>
      %dma_wait3A_103 = arith.constant 0 : i32
      %dma_wait3A_104 = tpu.memref_slice %arg10[%add3A_83, %dma_wait3A_103] : memref<10240x128xf32, #tpu.memory_space<vmem_shared>> -> memref<128x128xf32, #tpu.memory_space<vmem_shared>>
      tpu.wait_dma2 semaphore(%run_scoped3A : memref<!tpu.dma_semaphore, #tpu.memory_space<semaphore_mem>>) src(%dma_wait3A_104 : memref<128x128xf32, #tpu.memory_space<vmem_shared>>) dst(%dma_wait3A_102 : memref<128x128xf32, #tpu.memory_space<hbm>>)
      tpu.yield
    }) : () -> ()
    %mul3A_88 = arith.constant 640 : i32
    %mul3A_89 = arith.muli %arg1, %mul3A_88 : i32
    %add3A_90 = arith.constant 512 : i32
    %add3A_91 = arith.addi %mul3A_89, %add3A_90 : i32
    %mul3A_92 = arith.constant 640 : i32
    %mul3A_93 = arith.muli %arg1, %mul3A_92 : i32
    %add3A_94 = arith.constant 512 : i32
    %add3A_95 = arith.addi %mul3A_93, %add3A_94 : i32
    "tpu.region"() ({
      %run_scoped3A = tpu.sem_alloc : memref<!tpu.dma_semaphore, #tpu.memory_space<semaphore_mem>>
      %dma_start3A_96 = arith.constant 0 : i32
      %dma_start3A_97 = tpu.memref_slice %arg5[%arg0, %add3A_95, %dma_start3A_96] : memref<2x10240x128xf32, #tpu.memory_space<hbm>> -> memref<1x128x128xf32, #tpu.memory_space<hbm>>
      %dma_start3A_98 = tpu.memref_squeeze %dma_start3A_97 : memref<1x128x128xf32, #tpu.memory_space<hbm>> -> memref<128x128xf32, #tpu.memory_space<hbm>>
      %dma_start3A_99 = arith.constant 0 : i32
      %dma_start3A_100 = tpu.memref_slice %arg10[%add3A_91, %dma_start3A_99] : memref<10240x128xf32, #tpu.memory_space<vmem_shared>> -> memref<128x128xf32, #tpu.memory_space<vmem_shared>>
      tpu.enqueue_dma source(%dma_start3A_100 : memref<128x128xf32, #tpu.memory_space<vmem_shared>>) target(%dma_start3A_98 : memref<128x128xf32, #tpu.memory_space<hbm>>) target_semaphore(%run_scoped3A : memref<!tpu.dma_semaphore, #tpu.memory_space<semaphore_mem>>)
      %dma_wait3A = arith.constant 0 : i32
      %dma_wait3A_101 = tpu.memref_slice %arg5[%arg0, %add3A_95, %dma_wait3A] : memref<2x10240x128xf32, #tpu.memory_space<hbm>> -> memref<1x128x128xf32, #tpu.memory_space<hbm>>
      %dma_wait3A_102 = tpu.memref_squeeze %dma_wait3A_101 : memref<1x128x128xf32, #tpu.memory_space<hbm>> -> memref<128x128xf32, #tpu.memory_space<hbm>>
      %dma_wait3A_103 = arith.constant 0 : i32
      %dma_wait3A_104 = tpu.memref_slice %arg10[%add3A_91, %dma_wait3A_103] : memref<10240x128xf32, #tpu.memory_space<vmem_shared>> -> memref<128x128xf32, #tpu.memory_space<vmem_shared>>
      tpu.wait_dma2 semaphore(%run_scoped3A : memref<!tpu.dma_semaphore, #tpu.memory_space<semaphore_mem>>) src(%dma_wait3A_104 : memref<128x128xf32, #tpu.memory_space<vmem_shared>>) dst(%dma_wait3A_102 : memref<128x128xf32, #tpu.memory_space<hbm>>)
      tpu.yield
    }) : () -> ()
    return
  }
}

#map = affine_map<(d0, d1) -> (0, 0, 0)>
module attributes {stable_mosaic.version = 14 : i64} {
  func.func @_deg_body(%arg0: i32, %arg1: i32, %arg2: memref<32x80x128xi32, #tpu.memory_space<hbm>>, %arg3: memref<2x10240x16xf32, #tpu.memory_space<hbm>>, %arg4: memref<80x128xi32, #tpu.memory_space<vmem>>, %arg5: memref<128x16xf32, #tpu.memory_space<vmem>>, %arg6: memref<10240x16xf32, #tpu.memory_space<vmem_shared>>) attributes {dimension_semantics = [#tpu.dimension_semantics<core_parallel>, #tpu.dimension_semantics<subcore_parallel>], iteration_bounds = array<i64: 2, 16>, scalar_prefetch = 0 : i64, scratch_operands = 3 : i64, tpu.core_type = #tpu.core_type<sc_vector_subcore>, window_params = [{transform_indices = #map}, {transform_indices = #map}]} {
    %mul3A = arith.constant 16 : i32
    %mul3A_0 = arith.muli %arg0, %mul3A : i32
    %add3A = arith.addi %mul3A_0, %arg1 : i32
    "tpu.region"() ({
      %run_scoped3A = tpu.sem_alloc : memref<!tpu.dma_semaphore, #tpu.memory_space<semaphore_mem>>
      %dma_start3A = arith.constant 0 : i32
      %dma_start3A_47 = arith.constant 0 : i32
      %dma_start3A_48 = tpu.memref_slice %arg2[%add3A, %dma_start3A, %dma_start3A_47] : memref<32x80x128xi32, #tpu.memory_space<hbm>> -> memref<1x80x128xi32, #tpu.memory_space<hbm>>
      %dma_start3A_49 = tpu.memref_squeeze %dma_start3A_48 : memref<1x80x128xi32, #tpu.memory_space<hbm>> -> memref<80x128xi32, #tpu.memory_space<hbm>>
      %dma_start3A_50 = arith.constant 0 : i32
      %dma_start3A_51 = arith.constant 0 : i32
      %dma_start3A_52 = tpu.memref_slice %arg2[%add3A, %dma_start3A_50, %dma_start3A_51] : memref<32x80x128xi32, #tpu.memory_space<hbm>> -> memref<1x80x128xi32, #tpu.memory_space<hbm>>
      %dma_start3A_53 = tpu.memref_squeeze %dma_start3A_52 : memref<1x80x128xi32, #tpu.memory_space<hbm>> -> memref<80x128xi32, #tpu.memory_space<hbm>>
      tpu.enqueue_dma source(%dma_start3A_53 : memref<80x128xi32, #tpu.memory_space<hbm>>) target(%arg4 : memref<80x128xi32, #tpu.memory_space<vmem>>) target_semaphore(%run_scoped3A : memref<!tpu.dma_semaphore, #tpu.memory_space<semaphore_mem>>)
      %dma_wait3A = arith.constant 0 : i32
      %dma_wait3A_54 = arith.constant 0 : i32
      %dma_wait3A_55 = tpu.memref_slice %arg2[%add3A, %dma_wait3A, %dma_wait3A_54] : memref<32x80x128xi32, #tpu.memory_space<hbm>> -> memref<1x80x128xi32, #tpu.memory_space<hbm>>
      %dma_wait3A_56 = tpu.memref_squeeze %dma_wait3A_55 : memref<1x80x128xi32, #tpu.memory_space<hbm>> -> memref<80x128xi32, #tpu.memory_space<hbm>>
      %dma_wait3A_57 = arith.constant 0 : i32
      %dma_wait3A_58 = arith.constant 0 : i32
      %dma_wait3A_59 = tpu.memref_slice %arg2[%add3A, %dma_wait3A_57, %dma_wait3A_58] : memref<32x80x128xi32, #tpu.memory_space<hbm>> -> memref<1x80x128xi32, #tpu.memory_space<hbm>>
      %dma_wait3A_60 = tpu.memref_squeeze %dma_wait3A_59 : memref<1x80x128xi32, #tpu.memory_space<hbm>> -> memref<80x128xi32, #tpu.memory_space<hbm>>
      tpu.wait_dma2 semaphore(%run_scoped3A : memref<!tpu.dma_semaphore, #tpu.memory_space<semaphore_mem>>) src(%dma_wait3A_60 : memref<80x128xi32, #tpu.memory_space<hbm>>) dst(%arg4 : memref<80x128xi32, #tpu.memory_space<vmem>>)
      tpu.yield
    }) : () -> ()
    %broadcast_in_dim3A = arith.constant 0.000000e+00 : f32
    %broadcast_in_dim3A_1 = vector.broadcast %broadcast_in_dim3A : f32 to vector<16xf32>
    %scan3A = arith.constant 0 : i32
    %scan3A_2 = arith.constant 0 : i32
    %scan3A_3 = arith.constant 128 : i32
    %scan3A_4 = arith.addi %scan3A_2, %scan3A_3 : i32
    %scan3A_5 = arith.constant 1 : i32
    %scan3A_6 = scf.for %scan3A_47 = %scan3A_2 to %scan3A_4 step %scan3A_5 iter_args(%scan3A_48 = %scan3A) -> (i32)  : i32 {
      %jit3A = arith.constant 1 : i32
      %div3A = arith.divsi %scan3A_47, %jit3A : i32
      %sign3A = arith.constant 0 : i32
      %sign3A_49 = arith.cmpi sgt, %scan3A_47, %sign3A : i32
      %sign3A_50 = arith.extui %sign3A_49 : i1 to i32
      %sign3A_51 = arith.constant 0 : i32
      %sign3A_52 = arith.cmpi slt, %scan3A_47, %sign3A_51 : i32
      %sign3A_53 = arith.extui %sign3A_52 : i1 to i32
      %sign3A_54 = arith.subi %sign3A_50, %sign3A_53 : i32
      %sign3A_55 = arith.constant 0 : i32
      %sign3A_56 = arith.cmpi sgt, %jit3A, %sign3A_55 : i32
      %sign3A_57 = arith.extui %sign3A_56 : i1 to i32
      %sign3A_58 = arith.constant 0 : i32
      %sign3A_59 = arith.cmpi slt, %jit3A, %sign3A_58 : i32
      %sign3A_60 = arith.extui %sign3A_59 : i1 to i32
      %sign3A_61 = arith.subi %sign3A_57, %sign3A_60 : i32
      %ne3A = arith.cmpi ne, %sign3A_54, %sign3A_61 : i32
      %rem3A = arith.remsi %scan3A_47, %jit3A : i32
      %ne3A_62 = arith.constant 0 : i32
      %ne3A_63 = arith.cmpi ne, %rem3A, %ne3A_62 : i32
      %and3A = arith.andi %ne3A, %ne3A_63 : i1
      %sub3A = arith.constant 1 : i32
      %sub3A_64 = arith.subi %div3A, %sub3A : i32
      %select_n3A = arith.select %and3A, %sub3A_64, %div3A : i32
      %jit3A_65 = arith.constant 1 : i32
      %eq3A = arith.constant 0 : i32
      %eq3A_66 = arith.cmpi eq, %jit3A_65, %eq3A : i32
      %jit3A_67 = arith.constant 1 : i32
      %select_n3A_68 = arith.select %eq3A_66, %jit3A_67, %jit3A_65 : i32
      %rem3A_69 = arith.remsi %scan3A_47, %select_n3A_68 : i32
      %ne3A_70 = arith.constant 0 : i32
      %ne3A_71 = arith.cmpi ne, %rem3A_69, %ne3A_70 : i32
      %lt3A = arith.constant 0 : i32
      %lt3A_72 = arith.cmpi slt, %rem3A_69, %lt3A : i32
      %lt3A_73 = arith.constant 0 : i32
      %lt3A_74 = arith.cmpi slt, %select_n3A_68, %lt3A_73 : i32
      %ne3A_75 = arith.xori %lt3A_72, %lt3A_74 : i1
      %and3A_76 = arith.andi %ne3A_75, %ne3A_71 : i1
      %add3A_77 = arith.addi %rem3A_69, %select_n3A_68 : i32
      %select_n3A_78 = arith.select %and3A_76, %add3A_77, %rem3A_69 : i32
      %mul3A_79 = arith.constant 16 : i32
      %mul3A_80 = arith.muli %select_n3A_78, %mul3A_79 : i32
      %swap3A = arith.index_cast %select_n3A : i32 to index
      %swap3A_81 = arith.index_cast %mul3A_80 : i32 to index
      %swap3A_82 = tpu.vector_load %arg5[%swap3A, %swap3A_81] {strides = array<i32>} : memref<128x16xf32, #tpu.memory_space<vmem>>, vector<1x16xf32>,
      %swap3A_83 = vector.shape_cast %swap3A_82 : vector<1x16xf32> to vector<16xf32>
      %swap3A_84 = vector.shape_cast %broadcast_in_dim3A_1 : vector<16xf32> to vector<1x16xf32>
      tpu.vector_store %arg5[%swap3A, %swap3A_81], %swap3A_84 {strides = array<i32>} : memref<128x16xf32, #tpu.memory_space<vmem>>, vector<1x16xf32>,
      %scan3A_85 = arith.constant 0 : i32
      scf.yield %scan3A_85 : i32
    }
    %scan3A_7 = arith.constant 128 : i32
    %mul3A_8 = arith.constant 640 : i32
    %mul3A_9 = arith.muli %arg1, %mul3A_8 : i32
    %add3A_10 = arith.constant 0 : i32
    %add3A_11 = arith.addi %mul3A_9, %add3A_10 : i32
    "tpu.region"() ({
      %run_scoped3A = tpu.sem_alloc : memref<!tpu.dma_semaphore, #tpu.memory_space<semaphore_mem>>
      %dma_start3A = arith.constant 0 : i32
      %dma_start3A_47 = tpu.memref_slice %arg6[%add3A_11, %dma_start3A] : memref<10240x16xf32, #tpu.memory_space<vmem_shared>> -> memref<128x16xf32, #tpu.memory_space<vmem_shared>>
      %dma_start3A_48 = arith.constant 0 : i32
      %dma_start3A_49 = tpu.memref_slice %arg6[%add3A_11, %dma_start3A_48] : memref<10240x16xf32, #tpu.memory_space<vmem_shared>> -> memref<128x16xf32, #tpu.memory_space<vmem_shared>>
      tpu.enqueue_dma source(%arg5 : memref<128x16xf32, #tpu.memory_space<vmem>>) target(%dma_start3A_49 : memref<128x16xf32, #tpu.memory_space<vmem_shared>>) target_semaphore(%run_scoped3A : memref<!tpu.dma_semaphore, #tpu.memory_space<semaphore_mem>>)
      %dma_wait3A = arith.constant 0 : i32
      %dma_wait3A_50 = tpu.memref_slice %arg6[%add3A_11, %dma_wait3A] : memref<10240x16xf32, #tpu.memory_space<vmem_shared>> -> memref<128x16xf32, #tpu.memory_space<vmem_shared>>
      %dma_wait3A_51 = arith.constant 0 : i32
      %dma_wait3A_52 = tpu.memref_slice %arg6[%add3A_11, %dma_wait3A_51] : memref<10240x16xf32, #tpu.memory_space<vmem_shared>> -> memref<128x16xf32, #tpu.memory_space<vmem_shared>>
      tpu.wait_dma2 semaphore(%run_scoped3A : memref<!tpu.dma_semaphore, #tpu.memory_space<semaphore_mem>>) src(%arg5 : memref<128x16xf32, #tpu.memory_space<vmem>>) dst(%dma_wait3A_52 : memref<128x16xf32, #tpu.memory_space<vmem_shared>>)
      tpu.yield
    }) : () -> ()
    %mul3A_12 = arith.constant 640 : i32
    %mul3A_13 = arith.muli %arg1, %mul3A_12 : i32
    %add3A_14 = arith.constant 128 : i32
    %add3A_15 = arith.addi %mul3A_13, %add3A_14 : i32
    "tpu.region"() ({
      %run_scoped3A = tpu.sem_alloc : memref<!tpu.dma_semaphore, #tpu.memory_space<semaphore_mem>>
      %dma_start3A = arith.constant 0 : i32
      %dma_start3A_47 = tpu.memref_slice %arg6[%add3A_15, %dma_start3A] : memref<10240x16xf32, #tpu.memory_space<vmem_shared>> -> memref<128x16xf32, #tpu.memory_space<vmem_shared>>
      %dma_start3A_48 = arith.constant 0 : i32
      %dma_start3A_49 = tpu.memref_slice %arg6[%add3A_15, %dma_start3A_48] : memref<10240x16xf32, #tpu.memory_space<vmem_shared>> -> memref<128x16xf32, #tpu.memory_space<vmem_shared>>
      tpu.enqueue_dma source(%arg5 : memref<128x16xf32, #tpu.memory_space<vmem>>) target(%dma_start3A_49 : memref<128x16xf32, #tpu.memory_space<vmem_shared>>) target_semaphore(%run_scoped3A : memref<!tpu.dma_semaphore, #tpu.memory_space<semaphore_mem>>)
      %dma_wait3A = arith.constant 0 : i32
      %dma_wait3A_50 = tpu.memref_slice %arg6[%add3A_15, %dma_wait3A] : memref<10240x16xf32, #tpu.memory_space<vmem_shared>> -> memref<128x16xf32, #tpu.memory_space<vmem_shared>>
      %dma_wait3A_51 = arith.constant 0 : i32
      %dma_wait3A_52 = tpu.memref_slice %arg6[%add3A_15, %dma_wait3A_51] : memref<10240x16xf32, #tpu.memory_space<vmem_shared>> -> memref<128x16xf32, #tpu.memory_space<vmem_shared>>
      tpu.wait_dma2 semaphore(%run_scoped3A : memref<!tpu.dma_semaphore, #tpu.memory_space<semaphore_mem>>) src(%arg5 : memref<128x16xf32, #tpu.memory_space<vmem>>) dst(%dma_wait3A_52 : memref<128x16xf32, #tpu.memory_space<vmem_shared>>)
      tpu.yield
    }) : () -> ()
    %mul3A_16 = arith.constant 640 : i32
    %mul3A_17 = arith.muli %arg1, %mul3A_16 : i32
    %add3A_18 = arith.constant 256 : i32
    %add3A_19 = arith.addi %mul3A_17, %add3A_18 : i32
    "tpu.region"() ({
      %run_scoped3A = tpu.sem_alloc : memref<!tpu.dma_semaphore, #tpu.memory_space<semaphore_mem>>
      %dma_start3A = arith.constant 0 : i32
      %dma_start3A_47 = tpu.memref_slice %arg6[%add3A_19, %dma_start3A] : memref<10240x16xf32, #tpu.memory_space<vmem_shared>> -> memref<128x16xf32, #tpu.memory_space<vmem_shared>>
      %dma_start3A_48 = arith.constant 0 : i32
      %dma_start3A_49 = tpu.memref_slice %arg6[%add3A_19, %dma_start3A_48] : memref<10240x16xf32, #tpu.memory_space<vmem_shared>> -> memref<128x16xf32, #tpu.memory_space<vmem_shared>>
      tpu.enqueue_dma source(%arg5 : memref<128x16xf32, #tpu.memory_space<vmem>>) target(%dma_start3A_49 : memref<128x16xf32, #tpu.memory_space<vmem_shared>>) target_semaphore(%run_scoped3A : memref<!tpu.dma_semaphore, #tpu.memory_space<semaphore_mem>>)
      %dma_wait3A = arith.constant 0 : i32
      %dma_wait3A_50 = tpu.memref_slice %arg6[%add3A_19, %dma_wait3A] : memref<10240x16xf32, #tpu.memory_space<vmem_shared>> -> memref<128x16xf32, #tpu.memory_space<vmem_shared>>
      %dma_wait3A_51 = arith.constant 0 : i32
      %dma_wait3A_52 = tpu.memref_slice %arg6[%add3A_19, %dma_wait3A_51] : memref<10240x16xf32, #tpu.memory_space<vmem_shared>> -> memref<128x16xf32, #tpu.memory_space<vmem_shared>>
      tpu.wait_dma2 semaphore(%run_scoped3A : memref<!tpu.dma_semaphore, #tpu.memory_space<semaphore_mem>>) src(%arg5 : memref<128x16xf32, #tpu.memory_space<vmem>>) dst(%dma_wait3A_52 : memref<128x16xf32, #tpu.memory_space<vmem_shared>>)
      tpu.yield
    }) : () -> ()
    %mul3A_20 = arith.constant 640 : i32
    %mul3A_21 = arith.muli %arg1, %mul3A_20 : i32
    %add3A_22 = arith.constant 384 : i32
    %add3A_23 = arith.addi %mul3A_21, %add3A_22 : i32
    "tpu.region"() ({
      %run_scoped3A = tpu.sem_alloc : memref<!tpu.dma_semaphore, #tpu.memory_space<semaphore_mem>>
      %dma_start3A = arith.constant 0 : i32
      %dma_start3A_47 = tpu.memref_slice %arg6[%add3A_23, %dma_start3A] : memref<10240x16xf32, #tpu.memory_space<vmem_shared>> -> memref<128x16xf32, #tpu.memory_space<vmem_shared>>
      %dma_start3A_48 = arith.constant 0 : i32
      %dma_start3A_49 = tpu.memref_slice %arg6[%add3A_23, %dma_start3A_48] : memref<10240x16xf32, #tpu.memory_space<vmem_shared>> -> memref<128x16xf32, #tpu.memory_space<vmem_shared>>
      tpu.enqueue_dma source(%arg5 : memref<128x16xf32, #tpu.memory_space<vmem>>) target(%dma_start3A_49 : memref<128x16xf32, #tpu.memory_space<vmem_shared>>) target_semaphore(%run_scoped3A : memref<!tpu.dma_semaphore, #tpu.memory_space<semaphore_mem>>)
      %dma_wait3A = arith.constant 0 : i32
      %dma_wait3A_50 = tpu.memref_slice %arg6[%add3A_23, %dma_wait3A] : memref<10240x16xf32, #tpu.memory_space<vmem_shared>> -> memref<128x16xf32, #tpu.memory_space<vmem_shared>>
      %dma_wait3A_51 = arith.constant 0 : i32
      %dma_wait3A_52 = tpu.memref_slice %arg6[%add3A_23, %dma_wait3A_51] : memref<10240x16xf32, #tpu.memory_space<vmem_shared>> -> memref<128x16xf32, #tpu.memory_space<vmem_shared>>
      tpu.wait_dma2 semaphore(%run_scoped3A : memref<!tpu.dma_semaphore, #tpu.memory_space<semaphore_mem>>) src(%arg5 : memref<128x16xf32, #tpu.memory_space<vmem>>) dst(%dma_wait3A_52 : memref<128x16xf32, #tpu.memory_space<vmem_shared>>)
      tpu.yield
    }) : () -> ()
    %mul3A_24 = arith.constant 640 : i32
    %mul3A_25 = arith.muli %arg1, %mul3A_24 : i32
    %add3A_26 = arith.constant 512 : i32
    %add3A_27 = arith.addi %mul3A_25, %add3A_26 : i32
    "tpu.region"() ({
      %run_scoped3A = tpu.sem_alloc : memref<!tpu.dma_semaphore, #tpu.memory_space<semaphore_mem>>
      %dma_start3A = arith.constant 0 : i32
      %dma_start3A_47 = tpu.memref_slice %arg6[%add3A_27, %dma_start3A] : memref<10240x16xf32, #tpu.memory_space<vmem_shared>> -> memref<128x16xf32, #tpu.memory_space<vmem_shared>>
      %dma_start3A_48 = arith.constant 0 : i32
      %dma_start3A_49 = tpu.memref_slice %arg6[%add3A_27, %dma_start3A_48] : memref<10240x16xf32, #tpu.memory_space<vmem_shared>> -> memref<128x16xf32, #tpu.memory_space<vmem_shared>>
      tpu.enqueue_dma source(%arg5 : memref<128x16xf32, #tpu.memory_space<vmem>>) target(%dma_start3A_49 : memref<128x16xf32, #tpu.memory_space<vmem_shared>>) target_semaphore(%run_scoped3A : memref<!tpu.dma_semaphore, #tpu.memory_space<semaphore_mem>>)
      %dma_wait3A = arith.constant 0 : i32
      %dma_wait3A_50 = tpu.memref_slice %arg6[%add3A_27, %dma_wait3A] : memref<10240x16xf32, #tpu.memory_space<vmem_shared>> -> memref<128x16xf32, #tpu.memory_space<vmem_shared>>
      %dma_wait3A_51 = arith.constant 0 : i32
      %dma_wait3A_52 = tpu.memref_slice %arg6[%add3A_27, %dma_wait3A_51] : memref<10240x16xf32, #tpu.memory_space<vmem_shared>> -> memref<128x16xf32, #tpu.memory_space<vmem_shared>>
      tpu.wait_dma2 semaphore(%run_scoped3A : memref<!tpu.dma_semaphore, #tpu.memory_space<semaphore_mem>>) src(%arg5 : memref<128x16xf32, #tpu.memory_space<vmem>>) dst(%dma_wait3A_52 : memref<128x16xf32, #tpu.memory_space<vmem_shared>>)
      tpu.yield
    }) : () -> ()
    %scan3A_28 = arith.constant 0 : i32
    %scan3A_29 = arith.constant 0 : i32
    %scan3A_30 = arith.constant 128 : i32
    %scan3A_31 = arith.addi %scan3A_29, %scan3A_30 : i32
    %scan3A_32 = arith.constant 1 : i32
    %scan3A_33 = scf.for %scan3A_47 = %scan3A_29 to %scan3A_31 step %scan3A_32 iter_args(%scan3A_48 = %scan3A_28) -> (i32)  : i32 {
      %broadcast_in_dim3A_49 = arith.constant 1.000000e+00 : f32
      %broadcast_in_dim3A_50 = vector.broadcast %broadcast_in_dim3A_49 : f32 to vector<16xf32>
      %swap3A = arith.index_cast %scan3A_47 : i32 to index
      %swap3A_51 = arith.constant 0 : index
      %swap3A_52 = tpu.vector_load %arg5[%swap3A, %swap3A_51] {strides = array<i32>} : memref<128x16xf32, #tpu.memory_space<vmem>>, vector<1x16xf32>,
      %swap3A_53 = vector.shape_cast %swap3A_52 : vector<1x16xf32> to vector<16xf32>
      %swap3A_54 = vector.shape_cast %broadcast_in_dim3A_50 : vector<16xf32> to vector<1x16xf32>
      tpu.vector_store %arg5[%swap3A, %swap3A_51], %swap3A_54 {strides = array<i32>} : memref<128x16xf32, #tpu.memory_space<vmem>>, vector<1x16xf32>,
      %scan3A_55 = arith.constant 0 : i32
      scf.yield %scan3A_55 : i32
    }
    %scan3A_34 = arith.constant 128 : i32
    %barrier3A = arith.constant 0 : index
    tpu.barrier barrier_id(%barrier3A)
    %scan3A_35 = arith.constant 0 : i32
    %scan3A_36 = arith.constant 0 : i32
    %scan3A_37 = arith.constant 80 : i32
    %scan3A_38 = arith.addi %scan3A_36, %scan3A_37 : i32
    %scan3A_39 = arith.constant 1 : i32
    %scan3A_40 = scf.for %scan3A_47 = %scan3A_36 to %scan3A_38 step %scan3A_39 iter_args(%scan3A_48 = %scan3A_35) -> (i32)  : i32 {
      "tpu.region"() ({
        %run_scoped3A = tpu.sem_alloc : memref<!tpu.dma_semaphore, #tpu.memory_space<semaphore_mem>>
        %dma_start3A = arith.constant 0 : i32
        %dma_start3A_50 = tpu.memref_slice %arg4[%scan3A_47, %dma_start3A] : memref<80x128xi32, #tpu.memory_space<vmem>> -> memref<1x128xi32, #tpu.memory_space<vmem>>
        %dma_start3A_51 = tpu.memref_squeeze %dma_start3A_50 : memref<1x128xi32, #tpu.memory_space<vmem>> -> memref<128xi32, #tpu.memory_space<vmem>>
        %dma_start3A_52 = arith.constant 0 : i32
        %dma_start3A_53 = arith.constant 0 : i32
        %dma_start3A_54 = tpu.memref_slice %arg6[%dma_start3A_52, %dma_start3A_53] : memref<10240x16xf32, #tpu.memory_space<vmem_shared>> -> memref<10240x16xf32, #tpu.memory_space<vmem_shared>>
        tpu.enqueue_indirect_dma source(%arg5 : memref<128x16xf32, #tpu.memory_space<vmem>>) target(%dma_start3A_54 : memref<10240x16xf32, #tpu.memory_space<vmem_shared>>) offsets(%dma_start3A_51 : memref<128xi32, #tpu.memory_space<vmem>>) semaphore(%run_scoped3A : memref<!tpu.dma_semaphore, #tpu.memory_space<semaphore_mem>>) {add = true}
        %dma_wait3A = arith.constant 0 : i32
        %dma_wait3A_55 = tpu.memref_slice %arg4[%scan3A_47, %dma_wait3A] : memref<80x128xi32, #tpu.memory_space<vmem>> -> memref<1x128xi32, #tpu.memory_space<vmem>>
        %dma_wait3A_56 = tpu.memref_squeeze %dma_wait3A_55 : memref<1x128xi32, #tpu.memory_space<vmem>> -> memref<128xi32, #tpu.memory_space<vmem>>
        %dma_wait3A_57 = arith.constant 0 : i32
        %dma_wait3A_58 = arith.constant 0 : i32
        %dma_wait3A_59 = tpu.memref_slice %arg6[%dma_wait3A_57, %dma_wait3A_58] : memref<10240x16xf32, #tpu.memory_space<vmem_shared>> -> memref<10240x16xf32, #tpu.memory_space<vmem_shared>>
        tpu.wait_indirect_dma semaphore(%run_scoped3A : memref<!tpu.dma_semaphore, #tpu.memory_space<semaphore_mem>>) src(%arg5 : memref<128x16xf32, #tpu.memory_space<vmem>>) dst(%dma_wait3A_59 : memref<10240x16xf32, #tpu.memory_space<vmem_shared>>)
        tpu.yield
      }) : () -> ()
      %scan3A_49 = arith.constant 0 : i32
      scf.yield %scan3A_49 : i32
    }
    %scan3A_41 = arith.constant 80 : i32
    %barrier3A_42 = arith.constant 0 : index
    tpu.barrier barrier_id(%barrier3A_42)
    %mul3A_43 = arith.constant 640 : i32
    %mul3A_44 = arith.muli %arg1, %mul3A_43 : i32
    %mul3A_45 = arith.constant 640 : i32
    %mul3A_46 = arith.muli %arg1, %mul3A_45 : i32
    "tpu.region"() ({
      %run_scoped3A = tpu.sem_alloc : memref<!tpu.dma_semaphore, #tpu.memory_space<semaphore_mem>>
      %dma_start3A = arith.constant 0 : i32
      %dma_start3A_47 = tpu.memref_slice %arg3[%arg0, %mul3A_46, %dma_start3A] : memref<2x10240x16xf32, #tpu.memory_space<hbm>> -> memref<1x640x16xf32, #tpu.memory_space<hbm>>
      %dma_start3A_48 = tpu.memref_squeeze %dma_start3A_47 : memref<1x640x16xf32, #tpu.memory_space<hbm>> -> memref<640x16xf32, #tpu.memory_space<hbm>>
      %dma_start3A_49 = arith.constant 0 : i32
      %dma_start3A_50 = tpu.memref_slice %arg6[%mul3A_44, %dma_start3A_49] : memref<10240x16xf32, #tpu.memory_space<vmem_shared>> -> memref<640x16xf32, #tpu.memory_space<vmem_shared>>
      tpu.enqueue_dma source(%dma_start3A_50 : memref<640x16xf32, #tpu.memory_space<vmem_shared>>) target(%dma_start3A_48 : memref<640x16xf32, #tpu.memory_space<hbm>>) target_semaphore(%run_scoped3A : memref<!tpu.dma_semaphore, #tpu.memory_space<semaphore_mem>>)
      %dma_wait3A = arith.constant 0 : i32
      %dma_wait3A_51 = tpu.memref_slice %arg3[%arg0, %mul3A_46, %dma_wait3A] : memref<2x10240x16xf32, #tpu.memory_space<hbm>> -> memref<1x640x16xf32, #tpu.memory_space<hbm>>
      %dma_wait3A_52 = tpu.memref_squeeze %dma_wait3A_51 : memref<1x640x16xf32, #tpu.memory_space<hbm>> -> memref<640x16xf32, #tpu.memory_space<hbm>>
      %dma_wait3A_53 = arith.constant 0 : i32
      %dma_wait3A_54 = tpu.memref_slice %arg6[%mul3A_44, %dma_wait3A_53] : memref<10240x16xf32, #tpu.memory_space<vmem_shared>> -> memref<640x16xf32, #tpu.memory_space<vmem_shared>>
      tpu.wait_dma2 semaphore(%run_scoped3A : memref<!tpu.dma_semaphore, #tpu.memory_space<semaphore_mem>>) src(%dma_wait3A_54 : memref<640x16xf32, #tpu.memory_space<vmem_shared>>) dst(%dma_wait3A_52 : memref<640x16xf32, #tpu.memory_space<hbm>>)
      tpu.yield
    }) : () -> ()
    return
  }
}

#map = affine_map<(d0, d1) -> (0, 0)>
#map1 = affine_map<(d0, d1) -> (0, 0, 0)>
module attributes {stable_mosaic.version = 14 : i64} {
  func.func @_agg_body(%arg0: i32, %arg1: i32, %arg2: memref<10000x128xf32, #tpu.memory_space<hbm>>, %arg3: memref<32x80x128xi32, #tpu.memory_space<hbm>>, %arg4: memref<32x80x128xi32, #tpu.memory_space<hbm>>, %arg5: memref<2x10240x128xf32, #tpu.memory_space<hbm>>, %arg6: memref<40x128xi32, #tpu.memory_space<vmem>>, %arg7: memref<40x128xi32, #tpu.memory_space<vmem>>, %arg8: memref<128x128xf32, #tpu.memory_space<vmem>>, %arg9: memref<128x128xf32, #tpu.memory_space<vmem>>, %arg10: memref<10240x128xf32, #tpu.memory_space<vmem_shared>>, %arg11: memref<!tpu.dma_semaphore, #tpu.memory_space<semaphore_mem>>, %arg12: memref<!tpu.dma_semaphore, #tpu.memory_space<semaphore_mem>>) attributes {dimension_semantics = [#tpu.dimension_semantics<core_parallel>, #tpu.dimension_semantics<subcore_parallel>], iteration_bounds = array<i64: 2, 16>, scalar_prefetch = 0 : i64, scratch_operands = 7 : i64, tpu.core_type = #tpu.core_type<sc_vector_subcore>, window_params = [{transform_indices = #map}, {transform_indices = #map1}, {transform_indices = #map1}, {transform_indices = #map1}]} {
    %mul3A = arith.constant 16 : i32
    %mul3A_0 = arith.muli %arg0, %mul3A : i32
    %add3A = arith.addi %mul3A_0, %arg1 : i32
    %broadcast_in_dim3A = arith.constant 0.000000e+00 : f32
    %broadcast_in_dim3A_1 = vector.broadcast %broadcast_in_dim3A : f32 to vector<16xf32>
    %scan3A = arith.constant 0 : i32
    %scan3A_2 = arith.constant 0 : i32
    %scan3A_3 = arith.constant 1024 : i32
    %scan3A_4 = arith.addi %scan3A_2, %scan3A_3 : i32
    %scan3A_5 = arith.constant 1 : i32
    %scan3A_6 = scf.for %scan3A_96 = %scan3A_2 to %scan3A_4 step %scan3A_5 iter_args(%scan3A_97 = %scan3A) -> (i32)  : i32 {
      %jit3A = arith.constant 8 : i32
      %div3A = arith.divsi %scan3A_96, %jit3A : i32
      %sign3A = arith.constant 0 : i32
      %sign3A_98 = arith.cmpi sgt, %scan3A_96, %sign3A : i32
      %sign3A_99 = arith.extui %sign3A_98 : i1 to i32
      %sign3A_100 = arith.constant 0 : i32
      %sign3A_101 = arith.cmpi slt, %scan3A_96, %sign3A_100 : i32
      %sign3A_102 = arith.extui %sign3A_101 : i1 to i32
      %sign3A_103 = arith.subi %sign3A_99, %sign3A_102 : i32
      %sign3A_104 = arith.constant 0 : i32
      %sign3A_105 = arith.cmpi sgt, %jit3A, %sign3A_104 : i32
      %sign3A_106 = arith.extui %sign3A_105 : i1 to i32
      %sign3A_107 = arith.constant 0 : i32
      %sign3A_108 = arith.cmpi slt, %jit3A, %sign3A_107 : i32
      %sign3A_109 = arith.extui %sign3A_108 : i1 to i32
      %sign3A_110 = arith.subi %sign3A_106, %sign3A_109 : i32
      %ne3A = arith.cmpi ne, %sign3A_103, %sign3A_110 : i32
      %rem3A = arith.remsi %scan3A_96, %jit3A : i32
      %ne3A_111 = arith.constant 0 : i32
      %ne3A_112 = arith.cmpi ne, %rem3A, %ne3A_111 : i32
      %and3A = arith.andi %ne3A, %ne3A_112 : i1
      %sub3A = arith.constant 1 : i32
      %sub3A_113 = arith.subi %div3A, %sub3A : i32
      %select_n3A = arith.select %and3A, %sub3A_113, %div3A : i32
      %jit3A_114 = arith.constant 8 : i32
      %eq3A = arith.constant 0 : i32
      %eq3A_115 = arith.cmpi eq, %jit3A_114, %eq3A : i32
      %jit3A_116 = arith.constant 1 : i32
      %select_n3A_117 = arith.select %eq3A_115, %jit3A_116, %jit3A_114 : i32
      %rem3A_118 = arith.remsi %scan3A_96, %select_n3A_117 : i32
      %ne3A_119 = arith.constant 0 : i32
      %ne3A_120 = arith.cmpi ne, %rem3A_118, %ne3A_119 : i32
      %lt3A = arith.constant 0 : i32
      %lt3A_121 = arith.cmpi slt, %rem3A_118, %lt3A : i32
      %lt3A_122 = arith.constant 0 : i32
      %lt3A_123 = arith.cmpi slt, %select_n3A_117, %lt3A_122 : i32
      %ne3A_124 = arith.xori %lt3A_121, %lt3A_123 : i1
      %and3A_125 = arith.andi %ne3A_124, %ne3A_120 : i1
      %add3A_126 = arith.addi %rem3A_118, %select_n3A_117 : i32
      %select_n3A_127 = arith.select %and3A_125, %add3A_126, %rem3A_118 : i32
      %mul3A_128 = arith.constant 16 : i32
      %mul3A_129 = arith.muli %select_n3A_127, %mul3A_128 : i32
      %swap3A = arith.index_cast %select_n3A : i32 to index
      %swap3A_130 = arith.index_cast %mul3A_129 : i32 to index
      %swap3A_131 = tpu.vector_load %arg8[%swap3A, %swap3A_130] {strides = array<i32>} : memref<128x128xf32, #tpu.memory_space<vmem>>, vector<1x16xf32>,
      %swap3A_132 = vector.shape_cast %swap3A_131 : vector<1x16xf32> to vector<16xf32>
      %swap3A_133 = vector.shape_cast %broadcast_in_dim3A_1 : vector<16xf32> to vector<1x16xf32>
      tpu.vector_store %arg8[%swap3A, %swap3A_130], %swap3A_133 {strides = array<i32>} : memref<128x128xf32, #tpu.memory_space<vmem>>, vector<1x16xf32>,
      %scan3A_134 = arith.constant 0 : i32
      scf.yield %scan3A_134 : i32
    }
    %scan3A_7 = arith.constant 1024 : i32
    %mul3A_8 = arith.constant 640 : i32
    %mul3A_9 = arith.muli %arg1, %mul3A_8 : i32
    %add3A_10 = arith.constant 0 : i32
    %add3A_11 = arith.addi %mul3A_9, %add3A_10 : i32
    "tpu.region"() ({
      %run_scoped3A = tpu.sem_alloc : memref<!tpu.dma_semaphore, #tpu.memory_space<semaphore_mem>>
      %dma_start3A_96 = arith.constant 0 : i32
      %dma_start3A_97 = tpu.memref_slice %arg10[%add3A_11, %dma_start3A_96] : memref<10240x128xf32, #tpu.memory_space<vmem_shared>> -> memref<128x128xf32, #tpu.memory_space<vmem_shared>>
      %dma_start3A_98 = arith.constant 0 : i32
      %dma_start3A_99 = tpu.memref_slice %arg10[%add3A_11, %dma_start3A_98] : memref<10240x128xf32, #tpu.memory_space<vmem_shared>> -> memref<128x128xf32, #tpu.memory_space<vmem_shared>>
      tpu.enqueue_dma source(%arg8 : memref<128x128xf32, #tpu.memory_space<vmem>>) target(%dma_start3A_99 : memref<128x128xf32, #tpu.memory_space<vmem_shared>>) target_semaphore(%run_scoped3A : memref<!tpu.dma_semaphore, #tpu.memory_space<semaphore_mem>>)
      %dma_wait3A = arith.constant 0 : i32
      %dma_wait3A_100 = tpu.memref_slice %arg10[%add3A_11, %dma_wait3A] : memref<10240x128xf32, #tpu.memory_space<vmem_shared>> -> memref<128x128xf32, #tpu.memory_space<vmem_shared>>
      %dma_wait3A_101 = arith.constant 0 : i32
      %dma_wait3A_102 = tpu.memref_slice %arg10[%add3A_11, %dma_wait3A_101] : memref<10240x128xf32, #tpu.memory_space<vmem_shared>> -> memref<128x128xf32, #tpu.memory_space<vmem_shared>>
      tpu.wait_dma2 semaphore(%run_scoped3A : memref<!tpu.dma_semaphore, #tpu.memory_space<semaphore_mem>>) src(%arg8 : memref<128x128xf32, #tpu.memory_space<vmem>>) dst(%dma_wait3A_102 : memref<128x128xf32, #tpu.memory_space<vmem_shared>>)
      tpu.yield
    }) : () -> ()
    %mul3A_12 = arith.constant 640 : i32
    %mul3A_13 = arith.muli %arg1, %mul3A_12 : i32
    %add3A_14 = arith.constant 128 : i32
    %add3A_15 = arith.addi %mul3A_13, %add3A_14 : i32
    "tpu.region"() ({
      %run_scoped3A = tpu.sem_alloc : memref<!tpu.dma_semaphore, #tpu.memory_space<semaphore_mem>>
      %dma_start3A_96 = arith.constant 0 : i32
      %dma_start3A_97 = tpu.memref_slice %arg10[%add3A_15, %dma_start3A_96] : memref<10240x128xf32, #tpu.memory_space<vmem_shared>> -> memref<128x128xf32, #tpu.memory_space<vmem_shared>>
      %dma_start3A_98 = arith.constant 0 : i32
      %dma_start3A_99 = tpu.memref_slice %arg10[%add3A_15, %dma_start3A_98] : memref<10240x128xf32, #tpu.memory_space<vmem_shared>> -> memref<128x128xf32, #tpu.memory_space<vmem_shared>>
      tpu.enqueue_dma source(%arg8 : memref<128x128xf32, #tpu.memory_space<vmem>>) target(%dma_start3A_99 : memref<128x128xf32, #tpu.memory_space<vmem_shared>>) target_semaphore(%run_scoped3A : memref<!tpu.dma_semaphore, #tpu.memory_space<semaphore_mem>>)
      %dma_wait3A = arith.constant 0 : i32
      %dma_wait3A_100 = tpu.memref_slice %arg10[%add3A_15, %dma_wait3A] : memref<10240x128xf32, #tpu.memory_space<vmem_shared>> -> memref<128x128xf32, #tpu.memory_space<vmem_shared>>
      %dma_wait3A_101 = arith.constant 0 : i32
      %dma_wait3A_102 = tpu.memref_slice %arg10[%add3A_15, %dma_wait3A_101] : memref<10240x128xf32, #tpu.memory_space<vmem_shared>> -> memref<128x128xf32, #tpu.memory_space<vmem_shared>>
      tpu.wait_dma2 semaphore(%run_scoped3A : memref<!tpu.dma_semaphore, #tpu.memory_space<semaphore_mem>>) src(%arg8 : memref<128x128xf32, #tpu.memory_space<vmem>>) dst(%dma_wait3A_102 : memref<128x128xf32, #tpu.memory_space<vmem_shared>>)
      tpu.yield
    }) : () -> ()
    %mul3A_16 = arith.constant 640 : i32
    %mul3A_17 = arith.muli %arg1, %mul3A_16 : i32
    %add3A_18 = arith.constant 256 : i32
    %add3A_19 = arith.addi %mul3A_17, %add3A_18 : i32
    "tpu.region"() ({
      %run_scoped3A = tpu.sem_alloc : memref<!tpu.dma_semaphore, #tpu.memory_space<semaphore_mem>>
      %dma_start3A_96 = arith.constant 0 : i32
      %dma_start3A_97 = tpu.memref_slice %arg10[%add3A_19, %dma_start3A_96] : memref<10240x128xf32, #tpu.memory_space<vmem_shared>> -> memref<128x128xf32, #tpu.memory_space<vmem_shared>>
      %dma_start3A_98 = arith.constant 0 : i32
      %dma_start3A_99 = tpu.memref_slice %arg10[%add3A_19, %dma_start3A_98] : memref<10240x128xf32, #tpu.memory_space<vmem_shared>> -> memref<128x128xf32, #tpu.memory_space<vmem_shared>>
      tpu.enqueue_dma source(%arg8 : memref<128x128xf32, #tpu.memory_space<vmem>>) target(%dma_start3A_99 : memref<128x128xf32, #tpu.memory_space<vmem_shared>>) target_semaphore(%run_scoped3A : memref<!tpu.dma_semaphore, #tpu.memory_space<semaphore_mem>>)
      %dma_wait3A = arith.constant 0 : i32
      %dma_wait3A_100 = tpu.memref_slice %arg10[%add3A_19, %dma_wait3A] : memref<10240x128xf32, #tpu.memory_space<vmem_shared>> -> memref<128x128xf32, #tpu.memory_space<vmem_shared>>
      %dma_wait3A_101 = arith.constant 0 : i32
      %dma_wait3A_102 = tpu.memref_slice %arg10[%add3A_19, %dma_wait3A_101] : memref<10240x128xf32, #tpu.memory_space<vmem_shared>> -> memref<128x128xf32, #tpu.memory_space<vmem_shared>>
      tpu.wait_dma2 semaphore(%run_scoped3A : memref<!tpu.dma_semaphore, #tpu.memory_space<semaphore_mem>>) src(%arg8 : memref<128x128xf32, #tpu.memory_space<vmem>>) dst(%dma_wait3A_102 : memref<128x128xf32, #tpu.memory_space<vmem_shared>>)
      tpu.yield
    }) : () -> ()
    %mul3A_20 = arith.constant 640 : i32
    %mul3A_21 = arith.muli %arg1, %mul3A_20 : i32
    %add3A_22 = arith.constant 384 : i32
    %add3A_23 = arith.addi %mul3A_21, %add3A_22 : i32
    "tpu.region"() ({
      %run_scoped3A = tpu.sem_alloc : memref<!tpu.dma_semaphore, #tpu.memory_space<semaphore_mem>>
      %dma_start3A_96 = arith.constant 0 : i32
      %dma_start3A_97 = tpu.memref_slice %arg10[%add3A_23, %dma_start3A_96] : memref<10240x128xf32, #tpu.memory_space<vmem_shared>> -> memref<128x128xf32, #tpu.memory_space<vmem_shared>>
      %dma_start3A_98 = arith.constant 0 : i32
      %dma_start3A_99 = tpu.memref_slice %arg10[%add3A_23, %dma_start3A_98] : memref<10240x128xf32, #tpu.memory_space<vmem_shared>> -> memref<128x128xf32, #tpu.memory_space<vmem_shared>>
      tpu.enqueue_dma source(%arg8 : memref<128x128xf32, #tpu.memory_space<vmem>>) target(%dma_start3A_99 : memref<128x128xf32, #tpu.memory_space<vmem_shared>>) target_semaphore(%run_scoped3A : memref<!tpu.dma_semaphore, #tpu.memory_space<semaphore_mem>>)
      %dma_wait3A = arith.constant 0 : i32
      %dma_wait3A_100 = tpu.memref_slice %arg10[%add3A_23, %dma_wait3A] : memref<10240x128xf32, #tpu.memory_space<vmem_shared>> -> memref<128x128xf32, #tpu.memory_space<vmem_shared>>
      %dma_wait3A_101 = arith.constant 0 : i32
      %dma_wait3A_102 = tpu.memref_slice %arg10[%add3A_23, %dma_wait3A_101] : memref<10240x128xf32, #tpu.memory_space<vmem_shared>> -> memref<128x128xf32, #tpu.memory_space<vmem_shared>>
      tpu.wait_dma2 semaphore(%run_scoped3A : memref<!tpu.dma_semaphore, #tpu.memory_space<semaphore_mem>>) src(%arg8 : memref<128x128xf32, #tpu.memory_space<vmem>>) dst(%dma_wait3A_102 : memref<128x128xf32, #tpu.memory_space<vmem_shared>>)
      tpu.yield
    }) : () -> ()
    %mul3A_24 = arith.constant 640 : i32
    %mul3A_25 = arith.muli %arg1, %mul3A_24 : i32
    %add3A_26 = arith.constant 512 : i32
    %add3A_27 = arith.addi %mul3A_25, %add3A_26 : i32
    "tpu.region"() ({
      %run_scoped3A = tpu.sem_alloc : memref<!tpu.dma_semaphore, #tpu.memory_space<semaphore_mem>>
      %dma_start3A_96 = arith.constant 0 : i32
      %dma_start3A_97 = tpu.memref_slice %arg10[%add3A_27, %dma_start3A_96] : memref<10240x128xf32, #tpu.memory_space<vmem_shared>> -> memref<128x128xf32, #tpu.memory_space<vmem_shared>>
      %dma_start3A_98 = arith.constant 0 : i32
      %dma_start3A_99 = tpu.memref_slice %arg10[%add3A_27, %dma_start3A_98] : memref<10240x128xf32, #tpu.memory_space<vmem_shared>> -> memref<128x128xf32, #tpu.memory_space<vmem_shared>>
      tpu.enqueue_dma source(%arg8 : memref<128x128xf32, #tpu.memory_space<vmem>>) target(%dma_start3A_99 : memref<128x128xf32, #tpu.memory_space<vmem_shared>>) target_semaphore(%run_scoped3A : memref<!tpu.dma_semaphore, #tpu.memory_space<semaphore_mem>>)
      %dma_wait3A = arith.constant 0 : i32
      %dma_wait3A_100 = tpu.memref_slice %arg10[%add3A_27, %dma_wait3A] : memref<10240x128xf32, #tpu.memory_space<vmem_shared>> -> memref<128x128xf32, #tpu.memory_space<vmem_shared>>
      %dma_wait3A_101 = arith.constant 0 : i32
      %dma_wait3A_102 = tpu.memref_slice %arg10[%add3A_27, %dma_wait3A_101] : memref<10240x128xf32, #tpu.memory_space<vmem_shared>> -> memref<128x128xf32, #tpu.memory_space<vmem_shared>>
      tpu.wait_dma2 semaphore(%run_scoped3A : memref<!tpu.dma_semaphore, #tpu.memory_space<semaphore_mem>>) src(%arg8 : memref<128x128xf32, #tpu.memory_space<vmem>>) dst(%dma_wait3A_102 : memref<128x128xf32, #tpu.memory_space<vmem_shared>>)
      tpu.yield
    }) : () -> ()
    %barrier3A = arith.constant 0 : index
    tpu.barrier barrier_id(%barrier3A)
    "tpu.region"() ({
      %run_scoped3A = tpu.sem_alloc : memref<!tpu.dma_semaphore, #tpu.memory_space<semaphore_mem>>
      %dma_start3A_96 = arith.constant 0 : i32
      %dma_start3A_97 = arith.constant 0 : i32
      %dma_start3A_98 = tpu.memref_slice %arg3[%add3A, %dma_start3A_96, %dma_start3A_97] : memref<32x80x128xi32, #tpu.memory_space<hbm>> -> memref<1x40x128xi32, #tpu.memory_space<hbm>>
      %dma_start3A_99 = tpu.memref_squeeze %dma_start3A_98 : memref<1x40x128xi32, #tpu.memory_space<hbm>> -> memref<40x128xi32, #tpu.memory_space<hbm>>
      %dma_start3A_100 = arith.constant 0 : i32
      %dma_start3A_101 = arith.constant 0 : i32
      %dma_start3A_102 = tpu.memref_slice %arg3[%add3A, %dma_start3A_100, %dma_start3A_101] : memref<32x80x128xi32, #tpu.memory_space<hbm>> -> memref<1x40x128xi32, #tpu.memory_space<hbm>>
      %dma_start3A_103 = tpu.memref_squeeze %dma_start3A_102 : memref<1x40x128xi32, #tpu.memory_space<hbm>> -> memref<40x128xi32, #tpu.memory_space<hbm>>
      tpu.enqueue_dma source(%dma_start3A_103 : memref<40x128xi32, #tpu.memory_space<hbm>>) target(%arg6 : memref<40x128xi32, #tpu.memory_space<vmem>>) target_semaphore(%run_scoped3A : memref<!tpu.dma_semaphore, #tpu.memory_space<semaphore_mem>>)
      %dma_wait3A = arith.constant 0 : i32
      %dma_wait3A_104 = arith.constant 0 : i32
      %dma_wait3A_105 = tpu.memref_slice %arg3[%add3A, %dma_wait3A, %dma_wait3A_104] : memref<32x80x128xi32, #tpu.memory_space<hbm>> -> memref<1x40x128xi32, #tpu.memory_space<hbm>>
      %dma_wait3A_106 = tpu.memref_squeeze %dma_wait3A_105 : memref<1x40x128xi32, #tpu.memory_space<hbm>> -> memref<40x128xi32, #tpu.memory_space<hbm>>
      %dma_wait3A_107 = arith.constant 0 : i32
      %dma_wait3A_108 = arith.constant 0 : i32
      %dma_wait3A_109 = tpu.memref_slice %arg3[%add3A, %dma_wait3A_107, %dma_wait3A_108] : memref<32x80x128xi32, #tpu.memory_space<hbm>> -> memref<1x40x128xi32, #tpu.memory_space<hbm>>
      %dma_wait3A_110 = tpu.memref_squeeze %dma_wait3A_109 : memref<1x40x128xi32, #tpu.memory_space<hbm>> -> memref<40x128xi32, #tpu.memory_space<hbm>>
      tpu.wait_dma2 semaphore(%run_scoped3A : memref<!tpu.dma_semaphore, #tpu.memory_space<semaphore_mem>>) src(%dma_wait3A_110 : memref<40x128xi32, #tpu.memory_space<hbm>>) dst(%arg6 : memref<40x128xi32, #tpu.memory_space<vmem>>)
      tpu.yield
    }) : () -> ()
    "tpu.region"() ({
      %run_scoped3A = tpu.sem_alloc : memref<!tpu.dma_semaphore, #tpu.memory_space<semaphore_mem>>
      %dma_start3A_96 = arith.constant 0 : i32
      %dma_start3A_97 = arith.constant 0 : i32
      %dma_start3A_98 = tpu.memref_slice %arg4[%add3A, %dma_start3A_96, %dma_start3A_97] : memref<32x80x128xi32, #tpu.memory_space<hbm>> -> memref<1x40x128xi32, #tpu.memory_space<hbm>>
      %dma_start3A_99 = tpu.memref_squeeze %dma_start3A_98 : memref<1x40x128xi32, #tpu.memory_space<hbm>> -> memref<40x128xi32, #tpu.memory_space<hbm>>
      %dma_start3A_100 = arith.constant 0 : i32
      %dma_start3A_101 = arith.constant 0 : i32
      %dma_start3A_102 = tpu.memref_slice %arg4[%add3A, %dma_start3A_100, %dma_start3A_101] : memref<32x80x128xi32, #tpu.memory_space<hbm>> -> memref<1x40x128xi32, #tpu.memory_space<hbm>>
      %dma_start3A_103 = tpu.memref_squeeze %dma_start3A_102 : memref<1x40x128xi32, #tpu.memory_space<hbm>> -> memref<40x128xi32, #tpu.memory_space<hbm>>
      tpu.enqueue_dma source(%dma_start3A_103 : memref<40x128xi32, #tpu.memory_space<hbm>>) target(%arg7 : memref<40x128xi32, #tpu.memory_space<vmem>>) target_semaphore(%run_scoped3A : memref<!tpu.dma_semaphore, #tpu.memory_space<semaphore_mem>>)
      %dma_wait3A = arith.constant 0 : i32
      %dma_wait3A_104 = arith.constant 0 : i32
      %dma_wait3A_105 = tpu.memref_slice %arg4[%add3A, %dma_wait3A, %dma_wait3A_104] : memref<32x80x128xi32, #tpu.memory_space<hbm>> -> memref<1x40x128xi32, #tpu.memory_space<hbm>>
      %dma_wait3A_106 = tpu.memref_squeeze %dma_wait3A_105 : memref<1x40x128xi32, #tpu.memory_space<hbm>> -> memref<40x128xi32, #tpu.memory_space<hbm>>
      %dma_wait3A_107 = arith.constant 0 : i32
      %dma_wait3A_108 = arith.constant 0 : i32
      %dma_wait3A_109 = tpu.memref_slice %arg4[%add3A, %dma_wait3A_107, %dma_wait3A_108] : memref<32x80x128xi32, #tpu.memory_space<hbm>> -> memref<1x40x128xi32, #tpu.memory_space<hbm>>
      %dma_wait3A_110 = tpu.memref_squeeze %dma_wait3A_109 : memref<1x40x128xi32, #tpu.memory_space<hbm>> -> memref<40x128xi32, #tpu.memory_space<hbm>>
      tpu.wait_dma2 semaphore(%run_scoped3A : memref<!tpu.dma_semaphore, #tpu.memory_space<semaphore_mem>>) src(%dma_wait3A_110 : memref<40x128xi32, #tpu.memory_space<hbm>>) dst(%arg7 : memref<40x128xi32, #tpu.memory_space<vmem>>)
      tpu.yield
    }) : () -> ()
    %dma_start3A = arith.constant 0 : i32
    %dma_start3A_28 = arith.constant 0 : i32
    %dma_start3A_29 = tpu.memref_slice %arg6[%dma_start3A, %dma_start3A_28] : memref<40x128xi32, #tpu.memory_space<vmem>> -> memref<1x128xi32, #tpu.memory_space<vmem>>
    %dma_start3A_30 = tpu.memref_squeeze %dma_start3A_29 : memref<1x128xi32, #tpu.memory_space<vmem>> -> memref<128xi32, #tpu.memory_space<vmem>>
    %dma_start3A_31 = arith.constant 0 : i32
    %dma_start3A_32 = arith.constant 0 : i32
    %dma_start3A_33 = tpu.memref_slice %arg2[%dma_start3A_31, %dma_start3A_32] : memref<10000x128xf32, #tpu.memory_space<hbm>> -> memref<10000x128xf32, #tpu.memory_space<hbm>>
    tpu.enqueue_indirect_dma source(%dma_start3A_33 : memref<10000x128xf32, #tpu.memory_space<hbm>>) target(%arg8 : memref<128x128xf32, #tpu.memory_space<vmem>>) offsets(%dma_start3A_30 : memref<128xi32, #tpu.memory_space<vmem>>) semaphore(%arg11 : memref<!tpu.dma_semaphore, #tpu.memory_space<semaphore_mem>>)
    %scan3A_34 = arith.constant 0 : i32
    %scan3A_35 = arith.constant 0 : i32
    %scan3A_36 = arith.constant 20 : i32
    %scan3A_37 = arith.addi %scan3A_35, %scan3A_36 : i32
    %scan3A_38 = arith.constant 1 : i32
    %scan3A_39 = scf.for %scan3A_96 = %scan3A_35 to %scan3A_37 step %scan3A_38 iter_args(%scan3A_97 = %scan3A_34) -> (i32)  : i32 {
      %mul3A_98 = arith.constant 2 : i32
      %mul3A_99 = arith.muli %mul3A_98, %scan3A_96 : i32
      %mul3A_100 = arith.constant 2 : i32
      %mul3A_101 = arith.muli %mul3A_100, %scan3A_96 : i32
      %add3A_102 = arith.constant 1 : i32
      %add3A_103 = arith.addi %mul3A_101, %add3A_102 : i32
      %dma_wait3A = arith.constant 0 : i32
      %dma_wait3A_104 = tpu.memref_slice %arg6[%mul3A_99, %dma_wait3A] : memref<40x128xi32, #tpu.memory_space<vmem>> -> memref<1x128xi32, #tpu.memory_space<vmem>>
      %dma_wait3A_105 = tpu.memref_squeeze %dma_wait3A_104 : memref<1x128xi32, #tpu.memory_space<vmem>> -> memref<128xi32, #tpu.memory_space<vmem>>
      %dma_wait3A_106 = arith.constant 0 : i32
      %dma_wait3A_107 = arith.constant 0 : i32
      %dma_wait3A_108 = tpu.memref_slice %arg2[%dma_wait3A_106, %dma_wait3A_107] : memref<10000x128xf32, #tpu.memory_space<hbm>> -> memref<10000x128xf32, #tpu.memory_space<hbm>>
      tpu.wait_indirect_dma semaphore(%arg11 : memref<!tpu.dma_semaphore, #tpu.memory_space<semaphore_mem>>) src(%dma_wait3A_108 : memref<10000x128xf32, #tpu.memory_space<hbm>>) dst(%arg8 : memref<128x128xf32, #tpu.memory_space<vmem>>)
      %dma_start3A_109 = arith.constant 0 : i32
      %dma_start3A_110 = tpu.memref_slice %arg6[%add3A_103, %dma_start3A_109] : memref<40x128xi32, #tpu.memory_space<vmem>> -> memref<1x128xi32, #tpu.memory_space<vmem>>
      %dma_start3A_111 = tpu.memref_squeeze %dma_start3A_110 : memref<1x128xi32, #tpu.memory_space<vmem>> -> memref<128xi32, #tpu.memory_space<vmem>>
      %dma_start3A_112 = arith.constant 0 : i32
      %dma_start3A_113 = arith.constant 0 : i32
      %dma_start3A_114 = tpu.memref_slice %arg2[%dma_start3A_112, %dma_start3A_113] : memref<10000x128xf32, #tpu.memory_space<hbm>> -> memref<10000x128xf32, #tpu.memory_space<hbm>>
      tpu.enqueue_indirect_dma source(%dma_start3A_114 : memref<10000x128xf32, #tpu.memory_space<hbm>>) target(%arg9 : memref<128x128xf32, #tpu.memory_space<vmem>>) offsets(%dma_start3A_111 : memref<128xi32, #tpu.memory_space<vmem>>) semaphore(%arg12 : memref<!tpu.dma_semaphore, #tpu.memory_space<semaphore_mem>>)
      "tpu.region"() ({
        %run_scoped3A = tpu.sem_alloc : memref<!tpu.dma_semaphore, #tpu.memory_space<semaphore_mem>>
        %dma_start3A_126 = arith.constant 0 : i32
        %dma_start3A_127 = tpu.memref_slice %arg7[%mul3A_99, %dma_start3A_126] : memref<40x128xi32, #tpu.memory_space<vmem>> -> memref<1x128xi32, #tpu.memory_space<vmem>>
        %dma_start3A_128 = tpu.memref_squeeze %dma_start3A_127 : memref<1x128xi32, #tpu.memory_space<vmem>> -> memref<128xi32, #tpu.memory_space<vmem>>
        %dma_start3A_129 = arith.constant 0 : i32
        %dma_start3A_130 = arith.constant 0 : i32
        %dma_start3A_131 = tpu.memref_slice %arg10[%dma_start3A_129, %dma_start3A_130] : memref<10240x128xf32, #tpu.memory_space<vmem_shared>> -> memref<10240x128xf32, #tpu.memory_space<vmem_shared>>
        tpu.enqueue_indirect_dma source(%arg8 : memref<128x128xf32, #tpu.memory_space<vmem>>) target(%dma_start3A_131 : memref<10240x128xf32, #tpu.memory_space<vmem_shared>>) offsets(%dma_start3A_128 : memref<128xi32, #tpu.memory_space<vmem>>) semaphore(%run_scoped3A : memref<!tpu.dma_semaphore, #tpu.memory_space<semaphore_mem>>) {add = true}
        %dma_wait3A_132 = arith.constant 0 : i32
        %dma_wait3A_133 = tpu.memref_slice %arg7[%mul3A_99, %dma_wait3A_132] : memref<40x128xi32, #tpu.memory_space<vmem>> -> memref<1x128xi32, #tpu.memory_space<vmem>>
        %dma_wait3A_134 = tpu.memref_squeeze %dma_wait3A_133 : memref<1x128xi32, #tpu.memory_space<vmem>> -> memref<128xi32, #tpu.memory_space<vmem>>
        %dma_wait3A_135 = arith.constant 0 : i32
        %dma_wait3A_136 = arith.constant 0 : i32
        %dma_wait3A_137 = tpu.memref_slice %arg10[%dma_wait3A_135, %dma_wait3A_136] : memref<10240x128xf32, #tpu.memory_space<vmem_shared>> -> memref<10240x128xf32, #tpu.memory_space<vmem_shared>>
        tpu.wait_indirect_dma semaphore(%run_scoped3A : memref<!tpu.dma_semaphore, #tpu.memory_space<semaphore_mem>>) src(%arg8 : memref<128x128xf32, #tpu.memory_space<vmem>>) dst(%dma_wait3A_137 : memref<10240x128xf32, #tpu.memory_space<vmem_shared>>)
        tpu.yield
      }) : () -> ()
      %dma_wait3A_115 = arith.constant 0 : i32
      %dma_wait3A_116 = tpu.memref_slice %arg6[%add3A_103, %dma_wait3A_115] : memref<40x128xi32, #tpu.memory_space<vmem>> -> memref<1x128xi32, #tpu.memory_space<vmem>>
      %dma_wait3A_117 = tpu.memref_squeeze %dma_wait3A_116 : memref<1x128xi32, #tpu.memory_space<vmem>> -> memref<128xi32, #tpu.memory_space<vmem>>
      %dma_wait3A_118 = arith.constant 0 : i32
      %dma_wait3A_119 = arith.constant 0 : i32
      %dma_wait3A_120 = tpu.memref_slice %arg2[%dma_wait3A_118, %dma_wait3A_119] : memref<10000x128xf32, #tpu.memory_space<hbm>> -> memref<10000x128xf32, #tpu.memory_space<hbm>>
      tpu.wait_indirect_dma semaphore(%arg12 : memref<!tpu.dma_semaphore, #tpu.memory_space<semaphore_mem>>) src(%dma_wait3A_120 : memref<10000x128xf32, #tpu.memory_space<hbm>>) dst(%arg9 : memref<128x128xf32, #tpu.memory_space<vmem>>)
      %add3A_121 = arith.constant 1 : i32
      %add3A_122 = arith.addi %add3A_103, %add3A_121 : i32
      %lt3A = arith.constant 40 : i32
      %lt3A_123 = arith.cmpi slt, %add3A_122, %lt3A : i32
      %convert_element_type3A = arith.extui %lt3A_123 : i1 to i32
      %cond3A = arith.constant 0 : i32
      %cond3A_124 = arith.cmpi ne, %convert_element_type3A, %cond3A : i32
      scf.if %cond3A_124 {
        %add3A_126 = arith.constant 1 : i32
        %add3A_127 = arith.addi %add3A_103, %add3A_126 : i32
        %dma_start3A_128 = arith.constant 0 : i32
        %dma_start3A_129 = tpu.memref_slice %arg6[%add3A_127, %dma_start3A_128] : memref<40x128xi32, #tpu.memory_space<vmem>> -> memref<1x128xi32, #tpu.memory_space<vmem>>
        %dma_start3A_130 = tpu.memref_squeeze %dma_start3A_129 : memref<1x128xi32, #tpu.memory_space<vmem>> -> memref<128xi32, #tpu.memory_space<vmem>>
        %dma_start3A_131 = arith.constant 0 : i32
        %dma_start3A_132 = arith.constant 0 : i32
        %dma_start3A_133 = tpu.memref_slice %arg2[%dma_start3A_131, %dma_start3A_132] : memref<10000x128xf32, #tpu.memory_space<hbm>> -> memref<10000x128xf32, #tpu.memory_space<hbm>>
        tpu.enqueue_indirect_dma source(%dma_start3A_133 : memref<10000x128xf32, #tpu.memory_space<hbm>>) target(%arg8 : memref<128x128xf32, #tpu.memory_space<vmem>>) offsets(%dma_start3A_130 : memref<128xi32, #tpu.memory_space<vmem>>) semaphore(%arg11 : memref<!tpu.dma_semaphore, #tpu.memory_space<semaphore_mem>>)
      } else {
      }
      "tpu.region"() ({
        %run_scoped3A = tpu.sem_alloc : memref<!tpu.dma_semaphore, #tpu.memory_space<semaphore_mem>>
        %dma_start3A_126 = arith.constant 0 : i32
        %dma_start3A_127 = tpu.memref_slice %arg7[%add3A_103, %dma_start3A_126] : memref<40x128xi32, #tpu.memory_space<vmem>> -> memref<1x128xi32, #tpu.memory_space<vmem>>
        %dma_start3A_128 = tpu.memref_squeeze %dma_start3A_127 : memref<1x128xi32, #tpu.memory_space<vmem>> -> memref<128xi32, #tpu.memory_space<vmem>>
        %dma_start3A_129 = arith.constant 0 : i32
        %dma_start3A_130 = arith.constant 0 : i32
        %dma_start3A_131 = tpu.memref_slice %arg10[%dma_start3A_129, %dma_start3A_130] : memref<10240x128xf32, #tpu.memory_space<vmem_shared>> -> memref<10240x128xf32, #tpu.memory_space<vmem_shared>>
        tpu.enqueue_indirect_dma source(%arg9 : memref<128x128xf32, #tpu.memory_space<vmem>>) target(%dma_start3A_131 : memref<10240x128xf32, #tpu.memory_space<vmem_shared>>) offsets(%dma_start3A_128 : memref<128xi32, #tpu.memory_space<vmem>>) semaphore(%run_scoped3A : memref<!tpu.dma_semaphore, #tpu.memory_space<semaphore_mem>>) {add = true}
        %dma_wait3A_132 = arith.constant 0 : i32
        %dma_wait3A_133 = tpu.memref_slice %arg7[%add3A_103, %dma_wait3A_132] : memref<40x128xi32, #tpu.memory_space<vmem>> -> memref<1x128xi32, #tpu.memory_space<vmem>>
        %dma_wait3A_134 = tpu.memref_squeeze %dma_wait3A_133 : memref<1x128xi32, #tpu.memory_space<vmem>> -> memref<128xi32, #tpu.memory_space<vmem>>
        %dma_wait3A_135 = arith.constant 0 : i32
        %dma_wait3A_136 = arith.constant 0 : i32
        %dma_wait3A_137 = tpu.memref_slice %arg10[%dma_wait3A_135, %dma_wait3A_136] : memref<10240x128xf32, #tpu.memory_space<vmem_shared>> -> memref<10240x128xf32, #tpu.memory_space<vmem_shared>>
        tpu.wait_indirect_dma semaphore(%run_scoped3A : memref<!tpu.dma_semaphore, #tpu.memory_space<semaphore_mem>>) src(%arg9 : memref<128x128xf32, #tpu.memory_space<vmem>>) dst(%dma_wait3A_137 : memref<10240x128xf32, #tpu.memory_space<vmem_shared>>)
        tpu.yield
      }) : () -> ()
      %scan3A_125 = arith.constant 0 : i32
      scf.yield %scan3A_125 : i32
    }
    %scan3A_40 = arith.constant 20 : i32
    "tpu.region"() ({
      %run_scoped3A = tpu.sem_alloc : memref<!tpu.dma_semaphore, #tpu.memory_space<semaphore_mem>>
      %dma_start3A_96 = arith.constant 40 : i32
      %dma_start3A_97 = arith.constant 0 : i32
      %dma_start3A_98 = tpu.memref_slice %arg3[%add3A, %dma_start3A_96, %dma_start3A_97] : memref<32x80x128xi32, #tpu.memory_space<hbm>> -> memref<1x40x128xi32, #tpu.memory_space<hbm>>
      %dma_start3A_99 = tpu.memref_squeeze %dma_start3A_98 : memref<1x40x128xi32, #tpu.memory_space<hbm>> -> memref<40x128xi32, #tpu.memory_space<hbm>>
      %dma_start3A_100 = arith.constant 40 : i32
      %dma_start3A_101 = arith.constant 0 : i32
      %dma_start3A_102 = tpu.memref_slice %arg3[%add3A, %dma_start3A_100, %dma_start3A_101] : memref<32x80x128xi32, #tpu.memory_space<hbm>> -> memref<1x40x128xi32, #tpu.memory_space<hbm>>
      %dma_start3A_103 = tpu.memref_squeeze %dma_start3A_102 : memref<1x40x128xi32, #tpu.memory_space<hbm>> -> memref<40x128xi32, #tpu.memory_space<hbm>>
      tpu.enqueue_dma source(%dma_start3A_103 : memref<40x128xi32, #tpu.memory_space<hbm>>) target(%arg6 : memref<40x128xi32, #tpu.memory_space<vmem>>) target_semaphore(%run_scoped3A : memref<!tpu.dma_semaphore, #tpu.memory_space<semaphore_mem>>)
      %dma_wait3A = arith.constant 40 : i32
      %dma_wait3A_104 = arith.constant 0 : i32
      %dma_wait3A_105 = tpu.memref_slice %arg3[%add3A, %dma_wait3A, %dma_wait3A_104] : memref<32x80x128xi32, #tpu.memory_space<hbm>> -> memref<1x40x128xi32, #tpu.memory_space<hbm>>
      %dma_wait3A_106 = tpu.memref_squeeze %dma_wait3A_105 : memref<1x40x128xi32, #tpu.memory_space<hbm>> -> memref<40x128xi32, #tpu.memory_space<hbm>>
      %dma_wait3A_107 = arith.constant 40 : i32
      %dma_wait3A_108 = arith.constant 0 : i32
      %dma_wait3A_109 = tpu.memref_slice %arg3[%add3A, %dma_wait3A_107, %dma_wait3A_108] : memref<32x80x128xi32, #tpu.memory_space<hbm>> -> memref<1x40x128xi32, #tpu.memory_space<hbm>>
      %dma_wait3A_110 = tpu.memref_squeeze %dma_wait3A_109 : memref<1x40x128xi32, #tpu.memory_space<hbm>> -> memref<40x128xi32, #tpu.memory_space<hbm>>
      tpu.wait_dma2 semaphore(%run_scoped3A : memref<!tpu.dma_semaphore, #tpu.memory_space<semaphore_mem>>) src(%dma_wait3A_110 : memref<40x128xi32, #tpu.memory_space<hbm>>) dst(%arg6 : memref<40x128xi32, #tpu.memory_space<vmem>>)
      tpu.yield
    }) : () -> ()
    "tpu.region"() ({
      %run_scoped3A = tpu.sem_alloc : memref<!tpu.dma_semaphore, #tpu.memory_space<semaphore_mem>>
      %dma_start3A_96 = arith.constant 40 : i32
      %dma_start3A_97 = arith.constant 0 : i32
      %dma_start3A_98 = tpu.memref_slice %arg4[%add3A, %dma_start3A_96, %dma_start3A_97] : memref<32x80x128xi32, #tpu.memory_space<hbm>> -> memref<1x40x128xi32, #tpu.memory_space<hbm>>
      %dma_start3A_99 = tpu.memref_squeeze %dma_start3A_98 : memref<1x40x128xi32, #tpu.memory_space<hbm>> -> memref<40x128xi32, #tpu.memory_space<hbm>>
      %dma_start3A_100 = arith.constant 40 : i32
      %dma_start3A_101 = arith.constant 0 : i32
      %dma_start3A_102 = tpu.memref_slice %arg4[%add3A, %dma_start3A_100, %dma_start3A_101] : memref<32x80x128xi32, #tpu.memory_space<hbm>> -> memref<1x40x128xi32, #tpu.memory_space<hbm>>
      %dma_start3A_103 = tpu.memref_squeeze %dma_start3A_102 : memref<1x40x128xi32, #tpu.memory_space<hbm>> -> memref<40x128xi32, #tpu.memory_space<hbm>>
      tpu.enqueue_dma source(%dma_start3A_103 : memref<40x128xi32, #tpu.memory_space<hbm>>) target(%arg7 : memref<40x128xi32, #tpu.memory_space<vmem>>) target_semaphore(%run_scoped3A : memref<!tpu.dma_semaphore, #tpu.memory_space<semaphore_mem>>)
      %dma_wait3A = arith.constant 40 : i32
      %dma_wait3A_104 = arith.constant 0 : i32
      %dma_wait3A_105 = tpu.memref_slice %arg4[%add3A, %dma_wait3A, %dma_wait3A_104] : memref<32x80x128xi32, #tpu.memory_space<hbm>> -> memref<1x40x128xi32, #tpu.memory_space<hbm>>
      %dma_wait3A_106 = tpu.memref_squeeze %dma_wait3A_105 : memref<1x40x128xi32, #tpu.memory_space<hbm>> -> memref<40x128xi32, #tpu.memory_space<hbm>>
      %dma_wait3A_107 = arith.constant 40 : i32
      %dma_wait3A_108 = arith.constant 0 : i32
      %dma_wait3A_109 = tpu.memref_slice %arg4[%add3A, %dma_wait3A_107, %dma_wait3A_108] : memref<32x80x128xi32, #tpu.memory_space<hbm>> -> memref<1x40x128xi32, #tpu.memory_space<hbm>>
      %dma_wait3A_110 = tpu.memref_squeeze %dma_wait3A_109 : memref<1x40x128xi32, #tpu.memory_space<hbm>> -> memref<40x128xi32, #tpu.memory_space<hbm>>
      tpu.wait_dma2 semaphore(%run_scoped3A : memref<!tpu.dma_semaphore, #tpu.memory_space<semaphore_mem>>) src(%dma_wait3A_110 : memref<40x128xi32, #tpu.memory_space<hbm>>) dst(%arg7 : memref<40x128xi32, #tpu.memory_space<vmem>>)
      tpu.yield
    }) : () -> ()
    %dma_start3A_41 = arith.constant 0 : i32
    %dma_start3A_42 = arith.constant 0 : i32
    %dma_start3A_43 = tpu.memref_slice %arg6[%dma_start3A_41, %dma_start3A_42] : memref<40x128xi32, #tpu.memory_space<vmem>> -> memref<1x128xi32, #tpu.memory_space<vmem>>
    %dma_start3A_44 = tpu.memref_squeeze %dma_start3A_43 : memref<1x128xi32, #tpu.memory_space<vmem>> -> memref<128xi32, #tpu.memory_space<vmem>>
    %dma_start3A_45 = arith.constant 0 : i32
    %dma_start3A_46 = arith.constant 0 : i32
    %dma_start3A_47 = tpu.memref_slice %arg2[%dma_start3A_45, %dma_start3A_46] : memref<10000x128xf32, #tpu.memory_space<hbm>> -> memref<10000x128xf32, #tpu.memory_space<hbm>>
    tpu.enqueue_indirect_dma source(%dma_start3A_47 : memref<10000x128xf32, #tpu.memory_space<hbm>>) target(%arg8 : memref<128x128xf32, #tpu.memory_space<vmem>>) offsets(%dma_start3A_44 : memref<128xi32, #tpu.memory_space<vmem>>) semaphore(%arg11 : memref<!tpu.dma_semaphore, #tpu.memory_space<semaphore_mem>>)
    %scan3A_48 = arith.constant 0 : i32
    %scan3A_49 = arith.constant 0 : i32
    %scan3A_50 = arith.constant 20 : i32
    %scan3A_51 = arith.addi %scan3A_49, %scan3A_50 : i32
    %scan3A_52 = arith.constant 1 : i32
    %scan3A_53 = scf.for %scan3A_96 = %scan3A_49 to %scan3A_51 step %scan3A_52 iter_args(%scan3A_97 = %scan3A_48) -> (i32)  : i32 {
      %mul3A_98 = arith.constant 2 : i32
      %mul3A_99 = arith.muli %mul3A_98, %scan3A_96 : i32
      %mul3A_100 = arith.constant 2 : i32
      %mul3A_101 = arith.muli %mul3A_100, %scan3A_96 : i32
      %add3A_102 = arith.constant 1 : i32
      %add3A_103 = arith.addi %mul3A_101, %add3A_102 : i32
      %dma_wait3A = arith.constant 0 : i32
      %dma_wait3A_104 = tpu.memref_slice %arg6[%mul3A_99, %dma_wait3A] : memref<40x128xi32, #tpu.memory_space<vmem>> -> memref<1x128xi32, #tpu.memory_space<vmem>>
      %dma_wait3A_105 = tpu.memref_squeeze %dma_wait3A_104 : memref<1x128xi32, #tpu.memory_space<vmem>> -> memref<128xi32, #tpu.memory_space<vmem>>
      %dma_wait3A_106 = arith.constant 0 : i32
      %dma_wait3A_107 = arith.constant 0 : i32
      %dma_wait3A_108 = tpu.memref_slice %arg2[%dma_wait3A_106, %dma_wait3A_107] : memref<10000x128xf32, #tpu.memory_space<hbm>> -> memref<10000x128xf32, #tpu.memory_space<hbm>>
      tpu.wait_indirect_dma semaphore(%arg11 : memref<!tpu.dma_semaphore, #tpu.memory_space<semaphore_mem>>) src(%dma_wait3A_108 : memref<10000x128xf32, #tpu.memory_space<hbm>>) dst(%arg8 : memref<128x128xf32, #tpu.memory_space<vmem>>)
      %dma_start3A_109 = arith.constant 0 : i32
      %dma_start3A_110 = tpu.memref_slice %arg6[%add3A_103, %dma_start3A_109] : memref<40x128xi32, #tpu.memory_space<vmem>> -> memref<1x128xi32, #tpu.memory_space<vmem>>
      %dma_start3A_111 = tpu.memref_squeeze %dma_start3A_110 : memref<1x128xi32, #tpu.memory_space<vmem>> -> memref<128xi32, #tpu.memory_space<vmem>>
      %dma_start3A_112 = arith.constant 0 : i32
      %dma_start3A_113 = arith.constant 0 : i32
      %dma_start3A_114 = tpu.memref_slice %arg2[%dma_start3A_112, %dma_start3A_113] : memref<10000x128xf32, #tpu.memory_space<hbm>> -> memref<10000x128xf32, #tpu.memory_space<hbm>>
      tpu.enqueue_indirect_dma source(%dma_start3A_114 : memref<10000x128xf32, #tpu.memory_space<hbm>>) target(%arg9 : memref<128x128xf32, #tpu.memory_space<vmem>>) offsets(%dma_start3A_111 : memref<128xi32, #tpu.memory_space<vmem>>) semaphore(%arg12 : memref<!tpu.dma_semaphore, #tpu.memory_space<semaphore_mem>>)
      "tpu.region"() ({
        %run_scoped3A = tpu.sem_alloc : memref<!tpu.dma_semaphore, #tpu.memory_space<semaphore_mem>>
        %dma_start3A_126 = arith.constant 0 : i32
        %dma_start3A_127 = tpu.memref_slice %arg7[%mul3A_99, %dma_start3A_126] : memref<40x128xi32, #tpu.memory_space<vmem>> -> memref<1x128xi32, #tpu.memory_space<vmem>>
        %dma_start3A_128 = tpu.memref_squeeze %dma_start3A_127 : memref<1x128xi32, #tpu.memory_space<vmem>> -> memref<128xi32, #tpu.memory_space<vmem>>
        %dma_start3A_129 = arith.constant 0 : i32
        %dma_start3A_130 = arith.constant 0 : i32
        %dma_start3A_131 = tpu.memref_slice %arg10[%dma_start3A_129, %dma_start3A_130] : memref<10240x128xf32, #tpu.memory_space<vmem_shared>> -> memref<10240x128xf32, #tpu.memory_space<vmem_shared>>
        tpu.enqueue_indirect_dma source(%arg8 : memref<128x128xf32, #tpu.memory_space<vmem>>) target(%dma_start3A_131 : memref<10240x128xf32, #tpu.memory_space<vmem_shared>>) offsets(%dma_start3A_128 : memref<128xi32, #tpu.memory_space<vmem>>) semaphore(%run_scoped3A : memref<!tpu.dma_semaphore, #tpu.memory_space<semaphore_mem>>) {add = true}
        %dma_wait3A_132 = arith.constant 0 : i32
        %dma_wait3A_133 = tpu.memref_slice %arg7[%mul3A_99, %dma_wait3A_132] : memref<40x128xi32, #tpu.memory_space<vmem>> -> memref<1x128xi32, #tpu.memory_space<vmem>>
        %dma_wait3A_134 = tpu.memref_squeeze %dma_wait3A_133 : memref<1x128xi32, #tpu.memory_space<vmem>> -> memref<128xi32, #tpu.memory_space<vmem>>
        %dma_wait3A_135 = arith.constant 0 : i32
        %dma_wait3A_136 = arith.constant 0 : i32
        %dma_wait3A_137 = tpu.memref_slice %arg10[%dma_wait3A_135, %dma_wait3A_136] : memref<10240x128xf32, #tpu.memory_space<vmem_shared>> -> memref<10240x128xf32, #tpu.memory_space<vmem_shared>>
        tpu.wait_indirect_dma semaphore(%run_scoped3A : memref<!tpu.dma_semaphore, #tpu.memory_space<semaphore_mem>>) src(%arg8 : memref<128x128xf32, #tpu.memory_space<vmem>>) dst(%dma_wait3A_137 : memref<10240x128xf32, #tpu.memory_space<vmem_shared>>)
        tpu.yield
      }) : () -> ()
      %dma_wait3A_115 = arith.constant 0 : i32
      %dma_wait3A_116 = tpu.memref_slice %arg6[%add3A_103, %dma_wait3A_115] : memref<40x128xi32, #tpu.memory_space<vmem>> -> memref<1x128xi32, #tpu.memory_space<vmem>>
      %dma_wait3A_117 = tpu.memref_squeeze %dma_wait3A_116 : memref<1x128xi32, #tpu.memory_space<vmem>> -> memref<128xi32, #tpu.memory_space<vmem>>
      %dma_wait3A_118 = arith.constant 0 : i32
      %dma_wait3A_119 = arith.constant 0 : i32
      %dma_wait3A_120 = tpu.memref_slice %arg2[%dma_wait3A_118, %dma_wait3A_119] : memref<10000x128xf32, #tpu.memory_space<hbm>> -> memref<10000x128xf32, #tpu.memory_space<hbm>>
      tpu.wait_indirect_dma semaphore(%arg12 : memref<!tpu.dma_semaphore, #tpu.memory_space<semaphore_mem>>) src(%dma_wait3A_120 : memref<10000x128xf32, #tpu.memory_space<hbm>>) dst(%arg9 : memref<128x128xf32, #tpu.memory_space<vmem>>)
      %add3A_121 = arith.constant 1 : i32
      %add3A_122 = arith.addi %add3A_103, %add3A_121 : i32
      %lt3A = arith.constant 40 : i32
      %lt3A_123 = arith.cmpi slt, %add3A_122, %lt3A : i32
      %convert_element_type3A = arith.extui %lt3A_123 : i1 to i32
      %cond3A = arith.constant 0 : i32
      %cond3A_124 = arith.cmpi ne, %convert_element_type3A, %cond3A : i32
      scf.if %cond3A_124 {
        %add3A_126 = arith.constant 1 : i32
        %add3A_127 = arith.addi %add3A_103, %add3A_126 : i32
        %dma_start3A_128 = arith.constant 0 : i32
        %dma_start3A_129 = tpu.memref_slice %arg6[%add3A_127, %dma_start3A_128] : memref<40x128xi32, #tpu.memory_space<vmem>> -> memref<1x128xi32, #tpu.memory_space<vmem>>
        %dma_start3A_130 = tpu.memref_squeeze %dma_start3A_129 : memref<1x128xi32, #tpu.memory_space<vmem>> -> memref<128xi32, #tpu.memory_space<vmem>>
        %dma_start3A_131 = arith.constant 0 : i32
        %dma_start3A_132 = arith.constant 0 : i32
        %dma_start3A_133 = tpu.memref_slice %arg2[%dma_start3A_131, %dma_start3A_132] : memref<10000x128xf32, #tpu.memory_space<hbm>> -> memref<10000x128xf32, #tpu.memory_space<hbm>>
        tpu.enqueue_indirect_dma source(%dma_start3A_133 : memref<10000x128xf32, #tpu.memory_space<hbm>>) target(%arg8 : memref<128x128xf32, #tpu.memory_space<vmem>>) offsets(%dma_start3A_130 : memref<128xi32, #tpu.memory_space<vmem>>) semaphore(%arg11 : memref<!tpu.dma_semaphore, #tpu.memory_space<semaphore_mem>>)
      } else {
      }
      "tpu.region"() ({
        %run_scoped3A = tpu.sem_alloc : memref<!tpu.dma_semaphore, #tpu.memory_space<semaphore_mem>>
        %dma_start3A_126 = arith.constant 0 : i32
        %dma_start3A_127 = tpu.memref_slice %arg7[%add3A_103, %dma_start3A_126] : memref<40x128xi32, #tpu.memory_space<vmem>> -> memref<1x128xi32, #tpu.memory_space<vmem>>
        %dma_start3A_128 = tpu.memref_squeeze %dma_start3A_127 : memref<1x128xi32, #tpu.memory_space<vmem>> -> memref<128xi32, #tpu.memory_space<vmem>>
        %dma_start3A_129 = arith.constant 0 : i32
        %dma_start3A_130 = arith.constant 0 : i32
        %dma_start3A_131 = tpu.memref_slice %arg10[%dma_start3A_129, %dma_start3A_130] : memref<10240x128xf32, #tpu.memory_space<vmem_shared>> -> memref<10240x128xf32, #tpu.memory_space<vmem_shared>>
        tpu.enqueue_indirect_dma source(%arg9 : memref<128x128xf32, #tpu.memory_space<vmem>>) target(%dma_start3A_131 : memref<10240x128xf32, #tpu.memory_space<vmem_shared>>) offsets(%dma_start3A_128 : memref<128xi32, #tpu.memory_space<vmem>>) semaphore(%run_scoped3A : memref<!tpu.dma_semaphore, #tpu.memory_space<semaphore_mem>>) {add = true}
        %dma_wait3A_132 = arith.constant 0 : i32
        %dma_wait3A_133 = tpu.memref_slice %arg7[%add3A_103, %dma_wait3A_132] : memref<40x128xi32, #tpu.memory_space<vmem>> -> memref<1x128xi32, #tpu.memory_space<vmem>>
        %dma_wait3A_134 = tpu.memref_squeeze %dma_wait3A_133 : memref<1x128xi32, #tpu.memory_space<vmem>> -> memref<128xi32, #tpu.memory_space<vmem>>
        %dma_wait3A_135 = arith.constant 0 : i32
        %dma_wait3A_136 = arith.constant 0 : i32
        %dma_wait3A_137 = tpu.memref_slice %arg10[%dma_wait3A_135, %dma_wait3A_136] : memref<10240x128xf32, #tpu.memory_space<vmem_shared>> -> memref<10240x128xf32, #tpu.memory_space<vmem_shared>>
        tpu.wait_indirect_dma semaphore(%run_scoped3A : memref<!tpu.dma_semaphore, #tpu.memory_space<semaphore_mem>>) src(%arg9 : memref<128x128xf32, #tpu.memory_space<vmem>>) dst(%dma_wait3A_137 : memref<10240x128xf32, #tpu.memory_space<vmem_shared>>)
        tpu.yield
      }) : () -> ()
      %scan3A_125 = arith.constant 0 : i32
      scf.yield %scan3A_125 : i32
    }
    %scan3A_54 = arith.constant 20 : i32
    %barrier3A_55 = arith.constant 0 : index
    tpu.barrier barrier_id(%barrier3A_55)
    %mul3A_56 = arith.constant 640 : i32
    %mul3A_57 = arith.muli %arg1, %mul3A_56 : i32
    %add3A_58 = arith.constant 0 : i32
    %add3A_59 = arith.addi %mul3A_57, %add3A_58 : i32
    %mul3A_60 = arith.constant 640 : i32
    %mul3A_61 = arith.muli %arg1, %mul3A_60 : i32
    %add3A_62 = arith.constant 0 : i32
    %add3A_63 = arith.addi %mul3A_61, %add3A_62 : i32
    "tpu.region"() ({
      %run_scoped3A = tpu.sem_alloc : memref<!tpu.dma_semaphore, #tpu.memory_space<semaphore_mem>>
      %dma_start3A_96 = arith.constant 0 : i32
      %dma_start3A_97 = tpu.memref_slice %arg5[%arg0, %add3A_63, %dma_start3A_96] : memref<2x10240x128xf32, #tpu.memory_space<hbm>> -> memref<1x128x128xf32, #tpu.memory_space<hbm>>
      %dma_start3A_98 = tpu.memref_squeeze %dma_start3A_97 : memref<1x128x128xf32, #tpu.memory_space<hbm>> -> memref<128x128xf32, #tpu.memory_space<hbm>>
      %dma_start3A_99 = arith.constant 0 : i32
      %dma_start3A_100 = tpu.memref_slice %arg10[%add3A_59, %dma_start3A_99] : memref<10240x128xf32, #tpu.memory_space<vmem_shared>> -> memref<128x128xf32, #tpu.memory_space<vmem_shared>>
      tpu.enqueue_dma source(%dma_start3A_100 : memref<128x128xf32, #tpu.memory_space<vmem_shared>>) target(%dma_start3A_98 : memref<128x128xf32, #tpu.memory_space<hbm>>) target_semaphore(%run_scoped3A : memref<!tpu.dma_semaphore, #tpu.memory_space<semaphore_mem>>)
      %dma_wait3A = arith.constant 0 : i32
      %dma_wait3A_101 = tpu.memref_slice %arg5[%arg0, %add3A_63, %dma_wait3A] : memref<2x10240x128xf32, #tpu.memory_space<hbm>> -> memref<1x128x128xf32, #tpu.memory_space<hbm>>
      %dma_wait3A_102 = tpu.memref_squeeze %dma_wait3A_101 : memref<1x128x128xf32, #tpu.memory_space<hbm>> -> memref<128x128xf32, #tpu.memory_space<hbm>>
      %dma_wait3A_103 = arith.constant 0 : i32
      %dma_wait3A_104 = tpu.memref_slice %arg10[%add3A_59, %dma_wait3A_103] : memref<10240x128xf32, #tpu.memory_space<vmem_shared>> -> memref<128x128xf32, #tpu.memory_space<vmem_shared>>
      tpu.wait_dma2 semaphore(%run_scoped3A : memref<!tpu.dma_semaphore, #tpu.memory_space<semaphore_mem>>) src(%dma_wait3A_104 : memref<128x128xf32, #tpu.memory_space<vmem_shared>>) dst(%dma_wait3A_102 : memref<128x128xf32, #tpu.memory_space<hbm>>)
      tpu.yield
    }) : () -> ()
    %mul3A_64 = arith.constant 640 : i32
    %mul3A_65 = arith.muli %arg1, %mul3A_64 : i32
    %add3A_66 = arith.constant 128 : i32
    %add3A_67 = arith.addi %mul3A_65, %add3A_66 : i32
    %mul3A_68 = arith.constant 640 : i32
    %mul3A_69 = arith.muli %arg1, %mul3A_68 : i32
    %add3A_70 = arith.constant 128 : i32
    %add3A_71 = arith.addi %mul3A_69, %add3A_70 : i32
    "tpu.region"() ({
      %run_scoped3A = tpu.sem_alloc : memref<!tpu.dma_semaphore, #tpu.memory_space<semaphore_mem>>
      %dma_start3A_96 = arith.constant 0 : i32
      %dma_start3A_97 = tpu.memref_slice %arg5[%arg0, %add3A_71, %dma_start3A_96] : memref<2x10240x128xf32, #tpu.memory_space<hbm>> -> memref<1x128x128xf32, #tpu.memory_space<hbm>>
      %dma_start3A_98 = tpu.memref_squeeze %dma_start3A_97 : memref<1x128x128xf32, #tpu.memory_space<hbm>> -> memref<128x128xf32, #tpu.memory_space<hbm>>
      %dma_start3A_99 = arith.constant 0 : i32
      %dma_start3A_100 = tpu.memref_slice %arg10[%add3A_67, %dma_start3A_99] : memref<10240x128xf32, #tpu.memory_space<vmem_shared>> -> memref<128x128xf32, #tpu.memory_space<vmem_shared>>
      tpu.enqueue_dma source(%dma_start3A_100 : memref<128x128xf32, #tpu.memory_space<vmem_shared>>) target(%dma_start3A_98 : memref<128x128xf32, #tpu.memory_space<hbm>>) target_semaphore(%run_scoped3A : memref<!tpu.dma_semaphore, #tpu.memory_space<semaphore_mem>>)
      %dma_wait3A = arith.constant 0 : i32
      %dma_wait3A_101 = tpu.memref_slice %arg5[%arg0, %add3A_71, %dma_wait3A] : memref<2x10240x128xf32, #tpu.memory_space<hbm>> -> memref<1x128x128xf32, #tpu.memory_space<hbm>>
      %dma_wait3A_102 = tpu.memref_squeeze %dma_wait3A_101 : memref<1x128x128xf32, #tpu.memory_space<hbm>> -> memref<128x128xf32, #tpu.memory_space<hbm>>
      %dma_wait3A_103 = arith.constant 0 : i32
      %dma_wait3A_104 = tpu.memref_slice %arg10[%add3A_67, %dma_wait3A_103] : memref<10240x128xf32, #tpu.memory_space<vmem_shared>> -> memref<128x128xf32, #tpu.memory_space<vmem_shared>>
      tpu.wait_dma2 semaphore(%run_scoped3A : memref<!tpu.dma_semaphore, #tpu.memory_space<semaphore_mem>>) src(%dma_wait3A_104 : memref<128x128xf32, #tpu.memory_space<vmem_shared>>) dst(%dma_wait3A_102 : memref<128x128xf32, #tpu.memory_space<hbm>>)
      tpu.yield
    }) : () -> ()
    %mul3A_72 = arith.constant 640 : i32
    %mul3A_73 = arith.muli %arg1, %mul3A_72 : i32
    %add3A_74 = arith.constant 256 : i32
    %add3A_75 = arith.addi %mul3A_73, %add3A_74 : i32
    %mul3A_76 = arith.constant 640 : i32
    %mul3A_77 = arith.muli %arg1, %mul3A_76 : i32
    %add3A_78 = arith.constant 256 : i32
    %add3A_79 = arith.addi %mul3A_77, %add3A_78 : i32
    "tpu.region"() ({
      %run_scoped3A = tpu.sem_alloc : memref<!tpu.dma_semaphore, #tpu.memory_space<semaphore_mem>>
      %dma_start3A_96 = arith.constant 0 : i32
      %dma_start3A_97 = tpu.memref_slice %arg5[%arg0, %add3A_79, %dma_start3A_96] : memref<2x10240x128xf32, #tpu.memory_space<hbm>> -> memref<1x128x128xf32, #tpu.memory_space<hbm>>
      %dma_start3A_98 = tpu.memref_squeeze %dma_start3A_97 : memref<1x128x128xf32, #tpu.memory_space<hbm>> -> memref<128x128xf32, #tpu.memory_space<hbm>>
      %dma_start3A_99 = arith.constant 0 : i32
      %dma_start3A_100 = tpu.memref_slice %arg10[%add3A_75, %dma_start3A_99] : memref<10240x128xf32, #tpu.memory_space<vmem_shared>> -> memref<128x128xf32, #tpu.memory_space<vmem_shared>>
      tpu.enqueue_dma source(%dma_start3A_100 : memref<128x128xf32, #tpu.memory_space<vmem_shared>>) target(%dma_start3A_98 : memref<128x128xf32, #tpu.memory_space<hbm>>) target_semaphore(%run_scoped3A : memref<!tpu.dma_semaphore, #tpu.memory_space<semaphore_mem>>)
      %dma_wait3A = arith.constant 0 : i32
      %dma_wait3A_101 = tpu.memref_slice %arg5[%arg0, %add3A_79, %dma_wait3A] : memref<2x10240x128xf32, #tpu.memory_space<hbm>> -> memref<1x128x128xf32, #tpu.memory_space<hbm>>
      %dma_wait3A_102 = tpu.memref_squeeze %dma_wait3A_101 : memref<1x128x128xf32, #tpu.memory_space<hbm>> -> memref<128x128xf32, #tpu.memory_space<hbm>>
      %dma_wait3A_103 = arith.constant 0 : i32
      %dma_wait3A_104 = tpu.memref_slice %arg10[%add3A_75, %dma_wait3A_103] : memref<10240x128xf32, #tpu.memory_space<vmem_shared>> -> memref<128x128xf32, #tpu.memory_space<vmem_shared>>
      tpu.wait_dma2 semaphore(%run_scoped3A : memref<!tpu.dma_semaphore, #tpu.memory_space<semaphore_mem>>) src(%dma_wait3A_104 : memref<128x128xf32, #tpu.memory_space<vmem_shared>>) dst(%dma_wait3A_102 : memref<128x128xf32, #tpu.memory_space<hbm>>)
      tpu.yield
    }) : () -> ()
    %mul3A_80 = arith.constant 640 : i32
    %mul3A_81 = arith.muli %arg1, %mul3A_80 : i32
    %add3A_82 = arith.constant 384 : i32
    %add3A_83 = arith.addi %mul3A_81, %add3A_82 : i32
    %mul3A_84 = arith.constant 640 : i32
    %mul3A_85 = arith.muli %arg1, %mul3A_84 : i32
    %add3A_86 = arith.constant 384 : i32
    %add3A_87 = arith.addi %mul3A_85, %add3A_86 : i32
    "tpu.region"() ({
      %run_scoped3A = tpu.sem_alloc : memref<!tpu.dma_semaphore, #tpu.memory_space<semaphore_mem>>
      %dma_start3A_96 = arith.constant 0 : i32
      %dma_start3A_97 = tpu.memref_slice %arg5[%arg0, %add3A_87, %dma_start3A_96] : memref<2x10240x128xf32, #tpu.memory_space<hbm>> -> memref<1x128x128xf32, #tpu.memory_space<hbm>>
      %dma_start3A_98 = tpu.memref_squeeze %dma_start3A_97 : memref<1x128x128xf32, #tpu.memory_space<hbm>> -> memref<128x128xf32, #tpu.memory_space<hbm>>
      %dma_start3A_99 = arith.constant 0 : i32
      %dma_start3A_100 = tpu.memref_slice %arg10[%add3A_83, %dma_start3A_99] : memref<10240x128xf32, #tpu.memory_space<vmem_shared>> -> memref<128x128xf32, #tpu.memory_space<vmem_shared>>
      tpu.enqueue_dma source(%dma_start3A_100 : memref<128x128xf32, #tpu.memory_space<vmem_shared>>) target(%dma_start3A_98 : memref<128x128xf32, #tpu.memory_space<hbm>>) target_semaphore(%run_scoped3A : memref<!tpu.dma_semaphore, #tpu.memory_space<semaphore_mem>>)
      %dma_wait3A = arith.constant 0 : i32
      %dma_wait3A_101 = tpu.memref_slice %arg5[%arg0, %add3A_87, %dma_wait3A] : memref<2x10240x128xf32, #tpu.memory_space<hbm>> -> memref<1x128x128xf32, #tpu.memory_space<hbm>>
      %dma_wait3A_102 = tpu.memref_squeeze %dma_wait3A_101 : memref<1x128x128xf32, #tpu.memory_space<hbm>> -> memref<128x128xf32, #tpu.memory_space<hbm>>
      %dma_wait3A_103 = arith.constant 0 : i32
      %dma_wait3A_104 = tpu.memref_slice %arg10[%add3A_83, %dma_wait3A_103] : memref<10240x128xf32, #tpu.memory_space<vmem_shared>> -> memref<128x128xf32, #tpu.memory_space<vmem_shared>>
      tpu.wait_dma2 semaphore(%run_scoped3A : memref<!tpu.dma_semaphore, #tpu.memory_space<semaphore_mem>>) src(%dma_wait3A_104 : memref<128x128xf32, #tpu.memory_space<vmem_shared>>) dst(%dma_wait3A_102 : memref<128x128xf32, #tpu.memory_space<hbm>>)
      tpu.yield
    }) : () -> ()
    %mul3A_88 = arith.constant 640 : i32
    %mul3A_89 = arith.muli %arg1, %mul3A_88 : i32
    %add3A_90 = arith.constant 512 : i32
    %add3A_91 = arith.addi %mul3A_89, %add3A_90 : i32
    %mul3A_92 = arith.constant 640 : i32
    %mul3A_93 = arith.muli %arg1, %mul3A_92 : i32
    %add3A_94 = arith.constant 512 : i32
    %add3A_95 = arith.addi %mul3A_93, %add3A_94 : i32
    "tpu.region"() ({
      %run_scoped3A = tpu.sem_alloc : memref<!tpu.dma_semaphore, #tpu.memory_space<semaphore_mem>>
      %dma_start3A_96 = arith.constant 0 : i32
      %dma_start3A_97 = tpu.memref_slice %arg5[%arg0, %add3A_95, %dma_start3A_96] : memref<2x10240x128xf32, #tpu.memory_space<hbm>> -> memref<1x128x128xf32, #tpu.memory_space<hbm>>
      %dma_start3A_98 = tpu.memref_squeeze %dma_start3A_97 : memref<1x128x128xf32, #tpu.memory_space<hbm>> -> memref<128x128xf32, #tpu.memory_space<hbm>>
      %dma_start3A_99 = arith.constant 0 : i32
      %dma_start3A_100 = tpu.memref_slice %arg10[%add3A_91, %dma_start3A_99] : memref<10240x128xf32, #tpu.memory_space<vmem_shared>> -> memref<128x128xf32, #tpu.memory_space<vmem_shared>>
      tpu.enqueue_dma source(%dma_start3A_100 : memref<128x128xf32, #tpu.memory_space<vmem_shared>>) target(%dma_start3A_98 : memref<128x128xf32, #tpu.memory_space<hbm>>) target_semaphore(%run_scoped3A : memref<!tpu.dma_semaphore, #tpu.memory_space<semaphore_mem>>)
      %dma_wait3A = arith.constant 0 : i32
      %dma_wait3A_101 = tpu.memref_slice %arg5[%arg0, %add3A_95, %dma_wait3A] : memref<2x10240x128xf32, #tpu.memory_space<hbm>> -> memref<1x128x128xf32, #tpu.memory_space<hbm>>
      %dma_wait3A_102 = tpu.memref_squeeze %dma_wait3A_101 : memref<1x128x128xf32, #tpu.memory_space<hbm>> -> memref<128x128xf32, #tpu.memory_space<hbm>>
      %dma_wait3A_103 = arith.constant 0 : i32
      %dma_wait3A_104 = tpu.memref_slice %arg10[%add3A_91, %dma_wait3A_103] : memref<10240x128xf32, #tpu.memory_space<vmem_shared>> -> memref<128x128xf32, #tpu.memory_space<vmem_shared>>
      tpu.wait_dma2 semaphore(%run_scoped3A : memref<!tpu.dma_semaphore, #tpu.memory_space<semaphore_mem>>) src(%dma_wait3A_104 : memref<128x128xf32, #tpu.memory_space<vmem_shared>>) dst(%dma_wait3A_102 : memref<128x128xf32, #tpu.memory_space<hbm>>)
      tpu.yield
    }) : () -> ()
    return
  }
}

module attributes {stable_mosaic.version = 14 : i64} {
  func.func @_tc_b_body(%arg0: i32, %arg1: memref<1000x128xf32, #tpu.memory_space<vmem>>, %arg2: memref<128x128xf32, #tpu.memory_space<vmem>>, %arg3: memref<2x1000x16xf32, #tpu.memory_space<vmem>>, %arg4: memref<1000x128xf32, #tpu.memory_space<vmem>>) attributes {dimension_semantics = [#tpu.dimension_semantics<arbitrary>], iteration_bounds = array<i64: 10>, scalar_prefetch = 0 : i64, scratch_operands = 0 : i64, tpu.core_type = #tpu.core_type<tc>, window_params = [{transform_indices = @transform_0, window_bounds = array<i64: 1000, 128>}, {pipeline_mode = #tpu.pipeline_mode<synchronous>, transform_indices = @transform_1, window_bounds = array<i64: 128, 128>}, {transform_indices = @transform_2, window_bounds = array<i64: 2, 1000, 16>}, {transform_indices = @transform_3, window_bounds = array<i64: 1000, 128>}]} {
    %get3A = arith.constant 0 : index
    %get3A_0 = arith.constant 0 : index
    %get3A_1 = arith.constant 0 : index
    %get3A_2 = vector.load %arg3[%get3A, %get3A_0, %get3A_1] : memref<2x1000x16xf32, #tpu.memory_space<vmem>>, vector<1x1000x1xf32>
    %get3A_3 = vector.shape_cast %get3A_2 : vector<1x1000x1xf32> to vector<1000xf32>
    %get3A_4 = arith.constant 1 : index
    %get3A_5 = arith.constant 0 : index
    %get3A_6 = arith.constant 0 : index
    %get3A_7 = vector.load %arg3[%get3A_4, %get3A_5, %get3A_6] : memref<2x1000x16xf32, #tpu.memory_space<vmem>>, vector<1x1000x1xf32>
    %get3A_8 = vector.shape_cast %get3A_7 : vector<1x1000x1xf32> to vector<1000xf32>
    %add3A = arith.addf %get3A_3, %get3A_8 : vector<1000xf32>
    %add3A_9 = arith.constant 1.000000e+00 : f32
    %add3A_10 = vector.broadcast %add3A_9 : f32 to vector<1000xf32>
    %add3A_11 = arith.addf %add3A, %add3A_10 : vector<1000xf32>
    %rsqrt3A = math.rsqrt %add3A_11 : vector<1000xf32>
    %get3A_12 = arith.constant 0 : index
    %get3A_13 = arith.constant 0 : index
    %get3A_14 = vector.load %arg1[%get3A_12, %get3A_13] : memref<1000x128xf32, #tpu.memory_space<vmem>>, vector<1000x128xf32>
    %get3A_15 = arith.constant 0 : index
    %get3A_16 = arith.constant 0 : index
    %get3A_17 = vector.load %arg2[%get3A_15, %get3A_16] : memref<128x128xf32, #tpu.memory_space<vmem>>, vector<128x128xf32>
    %dot_general3A = arith.constant dense<0.000000e+00> : vector<1000x128xf32>
    %dot_general3A_18 = tpu.matmul %get3A_14, %get3A_17, %dot_general3A {dimension_numbers = #tpu.dot_dimension_numbers<[1], [0], [0], [1], [0, 0, 1, 1], [], []>, transpose_lhs_hint = false} : vector<1000x128xf32>, vector<128x128xf32>, vector<1000x128xf32> -> vector<1000x128xf32>
    %broadcast_in_dim3A = vector.shape_cast %rsqrt3A : vector<1000xf32> to vector<1000x1xf32>
    %mul3A = vector.broadcast %broadcast_in_dim3A : vector<1000x1xf32> to vector<1000x128xf32>
    %mul3A_19 = arith.mulf %dot_general3A_18, %mul3A : vector<1000x128xf32>
    %swap3A = arith.constant 0 : index
    %swap3A_20 = arith.constant 0 : index
    %swap3A_21 = vector.load %arg4[%swap3A, %swap3A_20] : memref<1000x128xf32, #tpu.memory_space<vmem>>, vector<1000x128xf32>
    tpu.vector_store %arg4[%swap3A, %swap3A_20], %mul3A_19 {strides = array<i32>} : memref<1000x128xf32, #tpu.memory_space<vmem>>, vector<1000x128xf32>,
    return
  }
  func.func @transform_0(%arg0: i32) -> (i32, i32) {
    %c0_i32 = arith.constant 0 : i32
    %c0_i32_0 = arith.constant 0 : i32
    return %arg0, %c0_i32 : i32, i32
  }
  func.func @transform_1(%arg0: i32) -> (i32, i32) {
    %c0_i32 = arith.constant 0 : i32
    %c0_i32_0 = arith.constant 0 : i32
    %c0_i32_1 = arith.constant 0 : i32
    return %c0_i32, %c0_i32_0 : i32, i32
  }
  func.func @transform_2(%arg0: i32) -> (i32, i32, i32) {
    %c0_i32 = arith.constant 0 : i32
    %c0_i32_0 = arith.constant 0 : i32
    %c0_i32_1 = arith.constant 0 : i32
    return %c0_i32, %arg0, %c0_i32_0 : i32, i32, i32
  }
  func.func @transform_3(%arg0: i32) -> (i32, i32) {
    %c0_i32 = arith.constant 0 : i32
    %c0_i32_0 = arith.constant 0 : i32
    return %arg0, %c0_i32 : i32, i32
  }
}

module attributes {stable_mosaic.version = 14 : i64} {
  func.func @_tc_d_body(%arg0: i32, %arg1: memref<2x1000x128xf32, #tpu.memory_space<vmem>>, %arg2: memref<1000x128xf32, #tpu.memory_space<vmem>>, %arg3: memref<2x1000x16xf32, #tpu.memory_space<vmem>>, %arg4: memref<128x128xf32, #tpu.memory_space<vmem>>, %arg5: memref<128xf32, #tpu.memory_space<vmem>>, %arg6: memref<1000x128xf32, #tpu.memory_space<vmem>>) attributes {dimension_semantics = [#tpu.dimension_semantics<arbitrary>], iteration_bounds = array<i64: 10>, scalar_prefetch = 0 : i64, scratch_operands = 0 : i64, tpu.core_type = #tpu.core_type<tc>, window_params = [{transform_indices = @transform_0, window_bounds = array<i64: 2, 1000, 128>}, {transform_indices = @transform_1, window_bounds = array<i64: 1000, 128>}, {transform_indices = @transform_2, window_bounds = array<i64: 2, 1000, 16>}, {pipeline_mode = #tpu.pipeline_mode<synchronous>, transform_indices = @transform_3, window_bounds = array<i64: 128, 128>}, {pipeline_mode = #tpu.pipeline_mode<synchronous>, transform_indices = @transform_4, window_bounds = array<i64: 128>}, {transform_indices = @transform_5, window_bounds = array<i64: 1000, 128>}]} {
    %get3A = arith.constant 0 : index
    %get3A_0 = arith.constant 0 : index
    %get3A_1 = arith.constant 0 : index
    %get3A_2 = vector.load %arg3[%get3A, %get3A_0, %get3A_1] : memref<2x1000x16xf32, #tpu.memory_space<vmem>>, vector<1x1000x1xf32>
    %get3A_3 = vector.shape_cast %get3A_2 : vector<1x1000x1xf32> to vector<1000xf32>
    %get3A_4 = arith.constant 1 : index
    %get3A_5 = arith.constant 0 : index
    %get3A_6 = arith.constant 0 : index
    %get3A_7 = vector.load %arg3[%get3A_4, %get3A_5, %get3A_6] : memref<2x1000x16xf32, #tpu.memory_space<vmem>>, vector<1x1000x1xf32>
    %get3A_8 = vector.shape_cast %get3A_7 : vector<1x1000x1xf32> to vector<1000xf32>
    %add3A = arith.addf %get3A_3, %get3A_8 : vector<1000xf32>
    %add3A_9 = arith.constant 1.000000e+00 : f32
    %add3A_10 = vector.broadcast %add3A_9 : f32 to vector<1000xf32>
    %add3A_11 = arith.addf %add3A, %add3A_10 : vector<1000xf32>
    %rsqrt3A = math.rsqrt %add3A_11 : vector<1000xf32>
    %broadcast_in_dim3A = vector.shape_cast %rsqrt3A : vector<1000xf32> to vector<1000x1xf32>
    %get3A_12 = arith.constant 0 : index
    %get3A_13 = arith.constant 0 : index
    %get3A_14 = arith.constant 0 : index
    %get3A_15 = vector.load %arg1[%get3A_12, %get3A_13, %get3A_14] : memref<2x1000x128xf32, #tpu.memory_space<vmem>>, vector<1x1000x128xf32>
    %get3A_16 = vector.shape_cast %get3A_15 : vector<1x1000x128xf32> to vector<1000x128xf32>
    %get3A_17 = arith.constant 1 : index
    %get3A_18 = arith.constant 0 : index
    %get3A_19 = arith.constant 0 : index
    %get3A_20 = vector.load %arg1[%get3A_17, %get3A_18, %get3A_19] : memref<2x1000x128xf32, #tpu.memory_space<vmem>>, vector<1x1000x128xf32>
    %get3A_21 = vector.shape_cast %get3A_20 : vector<1x1000x128xf32> to vector<1000x128xf32>
    %add3A_22 = arith.addf %get3A_16, %get3A_21 : vector<1000x128xf32>
    %get3A_23 = arith.constant 0 : index
    %get3A_24 = arith.constant 0 : index
    %get3A_25 = vector.load %arg2[%get3A_23, %get3A_24] : memref<1000x128xf32, #tpu.memory_space<vmem>>, vector<1000x128xf32>
    %add3A_26 = arith.addf %add3A_22, %get3A_25 : vector<1000x128xf32>
    %mul3A = vector.broadcast %broadcast_in_dim3A : vector<1000x1xf32> to vector<1000x128xf32>
    %mul3A_27 = arith.mulf %mul3A, %add3A_26 : vector<1000x128xf32>
    %get3A_28 = arith.constant 0 : index
    %get3A_29 = vector.load %arg5[%get3A_28] : memref<128xf32, #tpu.memory_space<vmem>>, vector<128xf32>
    %broadcast_in_dim3A_30 = vector.shape_cast %get3A_29 : vector<128xf32> to vector<1x128xf32>
    %add3A_31 = vector.broadcast %broadcast_in_dim3A_30 : vector<1x128xf32> to vector<1000x128xf32>
    %add3A_32 = arith.addf %mul3A_27, %add3A_31 : vector<1000x128xf32>
    %max3A = arith.constant 0.000000e+00 : f32
    %max3A_33 = vector.broadcast %max3A : f32 to vector<1000x128xf32>
    %max3A_34 = arith.maximumf %add3A_32, %max3A_33 : vector<1000x128xf32>
    %get3A_35 = arith.constant 0 : index
    %get3A_36 = arith.constant 0 : index
    %get3A_37 = vector.load %arg4[%get3A_35, %get3A_36] : memref<128x128xf32, #tpu.memory_space<vmem>>, vector<128x128xf32>
    %dot_general3A = arith.constant dense<0.000000e+00> : vector<1000x128xf32>
    %dot_general3A_38 = tpu.matmul %max3A_34, %get3A_37, %dot_general3A {dimension_numbers = #tpu.dot_dimension_numbers<[1], [0], [0], [1], [0, 0, 1, 1], [], []>, transpose_lhs_hint = false} : vector<1000x128xf32>, vector<128x128xf32>, vector<1000x128xf32> -> vector<1000x128xf32>
    %broadcast_in_dim3A_39 = vector.shape_cast %rsqrt3A : vector<1000xf32> to vector<1000x1xf32>
    %mul3A_40 = vector.broadcast %broadcast_in_dim3A_39 : vector<1000x1xf32> to vector<1000x128xf32>
    %mul3A_41 = arith.mulf %dot_general3A_38, %mul3A_40 : vector<1000x128xf32>
    %swap3A = arith.constant 0 : index
    %swap3A_42 = arith.constant 0 : index
    %swap3A_43 = vector.load %arg6[%swap3A, %swap3A_42] : memref<1000x128xf32, #tpu.memory_space<vmem>>, vector<1000x128xf32>
    tpu.vector_store %arg6[%swap3A, %swap3A_42], %mul3A_41 {strides = array<i32>} : memref<1000x128xf32, #tpu.memory_space<vmem>>, vector<1000x128xf32>,
    return
  }
  func.func @transform_0(%arg0: i32) -> (i32, i32, i32) {
    %c0_i32 = arith.constant 0 : i32
    %c0_i32_0 = arith.constant 0 : i32
    %c0_i32_1 = arith.constant 0 : i32
    return %c0_i32, %arg0, %c0_i32_0 : i32, i32, i32
  }
  func.func @transform_1(%arg0: i32) -> (i32, i32) {
    %c0_i32 = arith.constant 0 : i32
    %c0_i32_0 = arith.constant 0 : i32
    return %arg0, %c0_i32 : i32, i32
  }
  func.func @transform_2(%arg0: i32) -> (i32, i32, i32) {
    %c0_i32 = arith.constant 0 : i32
    %c0_i32_0 = arith.constant 0 : i32
    %c0_i32_1 = arith.constant 0 : i32
    return %c0_i32, %arg0, %c0_i32_0 : i32, i32, i32
  }
  func.func @transform_3(%arg0: i32) -> (i32, i32) {
    %c0_i32 = arith.constant 0 : i32
    %c0_i32_0 = arith.constant 0 : i32
    %c0_i32_1 = arith.constant 0 : i32
    return %c0_i32, %c0_i32_0 : i32, i32
  }
  func.func @transform_4(%arg0: i32) -> i32 {
    %c0_i32 = arith.constant 0 : i32
    %c0_i32_0 = arith.constant 0 : i32
    return %c0_i32 : i32
  }
  func.func @transform_5(%arg0: i32) -> (i32, i32) {
    %c0_i32 = arith.constant 0 : i32
    %c0_i32_0 = arith.constant 0 : i32
    return %arg0, %c0_i32 : i32, i32
  }
}

module attributes {stable_mosaic.version = 14 : i64} {
  func.func @_tc_f_body(%arg0: i32, %arg1: memref<2x1000x128xf32, #tpu.memory_space<vmem>>, %arg2: memref<1000x128xf32, #tpu.memory_space<vmem>>, %arg3: memref<2x1000x16xf32, #tpu.memory_space<vmem>>, %arg4: memref<128xf32, #tpu.memory_space<vmem>>, %arg5: memref<1000x128xf32, #tpu.memory_space<vmem>>) attributes {dimension_semantics = [#tpu.dimension_semantics<arbitrary>], iteration_bounds = array<i64: 10>, scalar_prefetch = 0 : i64, scratch_operands = 0 : i64, tpu.core_type = #tpu.core_type<tc>, window_params = [{transform_indices = @transform_0, window_bounds = array<i64: 2, 1000, 128>}, {transform_indices = @transform_1, window_bounds = array<i64: 1000, 128>}, {transform_indices = @transform_2, window_bounds = array<i64: 2, 1000, 16>}, {pipeline_mode = #tpu.pipeline_mode<synchronous>, transform_indices = @transform_3, window_bounds = array<i64: 128>}, {transform_indices = @transform_4, window_bounds = array<i64: 1000, 128>}]} {
    %get3A = arith.constant 0 : index
    %get3A_0 = arith.constant 0 : index
    %get3A_1 = arith.constant 0 : index
    %get3A_2 = vector.load %arg3[%get3A, %get3A_0, %get3A_1] : memref<2x1000x16xf32, #tpu.memory_space<vmem>>, vector<1x1000x1xf32>
    %get3A_3 = vector.shape_cast %get3A_2 : vector<1x1000x1xf32> to vector<1000xf32>
    %get3A_4 = arith.constant 1 : index
    %get3A_5 = arith.constant 0 : index
    %get3A_6 = arith.constant 0 : index
    %get3A_7 = vector.load %arg3[%get3A_4, %get3A_5, %get3A_6] : memref<2x1000x16xf32, #tpu.memory_space<vmem>>, vector<1x1000x1xf32>
    %get3A_8 = vector.shape_cast %get3A_7 : vector<1x1000x1xf32> to vector<1000xf32>
    %add3A = arith.addf %get3A_3, %get3A_8 : vector<1000xf32>
    %add3A_9 = arith.constant 1.000000e+00 : f32
    %add3A_10 = vector.broadcast %add3A_9 : f32 to vector<1000xf32>
    %add3A_11 = arith.addf %add3A, %add3A_10 : vector<1000xf32>
    %rsqrt3A = math.rsqrt %add3A_11 : vector<1000xf32>
    %broadcast_in_dim3A = vector.shape_cast %rsqrt3A : vector<1000xf32> to vector<1000x1xf32>
    %get3A_12 = arith.constant 0 : index
    %get3A_13 = arith.constant 0 : index
    %get3A_14 = arith.constant 0 : index
    %get3A_15 = vector.load %arg1[%get3A_12, %get3A_13, %get3A_14] : memref<2x1000x128xf32, #tpu.memory_space<vmem>>, vector<1x1000x128xf32>
    %get3A_16 = vector.shape_cast %get3A_15 : vector<1x1000x128xf32> to vector<1000x128xf32>
    %get3A_17 = arith.constant 1 : index
    %get3A_18 = arith.constant 0 : index
    %get3A_19 = arith.constant 0 : index
    %get3A_20 = vector.load %arg1[%get3A_17, %get3A_18, %get3A_19] : memref<2x1000x128xf32, #tpu.memory_space<vmem>>, vector<1x1000x128xf32>
    %get3A_21 = vector.shape_cast %get3A_20 : vector<1x1000x128xf32> to vector<1000x128xf32>
    %add3A_22 = arith.addf %get3A_16, %get3A_21 : vector<1000x128xf32>
    %get3A_23 = arith.constant 0 : index
    %get3A_24 = arith.constant 0 : index
    %get3A_25 = vector.load %arg2[%get3A_23, %get3A_24] : memref<1000x128xf32, #tpu.memory_space<vmem>>, vector<1000x128xf32>
    %add3A_26 = arith.addf %add3A_22, %get3A_25 : vector<1000x128xf32>
    %mul3A = vector.broadcast %broadcast_in_dim3A : vector<1000x1xf32> to vector<1000x128xf32>
    %mul3A_27 = arith.mulf %mul3A, %add3A_26 : vector<1000x128xf32>
    %get3A_28 = arith.constant 0 : index
    %get3A_29 = vector.load %arg4[%get3A_28] : memref<128xf32, #tpu.memory_space<vmem>>, vector<128xf32>
    %broadcast_in_dim3A_30 = vector.shape_cast %get3A_29 : vector<128xf32> to vector<1x128xf32>
    %add3A_31 = vector.broadcast %broadcast_in_dim3A_30 : vector<1x128xf32> to vector<1000x128xf32>
    %add3A_32 = arith.addf %mul3A_27, %add3A_31 : vector<1000x128xf32>
    %reduce_max3A = arith.constant dense<0xFF800000> : vector<1000xf32>
    %reduce_max3A_33 = vector.multi_reduction <maximumf>, %add3A_32, %reduce_max3A [1] : vector<1000x128xf32> to vector<1000xf32>
    %broadcast_in_dim3A_34 = vector.shape_cast %reduce_max3A_33 : vector<1000xf32> to vector<1000x1xf32>
    %sub3A = vector.broadcast %broadcast_in_dim3A_34 : vector<1000x1xf32> to vector<1000x128xf32>
    %sub3A_35 = arith.subf %add3A_32, %sub3A : vector<1000x128xf32>
    %exp3A = math.exp %sub3A_35 : vector<1000x128xf32>
    %reduce_sum3A = arith.constant dense<0.000000e+00> : vector<1000xf32>
    %reduce_sum3A_36 = vector.multi_reduction <add>, %exp3A, %reduce_sum3A [1] : vector<1000x128xf32> to vector<1000xf32>
    %broadcast_in_dim3A_37 = vector.shape_cast %reduce_sum3A_36 : vector<1000xf32> to vector<1000x1xf32>
    %log3A = math.log %broadcast_in_dim3A_37 : vector<1000x1xf32>
    %add3A_38 = arith.addf %log3A, %broadcast_in_dim3A_34 : vector<1000x1xf32>
    %sub3A_39 = vector.broadcast %add3A_38 : vector<1000x1xf32> to vector<1000x128xf32>
    %sub3A_40 = arith.subf %add3A_32, %sub3A_39 : vector<1000x128xf32>
    %swap3A = arith.constant 0 : index
    %swap3A_41 = arith.constant 0 : index
    %swap3A_42 = vector.load %arg5[%swap3A, %swap3A_41] : memref<1000x128xf32, #tpu.memory_space<vmem>>, vector<1000x128xf32>
    tpu.vector_store %arg5[%swap3A, %swap3A_41], %sub3A_40 {strides = array<i32>} : memref<1000x128xf32, #tpu.memory_space<vmem>>, vector<1000x128xf32>,
    return
  }
  func.func @transform_0(%arg0: i32) -> (i32, i32, i32) {
    %c0_i32 = arith.constant 0 : i32
    %c0_i32_0 = arith.constant 0 : i32
    %c0_i32_1 = arith.constant 0 : i32
    return %c0_i32, %arg0, %c0_i32_0 : i32, i32, i32
  }
  func.func @transform_1(%arg0: i32) -> (i32, i32) {
    %c0_i32 = arith.constant 0 : i32
    %c0_i32_0 = arith.constant 0 : i32
    return %arg0, %c0_i32 : i32, i32
  }
  func.func @transform_2(%arg0: i32) -> (i32, i32, i32) {
    %c0_i32 = arith.constant 0 : i32
    %c0_i32_0 = arith.constant 0 : i32
    %c0_i32_1 = arith.constant 0 : i32
    return %c0_i32, %arg0, %c0_i32_0 : i32, i32, i32
  }
  func.func @transform_3(%arg0: i32) -> i32 {
    %c0_i32 = arith.constant 0 : i32
    %c0_i32_0 = arith.constant 0 : i32
    return %c0_i32 : i32
  }
  func.func @transform_4(%arg0: i32) -> (i32, i32) {
    %c0_i32 = arith.constant 0 : i32
    %c0_i32_0 = arith.constant 0 : i32
    return %arg0, %c0_i32 : i32, i32
  }
}

</mosaic_0001>

<sc_bundles>
// kernel: kernel.11.cloned.1.call-start
scs
__scs_entry_jumppad:
0x0: {  	(pc) =	sbr.rel $0x88, $3  }
0x1: {  	(tag) =	ssettag $0x0;
	lr =	simm.s32 $0x1  }
0x2: {  	[smem:$0x3F9B] =	sst lr;
	_ =	strace $0xD0000000  }
0x3: {  	_ = 	snop  }
0x4: {  	_ = 	snop  }
0x5: {  	_ = 	snop  }
0x6: {  	_ = 	snop  }
0x7: {  	_ = 	snop  }
__scs_overlays_trampoline_lowered:
0x8: {  	[smem:$0x3FAA] =	sst s0  }
0x9: {  	[smem:$0x3FAB] =	sst s1  }
0xa: {  	[smem:$0x3FAC] =	sst s2  }
0xb: {  	[smem:$0x3FAD] =	sst s3  }
0xc: {  	[smem:$0x3FAE] =	sst s4  }
0xd: {  	[smem:$0x3FAF] =	sst s5  }
0xe: {  	[smem:$0x3FB0] =	sst s6  }
0xf: {  	[smem:$0x3FB1] =	sst s7  }
0x10: {  	[smem:$0x3FB2] =	sst s8  }
0x11: {  	[smem:$0x3FB3] =	sst s9;
	s0 =	simm.s32 @!p0 $0x0  }
0x12: {  	s1 =	sld [smem:$0x3F99];
	s0 =	simm.s32 @p0 $0x1  }
0x13: {  	[smem:$0x3FB4] =	sst s0;
	s0 =	simm.s32 @!p1 $0x0  }
0x14: {  	s2 =	sld [smem:$0x3F98];
	s0 =	simm.s32 @p1 $0x1  }
0x15: {  	[smem:$0x3FB5] =	sst s0;
	s0 =	simm.s32 @!p2 $0x0  }
0x16: {  	s3 =	sld [smem:$0x3FDB];
	s0 =	simm.s32 @p2 $0x1  }
0x17: {  	s4 =	simm.s32 $0x1BF5;
	[smem:$0x3FB7] =	sst s0  }
0x18: {  	s0 =	sld [smem:$0x3F9A];
	_ =	swait.ge [sflag:s4], $0x0  }
0x19: {  	s7 =	sld [smem:$0x3F9B]  }
0x1a: {  	s8 =	sadd.s32 $0xFFFFE003, lr  }
0x1b: {  	s9 =	sadd.s32 $0xFFFFFEF7, lr;
	s5 =	simm.s32 $0xFFFFFFFF;
	p2 =	slt.u32 s8, $0xFFFFF086  }
0x1c: {  	p1 =	slt.u32 s9, $0xF7A;
	s5 =	simm.s32 @!p2 $0x0  }
0x1d: {  	s5 =	simm.s32 @p1 $0x1;
	p0 =	seq.s32 s7, s2  }
0x1e: {  	s7 =	smul.u32 @!p0 $0xF7A, s2;
	p2 =	seq.s32 @!p0 s5, $0x0  }
0x1f: {  	s9 =	smul.u32 $0xF7A, s1;
	s8 =	simm.s32 @!p0 $0x1BF5;
	p2 =	por !p2, p0  }
0x20: {  	[sflag:s8] =	ssyncset.s32 @!p0 $0xFFFFF086;
	s6 =	sadd.s32 @!p0 s3, s7;
	s7 =	simm.s32 @!p0 $0x108  }
0x21: {  	s3 =	sadd.s32 s3, s9;
	s6 =	sadd.s32 @!p0 $0x88, s6;
	s7 =	simm.s32 @p2 $0x1082  }
0x22: {  	[simem:s7], [sflag:s8] =	dma.local @!p0 [hbm:s6], $0xF7A  }
0x23: {  	s9 =	sor.u32 $0xD0000000, s2;
	s6 =	simm.s32 $0x108;
	_ =	swait.ge @!p0 [sflag:s8], $0x0  }
0x24: {  	s3 =	sadd.s32 $0x88, s3;
	s6 =	simm.s32 @!p1 $0x1082;
	[sflag:s4] =	ssyncset.s32 $0xFFFFF086  }
0x25: {  	[simem:s6], [sflag:s4] =	dma.local [hbm:s3], $0xF7A  }
0x26: {  	[smem:$0x3F9B] =	sst s1;
	(tag) =	ssettag s2;
	_ =	strace s9  }
0x27: {  	s1 =	sld [smem:$0x3FAB]  }
0x28: {  	s2 =	sld [smem:$0x3FAC]  }
0x29: {  	s4 =	sld [smem:$0x3FAE]  }
0x2a: {  	p0 =	seq.s32 s5, $0x0;
	s5 =	sld [smem:$0x3FAF]  }
0x2b: {  	s6 =	sld [smem:$0x3FB0]  }
0x2c: {  	s7 =	sld [smem:$0x3FB1]  }
0x2d: {  	s3 =	simm.s32 $0x108;
	s8 =	sld [smem:$0x3FB2]  }
0x2e: {  	s3 =	simm.s32 @!p0 $0x1082;
	s9 =	sld [smem:$0x3FB3]  }
0x2f: {  	lr =	sadd.s32 s0, s3;
	s0 =	sld [smem:$0x3FAA]  }
0x30: {  	s3 =	sld [smem:$0x3FAD]  }
0x31: {  	[smem:$0x3FB6] =	sst s10  }
0x32: {  	s10 =	sld [smem:$0x3FB4];
	_ =	sdelay $0x3  }
0x33: {  	p0 =	seq.s32 s10, $0x1;
	s10 =	sld [smem:$0x3FB6];
	_ =	sdelay $0x3  }
0x34: {  	[smem:$0x3FB6] =	sst s10  }
0x35: {  	s10 =	sld [smem:$0x3FB5];
	_ =	sdelay $0x3  }
0x36: {  	p1 =	seq.s32 s10, $0x1;
	s10 =	sld [smem:$0x3FB6];
	_ =	sdelay $0x3  }
0x37: {  	[smem:$0x3FB6] =	sst s10  }
0x38: {  	s10 =	sld [smem:$0x3FB7]  }
0x39: {  	_ = 	snop;
	(pc) =	sbr.ind lr, $3  }
0x3a: {  	_ = 	snop  }
0x3b: {  	_ = 	snop  }
0x3c: {  	p2 =	seq.s32 s10, $0x1;
	s10 =	sld [smem:$0x3FB6]  }
0x3d: {  	_ =	shalt  }
0x3e: {  	_ =	shalt  }
0x3f: {  	_ =	shalt  }
0x40: {  	_ =	shalt  }
0x41: {  	_ =	shalt  }
0x42: {  	_ =	shalt  }
0x43: {  	_ =	shalt  }
0x44: {  	_ =	shalt  }
0x45: {  	_ =	shalt  }
0x46: {  	_ =	shalt  }
0x47: {  	_ =	shalt  }
0x48: {  	_ =	shalt  }
0x49: {  	_ =	shalt  }
0x4a: {  	_ =	shalt  }
0x4b: {  	_ =	shalt  }
0x4c: {  	_ =	shalt  }
0x4d: {  	_ =	shalt  }
0x4e: {  	_ =	shalt  }
0x4f: {  	_ =	shalt  }
0x50: {  	_ =	shalt  }
0x51: {  	_ =	shalt  }
0x52: {  	_ =	shalt  }
0x53: {  	_ =	shalt  }
0x54: {  	_ =	shalt  }
0x55: {  	_ =	shalt  }
0x56: {  	_ =	shalt  }
0x57: {  	_ =	shalt  }
0x58: {  	_ =	shalt  }
0x59: {  	_ =	shalt  }
0x5a: {  	_ =	shalt  }
0x5b: {  	_ =	shalt  }
0x5c: {  	_ =	shalt  }
0x5d: {  	_ =	shalt  }
0x5e: {  	_ =	shalt  }
0x5f: {  	_ =	shalt  }
0x60: {  	_ =	shalt  }
0x61: {  	_ =	shalt  }
0x62: {  	_ =	shalt  }
0x63: {  	_ =	shalt  }
0x64: {  	_ =	shalt  }
0x65: {  	_ =	shalt  }
0x66: {  	_ =	shalt  }
0x67: {  	_ =	shalt  }
0x68: {  	_ =	shalt  }
0x69: {  	_ =	shalt  }
0x6a: {  	_ =	shalt  }
0x6b: {  	_ =	shalt  }
0x6c: {  	_ =	shalt  }
0x6d: {  	_ =	shalt  }
0x6e: {  	_ =	shalt  }
0x6f: {  	_ =	shalt  }
0x70: {  	_ =	shalt  }
0x71: {  	_ =	shalt  }
0x72: {  	_ =	shalt  }
0x73: {  	_ =	shalt  }
0x74: {  	_ =	shalt  }
0x75: {  	_ =	shalt  }
0x76: {  	_ =	shalt  }
0x77: {  	_ =	shalt  }
0x78: {  	_ =	shalt  }
0x79: {  	_ =	shalt  }
0x7a: {  	_ =	shalt  }
0x7b: {  	_ =	shalt  }
0x7c: {  	_ =	shalt  }
0x7d: {  	_ =	shalt  }
0x7e: {  	_ =	shalt  }
0x7f: {  	_ =	shalt  }
0x80: {  	_ =	shalt  }
0x81: {  	_ =	shalt  }
0x82: {  	_ =	shalt  }
0x83: {  	_ =	shalt  }
0x84: {  	_ =	shalt  }
0x85: {  	_ =	shalt  }
0x86: {  	_ =	shalt  }
0x87: {  	_ =	shalt  }
.Lfunc_end0:
.L_simem_size_0:
called_computation.1_lowered:
.L_overlay_start_0:
0x88: {  	s2 =	sld [smem:$0x3FD9]  }
0x89: {  	s3 =	sld [smem:$0x3FFE];
	_ =	sdelay $0x1  }
0x8a: {  	s1 =	srdreg.scid  }
0x8b: {  	s0 =	sand.u32 $0x1, s1  }
0x8c: {  	s17 =	sshll.u32 s0, $0xA;
	s2 =	sadd.s32 s3, s2  }
0x8d: {  	s2 =	sadd.s32 s2, s17  }
0x8e: {  	[smem:$0x3FC2] =	sst s2  }
0x8f: {  	_ = 	snop  }
0x90: {  	s2 =	sld [smem:$0x3FD0];
	(tm) =	ssettm $0x1  }
0x91: {  	s18 =	sld [smem:$0x3FFB];
	_ =	sdelay $0x3  }
0x92: {  	_ =	strace s18  }
0x93: {  	s3 =	sld [smem:$0x3FFC];
	_ =	sdelay $0x3  }
0x94: {  	_ =	strace s3  }
0x95: {  	s3 =	sld [smem:$0x3FFD];
	_ =	sdelay $0x3  }
0x96: {  	_ =	strace s3  }
0x97: {  	_ =	strace $0x8FFFFFFF  }
0x98: {  	s19 =	sld [smem:$0x3FDB];
	_ =	sdelay $0x1  }
0x99: {  	s4 =	simm.s32 $_scs_section_size  }
0x9a: {  	s5 =	simm.s32 $_size__tile_overlayer_lowered;
	s6 =	simm.s32 $_tile_overlayer_lowered  }
0x9b: {  	s22 =	simm.s32 $0x1BFF;
	s21 =	sshll.u32 s6, $0x1;
	s3 =	sadd.s32 s4, s19  }
0x9c: {  	s7 =	simm.s32 $0x0;
	s20 =	sshll.u32 s5, $0x1;
	s5 =	sadd.s32 s21, s3  }
0x9d: {  	[timem:s7], [sflag:s22] =	dma.local [hbm:s5], s20  }
0x9e: {  	_ =	swait.ge [sflag:s22], s20  }
0x9f: {  	s4 =	ssub.s32 $0x0, s20;
	[sflag:s22] =	ssyncset.done $0x0  }
0xa0: {  	[sflag:s22] =	ssyncadd.s32 s4;
	_ =	sdelay $0x1  }
0xa1: {  	s23 =	simm.s32 $0x1B8B  }
0xa2: {  	_ =	swait.ge [sflag:s23], $0x1  }
0xa3: {  	[sflag:s23] =	ssyncset.done $0x0  }
0xa4: {  	s25 =	simm.s32 $0x1B8E;
	s24 =	sld [smem:$0x3FFE];
	[sflag:s23] =	ssyncadd.s32 $0xFFFFFFFF  }
0xa5: {  	s26 =	simm.s32 $execute0_lowered;
	[smem:$0x3FD2] =	sst s25  }
0xa6: {  	s5 =	sshll.u32 s26, $0x1;
	_ =	strace $0x80000049;
	[dreg:$0x1] =	wrdreg $0xFFFFFFFF  }
0xa7: {  	s28 =	simm.s32 $_size_execute0_lowered;
	s3 =	sadd.s32 s3, s5;
	[dreg:$0x0] =	wrdreg $0x0  }
0xa8: {  	s5 =	sshll.u32 s28, $0x1;
	[dreg:$0x2] =	wrdreg s3  }
0xa9: {  	[dreg:$0x3] =	wrdreg s5  }
0xaa: {  	[dreg:$0x4] =	wrdreg $0xC0  }
0xab: {  	_ =	task [dreg:s7], $0x5FFFF  }
0xac: {  	[dreg:$0x1] =	wrdreg $0xFFFFFFFF  }
0xad: {  	[dreg:$0x0] =	wrdreg $0x60  }
0xae: {  	[dreg:$0x2] =	wrdreg s2  }
0xaf: {  	[dreg:$0x3] =	wrdreg s24  }
0xb0: {  	[dreg:$0x4] =	wrdreg $0xA8000  }
0xb1: {  	[dreg:$0x5] =	wrdreg $0x9  }
0xb2: {  	_ =	task.clear_ibuf [dreg:s7], $0x6FFFF;
	_ =	strace $0x90000049  }
0xb3: {  	s29 =	simm.s32 $0x9;
	_ =	strace $0x8000004B  }
0xb4: {  	_ =	swait.ge [sflag:s29], $0x1  }
0xb5: {  	[sflag:s29] =	ssyncadd.s32 $0xFFFFFFFF  }
0xb6: {  	_ =	strace $0x9000004B  }
0xb7: {  	_ =	sfence  }
0xb8: {  	s30 =	sld [smem:$0x0];
	_ =	sdelay $0x2  }
0xb9: {  	s31 =	sshll.u32 s1, $0xD;
	s1 =	sshrl.u32 s1, $0x2  }
0xba: {  	s3 =	sand.u32 $0x4000, s31;
	s1 =	sadd.s32 s1, s30  }
0xbb: {  	s0 =	sor.u32 s3, s0;
	s1 =	sshll.u32 s1, $0x11  }
0xbc: {  	s0 =	sor.u32 s1, s0  }
0xbd: {  	s0 =	sadd.s32 $0x8F2B, s0  }
0xbe: {  	[sflag:s0] =	ssyncadd.remote.s32 $0x1  }
0xbf: {  	_ =	sfence.sel $0xFFFF  }
0xc0: {  	[dreg:$0x0] =	wrdreg $0xFFFFFFFF;
	(pc) =	sbr.abs _section_cstart, $3  }
0xc1: {  	[dreg:$0x1] =	wrdreg $0xFFFFFFFF  }
0xc2: {  	_ =	task.clear_ibuf [dreg:s7], $0x2FFFF;
	_ =	strace $0x9FFFFFFF  }
0xc3: {  	(tm) =	ssettm $0x7FFFFFFF  }
tec
execute0_lowered:
.L_overlay_start_1:
0x0: {  	(tag) =	ssettag $0x1  }
0x1: {  	s1 =	rddreg [dreg:$0x0]  }
0x2: {  	s0 =	rddreg [dreg:$0x1]  }
0x3: {  	s2 =	rddreg [dreg:$0x2];
	s3 =	simm.s32 $0x0;
	s20 =	srdreg.scid  }
0x4: {  	s8 =	stileid.u32;
	s28 =	simm.s32 $0x1380;
	s29 =	simm.s32 $0x2700  }
0x5: {  	s30 =	simm.s32 $0x2780;
	s31 =	simm.s32 $0x0;
	[smem:$0x7FF] =	sst s3  }
0x6: {  	s4 =	sadd.s32 $0xCA00, s0;
	s3 =	sand.u32 $0x1, s20;
	s6 =	smul.u32 $0x50000, s8  }
0x7: {  	s13 =	sadd.s32 $0x2A00, s0;
	s0 =	sadd.s32 $0x66A00, s0;
	s12 =	smul.u32 $0x14000, s8  }
0x8: {  	_ =	strace $0x8000004A;
	s5 =	ssub.s32 $0x2, s3;
	s21 =	sshll.u32 s3, $0x4  }
0x9: {  	s3 =	smul.u32 $0x140000, s3;
	s7 =	sshrl.u32 s5, $0x1;
	s6 =	sshrl.u32 s6, $0x2  }
0xa: {  	s22 =	sor.u32 s8, s21;
	s14 =	sadd.s32 $0x4000, s12;
	s16 =	sadd.s32 $0x8000, s12  }
0xb: {  	s17 =	sadd.s32 $0xC000, s12;
	s18 =	sadd.s32 $0x10000, s12;
	s21 =	simm.s32 $0x3  }
0xc: {  	s19 =	ssub.s32 s5, s7;
	s5 =	sadd.s32 s6, s2;
	s9 =	smul.u32 $0x2800, s22  }
0xd: {  	s6 =	sadd.s32 s14, s2;
	s7 =	sadd.s32 s16, s2;
	s8 =	sadd.s32 s17, s2  }
0xe: {  	s20 =	sadd.s32 s12, s3;
	s14 =	sadd.s32 s3, s14;
	s25 =	sadd.s32 s3, s16  }
0xf: {  	s26 =	sadd.s32 s3, s17;
	s3 =	sadd.s32 s3, s18;
	s22 =	simm.s32 $0x1400  }
0x10: {  	s23 =	sshrl.u32 s20, $0x3;
	s24 =	sshrl.u32 s14, $0x3;
	s17 =	sshrl.u32 s26, $0x3  }
0x11: {  	s3 =	sshrl.u32 s3, $0x3;
	s19 =	smax.u32 s19, $0x1;
	s20 =	simm.s32 $0x2800  }
0x12: {  	s26 =	simm.s32 $0x2;
	s15 =	sshrl.u32 s9, $0x3;
	s9 =	sadd.s32 s18, s2  }
0x13: {  	s14 =	sadd.s32 s0, s23;
	s17 =	sadd.s32 s0, s17;
	s18 =	sadd.s32 s0, s3  }
0x14: {  	s10 =	sadd.s32 s4, s15;
	s11 =	sadd.s32 s13, s15;
	s15 =	sadd.s32 $0x280, s15  }
0x15: {  	s23 =	simm.s32 $0x80;
	[dreg:$0x4] =	wrdreg s10;
	s12 =	sadd.s32 s4, s15  }
0x16: {  	s13 =	sadd.s32 s13, s15;
	s15 =	sadd.s32 s0, s24;
	s4 =	sshrl.u32 s25, $0x3  }
0x17: {  	v0 =	vimm.f32 $0.0e+00;
	s24 =	simm.s32 $0x1;
	s25 =	simm.s32 $0x6800;
	s16 =	sadd.s32 s0, s4  }
.LBB2_1:
0x18: {  	s3 =	simm.s32 $0x0  }
0x19: {  	s0 =	sand.u32 $0xFE00, s3  }
0x1a: {  	s3 =	sand.u32 $0x70, s3;
	s4 =	sshrl.u32 s0, $0x2  }
0x1b: {  	s0 =	simm.s32 $0x40;
	s3 =	sor.u32 s3, s4;
	s4 =	simm.s32 $0x0  }
.LBB2_2:
0x1c: {  	p0 =	sne.s32 s0, $0xFFC0  }
0x1d: {  	[tilespmem:s3+$0x2800] =	vst v0;
	s4 =	sadd.s32 $0x10, s4;
	s3 =	smov.u32 s0;
	s0 =	sadd.s32 $0x40, s0  }
.Ltmp0:
0x1e: {  	(pc) =	sbr.rel @p0 .LBB2_2-.Ltmp0, $4  }
0x1f: {  	_ = 	snop  }
0x20: {  	s3 =	sand.u32 $0xFE00, s3  }
0x21: {  	s10 =	sand.u32 $0x70, s4;
	s3 =	sshrl.u32 s3, $0x2  }
0x22: {  	s3 =	sor.u32 s10, s3  }
0x23: {  	[tilespmem:s3+$0x2800] =	vst v0  }
0x24: {  	[spmem:s5] =	stream.linear.scatter [tilespmem:s20], [sflag:$0x3], $0x4000, $0x38;
	[tilespmem:$0x1E800] =	vst v63  }
0x25: {  	_ =	swait.ge [sflag:s21], $0x4000  }
0x26: {  	[sflag:s21] =	ssyncset.done $0x0  }
0x27: {  	[sflag:s21] =	ssyncadd.s32 $0xFFFFC000  }
0x28: {  	[spmem:s6] =	stream.linear.scatter [tilespmem:s20], [sflag:$0x3], $0x4000, $0x38;
	[tilespmem:$0x1E800] =	vst v63  }
0x29: {  	_ =	swait.ge [sflag:s21], $0x4000  }
0x2a: {  	[sflag:s21] =	ssyncset.done $0x0  }
0x2b: {  	[sflag:s21] =	ssyncadd.s32 $0xFFFFC000  }
0x2c: {  	[spmem:s7] =	stream.linear.scatter [tilespmem:s20], [sflag:$0x3], $0x4000, $0x38;
	[tilespmem:$0x1E800] =	vst v63  }
0x2d: {  	_ =	swait.ge [sflag:s21], $0x4000  }
0x2e: {  	[sflag:s21] =	ssyncset.done $0x0  }
0x2f: {  	[sflag:s21] =	ssyncadd.s32 $0xFFFFC000  }
0x30: {  	[spmem:s8] =	stream.linear.scatter [tilespmem:s20], [sflag:$0x3], $0x4000, $0x38;
	[tilespmem:$0x1E800] =	vst v63  }
0x31: {  	_ =	swait.ge [sflag:s21], $0x4000  }
0x32: {  	[sflag:s21] =	ssyncset.done $0x0  }
0x33: {  	[sflag:s21] =	ssyncadd.s32 $0xFFFFC000  }
0x34: {  	[spmem:s9] =	stream.linear.scatter [tilespmem:s20], [sflag:$0x3], $0x4000, $0x38;
	[tilespmem:$0x1E800] =	vst v63  }
0x35: {  	_ =	swait.ge [sflag:s21], $0x4000  }
0x36: {  	[sflag:s21] =	ssyncset.done $0x0  }
0x37: {  	[sflag:s21] =	ssyncadd.s32 $0xFFFFC000  }
0x38: {  	[bflag:$0x0] =	sbarrier.arrive $0xFFFF  }
0x39: {  	s0 =	simm.s32 $0x0;
	s4 =	rddreg [dreg:$0x4]  }
0x3a: {  	[tilespmem:s0], [sflag:$0x3] =	stream.linear.gather [hbm4b:s4+s0], $0x1400, $0x38;
	[tilespmem:$0x1E800] =	vst v63  }
0x3b: {  	_ =	swait.ge [sflag:s21], $0x1400  }
0x3c: {  	[sflag:s21] =	ssyncset.done $0x0  }
0x3d: {  	[sflag:s21] =	ssyncadd.s32 $0xFFFFEC00  }
0x3e: {  	[tilespmem:s22], [sflag:$0x3] =	stream.linear.gather [hbm4b:s11+s0], $0x1400, $0x38;
	[tilespmem:$0x1E800] =	vst v63  }
0x3f: {  	_ =	swait.ge [sflag:s21], $0x1400  }
0x40: {  	[sflag:s21] =	ssyncset.done $0x0  }
0x41: {  	[sflag:s21] =	ssyncadd.s32 $0xFFFFEC00  }
0x42: {  	[tilespmem:s20], [sflag:$0x1] =	stream.indirect.gather [hbm4b:s1+s23], $0x80, s0, s23, $0xb8;
	[tilespmem:$0x1E800] =	vst v63  }
0x43: {  	_ =	swait.ge [sflag:s24], $0x4000  }
0x44: {  	[sflag:s24] =	ssyncset.done $0x0  }
0x45: {  	s10 =	simm.s32 $0x80;
	[sflag:s24] =	ssyncadd.s32 $0xFFFFC000  }
0x46: {  	[tilespmem:s25], [sflag:$0x2] =	stream.indirect.gather [hbm4b:s1+s23], $0x80, s10, s23, $0xb8;
	[tilespmem:$0x1E800] =	vst v63  }
0x47: {  	s3 =	simm.s32 $0x1400  }
0x48: {  	[spmem:s2] =	stream.indirect.scatter.add.f32 [tilespmem:s20], [sflag:$0x3], $0x80, s3, s23, $0xb8;
	[tilespmem:$0x1E800] =	vst v63  }
0x49: {  	_ =	swait.ge [sflag:s21], $0x4000  }
0x4a: {  	[sflag:s21] =	ssyncset.done $0x0  }
0x4b: {  	[sflag:s21] =	ssyncadd.s32 $0xFFFFC000  }
0x4c: {  	_ =	swait.ge [sflag:s26], $0x4000  }
0x4d: {  	[sflag:s26] =	ssyncset.done $0x0  }
0x4e: {  	s4 =	simm.s32 $0x100;
	[sflag:s26] =	ssyncadd.s32 $0xFFFFC000  }
0x4f: {  	[tilespmem:s20], [sflag:$0x1] =	stream.indirect.gather [hbm4b:s1+s23], $0x80, s4, s23, $0xb8;
	[tilespmem:$0x1E800] =	vst v63  }
0x50: {  	s10 =	simm.s32 $0x1480  }
0x51: {  	[spmem:s2] =	stream.indirect.scatter.add.f32 [tilespmem:s25], [sflag:$0x3], $0x80, s10, s23, $0xb8;
	[tilespmem:$0x1E800] =	vst v63  }
0x52: {  	_ =	swait.ge [sflag:s21], $0x4000  }
0x53: {  	s0 =	simm.s32 $0x400;
	[sflag:s21] =	ssyncset.done $0x0  }
.LBB2_4:
0x54: {  	p0 =	sne.s32 s0, $0x4800  }
0x55: {  	[sflag:s21] =	ssyncadd.s32 $0xFFFFC000;
	s3 =	smov.u32 s0;
	s0 =	sadd.s32 $0x400, s0  }
0x56: {  	_ = 	snop  }
0x57: {  	_ =	swait.ge [sflag:s24], $0x4000  }
0x58: {  	s3 =	sshra.s32 s3, $0x2;
	[sflag:s24] =	ssyncset.done $0x0  }
0x59: {  	s4 =	sadd.s32 $0x80, s3;
	[sflag:s24] =	ssyncadd.s32 $0xFFFFC000  }
0x5a: {  	[tilespmem:s25], [sflag:$0x2] =	stream.indirect.gather [hbm4b:s1+s23], $0x80, s4, s23, $0xb8;
	[tilespmem:$0x1E800] =	vst v63  }
0x5b: {  	s4 =	sadd.s32 $0x1400, s3  }
0x5c: {  	[spmem:s2] =	stream.indirect.scatter.add.f32 [tilespmem:s20], [sflag:$0x3], $0x80, s4, s23, $0xb8;
	[tilespmem:$0x1E800] =	vst v63  }
0x5d: {  	_ =	swait.ge [sflag:s21], $0x4000  }
0x5e: {  	[sflag:s21] =	ssyncset.done $0x0  }
0x5f: {  	[sflag:s21] =	ssyncadd.s32 $0xFFFFC000  }
0x60: {  	_ =	swait.ge [sflag:s26], $0x4000  }
0x61: {  	[sflag:s26] =	ssyncset.done $0x0  }
0x62: {  	s4 =	sadd.s32 $0x100, s3;
	[sflag:s26] =	ssyncadd.s32 $0xFFFFC000  }
0x63: {  	[tilespmem:s20], [sflag:$0x1] =	stream.indirect.gather [hbm4b:s1+s23], $0x80, s4, s23, $0xb8;
	[tilespmem:$0x1E800] =	vst v63  }
.Ltmp1:
0x64: {  	_ = 	snop;
	(pc) =	sbr.rel @p0 .LBB2_4-.Ltmp1, $4  }
0x65: {  	s3 =	sadd.s32 $0x1480, s3  }
0x66: {  	[spmem:s2] =	stream.indirect.scatter.add.f32 [tilespmem:s25], [sflag:$0x3], $0x80, s3, s23, $0xb8;
	[tilespmem:$0x1E800] =	vst v63  }
0x67: {  	_ =	swait.ge [sflag:s21], $0x4000  }
0x68: {  	[sflag:s21] =	ssyncset.done $0x0  }
0x69: {  	[sflag:s21] =	ssyncadd.s32 $0xFFFFC000  }
0x6a: {  	_ =	swait.ge [sflag:s24], $0x4000  }
0x6b: {  	[sflag:s24] =	ssyncset.done $0x0  }
0x6c: {  	[sflag:s24] =	ssyncadd.s32 $0xFFFFC000  }
0x6d: {  	[tilespmem:s25], [sflag:$0x2] =	stream.indirect.gather [hbm4b:s1+s23], $0x80, s28, s23, $0xb8;
	[tilespmem:$0x1E800] =	vst v63  }
0x6e: {  	_ = 	snop  }
0x6f: {  	[spmem:s2] =	stream.indirect.scatter.add.f32 [tilespmem:s20], [sflag:$0x3], $0x80, s29, s23, $0xb8;
	[tilespmem:$0x1E800] =	vst v63  }
0x70: {  	_ =	swait.ge [sflag:s21], $0x4000  }
0x71: {  	[sflag:s21] =	ssyncset.done $0x0  }
0x72: {  	[sflag:s21] =	ssyncadd.s32 $0xFFFFC000  }
0x73: {  	_ =	swait.ge [sflag:s26], $0x4000  }
0x74: {  	[sflag:s26] =	ssyncset.done $0x0  }
0x75: {  	[sflag:s26] =	ssyncadd.s32 $0xFFFFC000  }
0x76: {  	[spmem:s2] =	stream.indirect.scatter.add.f32 [tilespmem:s25], [sflag:$0x3], $0x80, s30, s23, $0xb8;
	[tilespmem:$0x1E800] =	vst v63  }
0x77: {  	_ =	swait.ge [sflag:s21], $0x4000  }
0x78: {  	[sflag:s21] =	ssyncset.done $0x0  }
0x79: {  	s0 =	simm.s32 $0x0;
	[sflag:s21] =	ssyncadd.s32 $0xFFFFC000  }
0x7a: {  	[tilespmem:s0], [sflag:$0x3] =	stream.linear.gather [hbm4b:s12+s0], $0x1400, $0x38;
	[tilespmem:$0x1E800] =	vst v63  }
0x7b: {  	_ =	swait.ge [sflag:s21], $0x1400  }
0x7c: {  	[sflag:s21] =	ssyncset.done $0x0  }
0x7d: {  	[sflag:s21] =	ssyncadd.s32 $0xFFFFEC00  }
0x7e: {  	[tilespmem:s22], [sflag:$0x3] =	stream.linear.gather [hbm4b:s13+s0], $0x1400, $0x38;
	[tilespmem:$0x1E800] =	vst v63  }
0x7f: {  	_ =	swait.ge [sflag:s21], $0x1400  }
0x80: {  	[sflag:s21] =	ssyncset.done $0x0  }
0x81: {  	[sflag:s21] =	ssyncadd.s32 $0xFFFFEC00  }
0x82: {  	[tilespmem:s20], [sflag:$0x1] =	stream.indirect.gather [hbm4b:s1+s23], $0x80, s0, s23, $0xb8;
	[tilespmem:$0x1E800] =	vst v63  }
0x83: {  	_ =	swait.ge [sflag:s24], $0x4000  }
0x84: {  	[sflag:s24] =	ssyncset.done $0x0  }
0x85: {  	s10 =	simm.s32 $0x80;
	[sflag:s24] =	ssyncadd.s32 $0xFFFFC000  }
0x86: {  	[tilespmem:s25], [sflag:$0x2] =	stream.indirect.gather [hbm4b:s1+s23], $0x80, s10, s23, $0xb8;
	[tilespmem:$0x1E800] =	vst v63  }
0x87: {  	s3 =	simm.s32 $0x1400  }
0x88: {  	[spmem:s2] =	stream.indirect.scatter.add.f32 [tilespmem:s20], [sflag:$0x3], $0x80, s3, s23, $0xb8;
	[tilespmem:$0x1E800] =	vst v63  }
0x89: {  	_ =	swait.ge [sflag:s21], $0x4000  }
0x8a: {  	[sflag:s21] =	ssyncset.done $0x0  }
0x8b: {  	[sflag:s21] =	ssyncadd.s32 $0xFFFFC000  }
0x8c: {  	_ =	swait.ge [sflag:s26], $0x4000  }
0x8d: {  	[sflag:s26] =	ssyncset.done $0x0  }
0x8e: {  	s4 =	simm.s32 $0x100;
	[sflag:s26] =	ssyncadd.s32 $0xFFFFC000  }
0x8f: {  	[tilespmem:s20], [sflag:$0x1] =	stream.indirect.gather [hbm4b:s1+s23], $0x80, s4, s23, $0xb8;
	[tilespmem:$0x1E800] =	vst v63  }
0x90: {  	s10 =	simm.s32 $0x1480  }
0x91: {  	[spmem:s2] =	stream.indirect.scatter.add.f32 [tilespmem:s25], [sflag:$0x3], $0x80, s10, s23, $0xb8;
	[tilespmem:$0x1E800] =	vst v63  }
0x92: {  	_ =	swait.ge [sflag:s21], $0x4000  }
0x93: {  	s0 =	simm.s32 $0x400;
	[sflag:s21] =	ssyncset.done $0x0  }
.LBB2_6:
0x94: {  	p0 =	sne.s32 s0, $0x4800  }
0x95: {  	[sflag:s21] =	ssyncadd.s32 $0xFFFFC000;
	s3 =	smov.u32 s0;
	s0 =	sadd.s32 $0x400, s0  }
0x96: {  	_ = 	snop  }
0x97: {  	_ =	swait.ge [sflag:s24], $0x4000  }
0x98: {  	s3 =	sshra.s32 s3, $0x2;
	[sflag:s24] =	ssyncset.done $0x0  }
0x99: {  	s4 =	sadd.s32 $0x80, s3;
	[sflag:s24] =	ssyncadd.s32 $0xFFFFC000  }
0x9a: {  	[tilespmem:s25], [sflag:$0x2] =	stream.indirect.gather [hbm4b:s1+s23], $0x80, s4, s23, $0xb8;
	[tilespmem:$0x1E800] =	vst v63  }
0x9b: {  	s4 =	sadd.s32 $0x1400, s3  }
0x9c: {  	[spmem:s2] =	stream.indirect.scatter.add.f32 [tilespmem:s20], [sflag:$0x3], $0x80, s4, s23, $0xb8;
	[tilespmem:$0x1E800] =	vst v63  }
0x9d: {  	_ =	swait.ge [sflag:s21], $0x4000  }
0x9e: {  	[sflag:s21] =	ssyncset.done $0x0  }
0x9f: {  	[sflag:s21] =	ssyncadd.s32 $0xFFFFC000  }
0xa0: {  	_ =	swait.ge [sflag:s26], $0x4000  }
0xa1: {  	[sflag:s26] =	ssyncset.done $0x0  }
0xa2: {  	s4 =	sadd.s32 $0x100, s3;
	[sflag:s26] =	ssyncadd.s32 $0xFFFFC000  }
0xa3: {  	[tilespmem:s20], [sflag:$0x1] =	stream.indirect.gather [hbm4b:s1+s23], $0x80, s4, s23, $0xb8;
	[tilespmem:$0x1E800] =	vst v63  }
.Ltmp2:
0xa4: {  	_ = 	snop;
	(pc) =	sbr.rel @p0 .LBB2_6-.Ltmp2, $4  }
0xa5: {  	s3 =	sadd.s32 $0x1480, s3  }
0xa6: {  	[spmem:s2] =	stream.indirect.scatter.add.f32 [tilespmem:s25], [sflag:$0x3], $0x80, s3, s23, $0xb8;
	[tilespmem:$0x1E800] =	vst v63  }
0xa7: {  	_ =	swait.ge [sflag:s21], $0x4000  }
0xa8: {  	[sflag:s21] =	ssyncset.done $0x0  }
0xa9: {  	[sflag:s21] =	ssyncadd.s32 $0xFFFFC000  }
0xaa: {  	_ =	swait.ge [sflag:s24], $0x4000  }
0xab: {  	[sflag:s24] =	ssyncset.done $0x0  }
0xac: {  	[sflag:s24] =	ssyncadd.s32 $0xFFFFC000  }
0xad: {  	[tilespmem:s25], [sflag:$0x2] =	stream.indirect.gather [hbm4b:s1+s23], $0x80, s28, s23, $0xb8;
	[tilespmem:$0x1E800] =	vst v63  }
0xae: {  	_ = 	snop  }
0xaf: {  	[spmem:s2] =	stream.indirect.scatter.add.f32 [tilespmem:s20], [sflag:$0x3], $0x80, s29, s23, $0xb8;
	[tilespmem:$0x1E800] =	vst v63  }
0xb0: {  	_ =	swait.ge [sflag:s21], $0x4000  }
0xb1: {  	[sflag:s21] =	ssyncset.done $0x0  }
0xb2: {  	[sflag:s21] =	ssyncadd.s32 $0xFFFFC000  }
0xb3: {  	_ =	swait.ge [sflag:s26], $0x4000  }
0xb4: {  	[sflag:s26] =	ssyncset.done $0x0  }
0xb5: {  	[sflag:s26] =	ssyncadd.s32 $0xFFFFC000  }
0xb6: {  	[spmem:s2] =	stream.indirect.scatter.add.f32 [tilespmem:s25], [sflag:$0x3], $0x80, s30, s23, $0xb8;
	[tilespmem:$0x1E800] =	vst v63  }
0xb7: {  	_ =	swait.ge [sflag:s21], $0x4000  }
0xb8: {  	s0 =	stileid.u32;
	[sflag:s21] =	ssyncset.done $0x0  }
0xb9: {  	s0 =	sshll.u32 s0, $0x6;
	[sflag:s21] =	ssyncadd.s32 $0xFFFFC000  }
0xba: {  	s3 =	sshrl.u32 s5, $0x3;
	s0 =	sor.u32 $0x1C03, s0;
	[bflag:$0x0] =	sbarrier.arrive $0xFFFF  }
0xbb: {  	[hbm:s14], [sflag:s0] =	dma.local [spmem:s3], $0x800  }
0xbc: {  	_ =	swait.ge [sflag:s21], $0x800  }
0xbd: {  	[sflag:s21] =	ssyncset.done $0x0  }
0xbe: {  	s4 =	sshrl.u32 s6, $0x3;
	[sflag:s21] =	ssyncadd.s32 $0xFFFFF800  }
0xbf: {  	[hbm:s15], [sflag:s0] =	dma.local [spmem:s4], $0x800  }
0xc0: {  	_ =	swait.ge [sflag:s21], $0x800  }
0xc1: {  	[sflag:s21] =	ssyncset.done $0x0  }
0xc2: {  	s10 =	sshrl.u32 s7, $0x3;
	[sflag:s21] =	ssyncadd.s32 $0xFFFFF800  }
0xc3: {  	[hbm:s16], [sflag:s0] =	dma.local [spmem:s10], $0x800  }
0xc4: {  	_ =	swait.ge [sflag:s21], $0x800  }
0xc5: {  	[sflag:s21] =	ssyncset.done $0x0  }
0xc6: {  	s4 =	sshrl.u32 s8, $0x3;
	[sflag:s21] =	ssyncadd.s32 $0xFFFFF800  }
0xc7: {  	[hbm:s17], [sflag:s0] =	dma.local [spmem:s4], $0x800  }
0xc8: {  	s31 =	sadd.s32 $0x1, s31;
	_ =	swait.ge [sflag:s21], $0x800  }
0xc9: {  	p0 =	sne.s32 s31, s19;
	[sflag:s21] =	ssyncset.done $0x0  }
.Ltmp3:
0xca: {  	s10 =	sshrl.u32 s9, $0x3;
	[sflag:s21] =	ssyncadd.s32 $0xFFFFF800;
	(pc) =	sbr.rel @p0 .LBB2_1-.Ltmp3, $4  }
0xcb: {  	[hbm:s18], [sflag:s0] =	dma.local [spmem:s10], $0x800  }
0xcc: {  	_ =	swait.ge [sflag:s21], $0x800  }
0xcd: {  	[sflag:s21] =	ssyncset.done $0x0  }
0xce: {  	[sflag:s21] =	ssyncadd.s32 $0xFFFFF800  }
0xcf: {  	_ =	sfence.sel $0x180000  }
0xd0: {  	[bflag:$0x0] =	sbarrier.arrive $0xFFFF  }
0xd1: {  	_ =	strace $0x9000004A  }
0xd2: {  	s0 =	stileid.u32;
	[bflag:$0x2] =	sbarrier.arrive $0xFFFF  }
0xd3: {  	p0 =	sne.s32 s0, $0x0;
	s0 =	rddreg [dreg:$0x3]  }
0xd4: {  	s0 =	sadd.s32 @!p0 $0x100000, s0  }
0xd5: {  	[sflag:s0] =	ssyncadd.tile.s32 @!p0 $0x1;
	_ =	shalt  }
.Lfunc_end2:
_tile_overlayer_lowered:
.L_overlay_start_2:
0xd6: {  	(tag) =	ssettag $0x2  }
0xd7: {  	s0 =	rddreg [dreg:$0x0];
	s2 =	stileid.u32  }
0xd8: {  	s1 =	rddreg [dreg:$0x1];
	p0 =	sne.s32 s2, $0x0  }
0xd9: {  	s3 =	rddreg [dreg:$0x2];
	[bflag:$0x3] =	sbarrier.arrive $0xFFFF;
	s2 =	simm.s32 @!p0 $0x1C03  }
0xda: {  	[timem:s3], [sflag:s2] =	dma.local @!p0 [hbm:s0], s1  }
0xdb: {  	s0 =	simm.s32 @!p0 $0x3  }
0xdc: {  	_ =	swait.ge @!p0 [sflag:s0], s1  }
0xdd: {  	s1 =	ssub.s32 @!p0 $0x0, s1;
	[sflag:s0] =	ssyncset.done @!p0 $0x0  }
0xde: {  	[sflag:s0] =	ssyncadd.s32 @!p0 s1  }
0xdf: {  	[bflag:$0x3] =	sbarrier.arrive $0xFFFF  }
0xe0: {  	_ =	shalt  }

// kernel: kernel.14.cloned.1.call-start
scs
__scs_entry_jumppad:
0x0: {  	(pc) =	sbr.rel $0x88, $3  }
0x1: {  	(tag) =	ssettag $0x0;
	lr =	simm.s32 $0x1  }
0x2: {  	[smem:$0x3F9B] =	sst lr;
	_ =	strace $0xD0000000  }
0x3: {  	_ = 	snop  }
0x4: {  	_ = 	snop  }
0x5: {  	_ = 	snop  }
0x6: {  	_ = 	snop  }
0x7: {  	_ = 	snop  }
__scs_overlays_trampoline_lowered:
0x8: {  	[smem:$0x3FAA] =	sst s0  }
0x9: {  	[smem:$0x3FAB] =	sst s1  }
0xa: {  	[smem:$0x3FAC] =	sst s2  }
0xb: {  	[smem:$0x3FAD] =	sst s3  }
0xc: {  	[smem:$0x3FAE] =	sst s4  }
0xd: {  	[smem:$0x3FAF] =	sst s5  }
0xe: {  	[smem:$0x3FB0] =	sst s6  }
0xf: {  	[smem:$0x3FB1] =	sst s7  }
0x10: {  	[smem:$0x3FB2] =	sst s8  }
0x11: {  	[smem:$0x3FB3] =	sst s9;
	s0 =	simm.s32 @!p0 $0x0  }
0x12: {  	s1 =	sld [smem:$0x3F99];
	s0 =	simm.s32 @p0 $0x1  }
0x13: {  	[smem:$0x3FB4] =	sst s0;
	s0 =	simm.s32 @!p1 $0x0  }
0x14: {  	s2 =	sld [smem:$0x3F98];
	s0 =	simm.s32 @p1 $0x1  }
0x15: {  	[smem:$0x3FB5] =	sst s0;
	s0 =	simm.s32 @!p2 $0x0  }
0x16: {  	s3 =	sld [smem:$0x3FDB];
	s0 =	simm.s32 @p2 $0x1  }
0x17: {  	s4 =	simm.s32 $0x1BF5;
	[smem:$0x3FB7] =	sst s0  }
0x18: {  	s0 =	sld [smem:$0x3F9A];
	_ =	swait.ge [sflag:s4], $0x0  }
0x19: {  	s7 =	sld [smem:$0x3F9B]  }
0x1a: {  	s8 =	sadd.s32 $0xFFFFE003, lr  }
0x1b: {  	s9 =	sadd.s32 $0xFFFFFEF7, lr;
	s5 =	simm.s32 $0xFFFFFFFF;
	p2 =	slt.u32 s8, $0xFFFFF086  }
0x1c: {  	p1 =	slt.u32 s9, $0xF7A;
	s5 =	simm.s32 @!p2 $0x0  }
0x1d: {  	s5 =	simm.s32 @p1 $0x1;
	p0 =	seq.s32 s7, s2  }
0x1e: {  	s7 =	smul.u32 @!p0 $0xF7A, s2;
	p2 =	seq.s32 @!p0 s5, $0x0  }
0x1f: {  	s9 =	smul.u32 $0xF7A, s1;
	s8 =	simm.s32 @!p0 $0x1BF5;
	p2 =	por !p2, p0  }
0x20: {  	[sflag:s8] =	ssyncset.s32 @!p0 $0xFFFFF086;
	s6 =	sadd.s32 @!p0 s3, s7;
	s7 =	simm.s32 @!p0 $0x108  }
0x21: {  	s3 =	sadd.s32 s3, s9;
	s6 =	sadd.s32 @!p0 $0x88, s6;
	s7 =	simm.s32 @p2 $0x1082  }
0x22: {  	[simem:s7], [sflag:s8] =	dma.local @!p0 [hbm:s6], $0xF7A  }
0x23: {  	s9 =	sor.u32 $0xD0000000, s2;
	s6 =	simm.s32 $0x108;
	_ =	swait.ge @!p0 [sflag:s8], $0x0  }
0x24: {  	s3 =	sadd.s32 $0x88, s3;
	s6 =	simm.s32 @!p1 $0x1082;
	[sflag:s4] =	ssyncset.s32 $0xFFFFF086  }
0x25: {  	[simem:s6], [sflag:s4] =	dma.local [hbm:s3], $0xF7A  }
0x26: {  	[smem:$0x3F9B] =	sst s1;
	(tag) =	ssettag s2;
	_ =	strace s9  }
0x27: {  	s1 =	sld [smem:$0x3FAB]  }
0x28: {  	s2 =	sld [smem:$0x3FAC]  }
0x29: {  	s4 =	sld [smem:$0x3FAE]  }
0x2a: {  	p0 =	seq.s32 s5, $0x0;
	s5 =	sld [smem:$0x3FAF]  }
0x2b: {  	s6 =	sld [smem:$0x3FB0]  }
0x2c: {  	s7 =	sld [smem:$0x3FB1]  }
0x2d: {  	s3 =	simm.s32 $0x108;
	s8 =	sld [smem:$0x3FB2]  }
0x2e: {  	s3 =	simm.s32 @!p0 $0x1082;
	s9 =	sld [smem:$0x3FB3]  }
0x2f: {  	lr =	sadd.s32 s0, s3;
	s0 =	sld [smem:$0x3FAA]  }
0x30: {  	s3 =	sld [smem:$0x3FAD]  }
0x31: {  	[smem:$0x3FB6] =	sst s10  }
0x32: {  	s10 =	sld [smem:$0x3FB4];
	_ =	sdelay $0x3  }
0x33: {  	p0 =	seq.s32 s10, $0x1;
	s10 =	sld [smem:$0x3FB6];
	_ =	sdelay $0x3  }
0x34: {  	[smem:$0x3FB6] =	sst s10  }
0x35: {  	s10 =	sld [smem:$0x3FB5];
	_ =	sdelay $0x3  }
0x36: {  	p1 =	seq.s32 s10, $0x1;
	s10 =	sld [smem:$0x3FB6];
	_ =	sdelay $0x3  }
0x37: {  	[smem:$0x3FB6] =	sst s10  }
0x38: {  	s10 =	sld [smem:$0x3FB7]  }
0x39: {  	_ = 	snop;
	(pc) =	sbr.ind lr, $3  }
0x3a: {  	_ = 	snop  }
0x3b: {  	_ = 	snop  }
0x3c: {  	p2 =	seq.s32 s10, $0x1;
	s10 =	sld [smem:$0x3FB6]  }
0x3d: {  	_ =	shalt  }
0x3e: {  	_ =	shalt  }
0x3f: {  	_ =	shalt  }
0x40: {  	_ =	shalt  }
0x41: {  	_ =	shalt  }
0x42: {  	_ =	shalt  }
0x43: {  	_ =	shalt  }
0x44: {  	_ =	shalt  }
0x45: {  	_ =	shalt  }
0x46: {  	_ =	shalt  }
0x47: {  	_ =	shalt  }
0x48: {  	_ =	shalt  }
0x49: {  	_ =	shalt  }
0x4a: {  	_ =	shalt  }
0x4b: {  	_ =	shalt  }
0x4c: {  	_ =	shalt  }
0x4d: {  	_ =	shalt  }
0x4e: {  	_ =	shalt  }
0x4f: {  	_ =	shalt  }
0x50: {  	_ =	shalt  }
0x51: {  	_ =	shalt  }
0x52: {  	_ =	shalt  }
0x53: {  	_ =	shalt  }
0x54: {  	_ =	shalt  }
0x55: {  	_ =	shalt  }
0x56: {  	_ =	shalt  }
0x57: {  	_ =	shalt  }
0x58: {  	_ =	shalt  }
0x59: {  	_ =	shalt  }
0x5a: {  	_ =	shalt  }
0x5b: {  	_ =	shalt  }
0x5c: {  	_ =	shalt  }
0x5d: {  	_ =	shalt  }
0x5e: {  	_ =	shalt  }
0x5f: {  	_ =	shalt  }
0x60: {  	_ =	shalt  }
0x61: {  	_ =	shalt  }
0x62: {  	_ =	shalt  }
0x63: {  	_ =	shalt  }
0x64: {  	_ =	shalt  }
0x65: {  	_ =	shalt  }
0x66: {  	_ =	shalt  }
0x67: {  	_ =	shalt  }
0x68: {  	_ =	shalt  }
0x69: {  	_ =	shalt  }
0x6a: {  	_ =	shalt  }
0x6b: {  	_ =	shalt  }
0x6c: {  	_ =	shalt  }
0x6d: {  	_ =	shalt  }
0x6e: {  	_ =	shalt  }
0x6f: {  	_ =	shalt  }
0x70: {  	_ =	shalt  }
0x71: {  	_ =	shalt  }
0x72: {  	_ =	shalt  }
0x73: {  	_ =	shalt  }
0x74: {  	_ =	shalt  }
0x75: {  	_ =	shalt  }
0x76: {  	_ =	shalt  }
0x77: {  	_ =	shalt  }
0x78: {  	_ =	shalt  }
0x79: {  	_ =	shalt  }
0x7a: {  	_ =	shalt  }
0x7b: {  	_ =	shalt  }
0x7c: {  	_ =	shalt  }
0x7d: {  	_ =	shalt  }
0x7e: {  	_ =	shalt  }
0x7f: {  	_ =	shalt  }
0x80: {  	_ =	shalt  }
0x81: {  	_ =	shalt  }
0x82: {  	_ =	shalt  }
0x83: {  	_ =	shalt  }
0x84: {  	_ =	shalt  }
0x85: {  	_ =	shalt  }
0x86: {  	_ =	shalt  }
0x87: {  	_ =	shalt  }
.Lfunc_end0:
.L_simem_size_0:
called_computation.2_lowered:
.L_overlay_start_0:
0x88: {  	s2 =	sld [smem:$0x3FD9]  }
0x89: {  	s3 =	sld [smem:$0x3FFE];
	_ =	sdelay $0x1  }
0x8a: {  	s1 =	srdreg.scid  }
0x8b: {  	s0 =	sand.u32 $0x1, s1  }
0x8c: {  	s17 =	sshll.u32 s0, $0xA;
	s2 =	sadd.s32 s3, s2  }
0x8d: {  	s2 =	sadd.s32 s2, s17  }
0x8e: {  	[smem:$0x3FC2] =	sst s2  }
0x8f: {  	_ = 	snop  }
0x90: {  	s2 =	sld [smem:$0x3FD0];
	(tm) =	ssettm $0x1  }
0x91: {  	s18 =	sld [smem:$0x3FFB];
	_ =	sdelay $0x3  }
0x92: {  	_ =	strace s18  }
0x93: {  	s3 =	sld [smem:$0x3FFC];
	_ =	sdelay $0x3  }
0x94: {  	_ =	strace s3  }
0x95: {  	s3 =	sld [smem:$0x3FFD];
	_ =	sdelay $0x3  }
0x96: {  	_ =	strace s3  }
0x97: {  	_ =	strace $0x8FFFFFFF  }
0x98: {  	s19 =	sld [smem:$0x3FDB];
	_ =	sdelay $0x1  }
0x99: {  	s4 =	simm.s32 $_scs_section_size  }
0x9a: {  	s5 =	simm.s32 $_size__tile_overlayer_lowered;
	s6 =	simm.s32 $_tile_overlayer_lowered  }
0x9b: {  	s22 =	simm.s32 $0x1BFF;
	s21 =	sshll.u32 s6, $0x1;
	s3 =	sadd.s32 s4, s19  }
0x9c: {  	s7 =	simm.s32 $0x0;
	s20 =	sshll.u32 s5, $0x1;
	s5 =	sadd.s32 s21, s3  }
0x9d: {  	[timem:s7], [sflag:s22] =	dma.local [hbm:s5], s20  }
0x9e: {  	_ =	swait.ge [sflag:s22], s20  }
0x9f: {  	s4 =	ssub.s32 $0x0, s20;
	[sflag:s22] =	ssyncset.done $0x0  }
0xa0: {  	[sflag:s22] =	ssyncadd.s32 s4;
	_ =	sdelay $0x1  }
0xa1: {  	s23 =	simm.s32 $0x1B8B  }
0xa2: {  	_ =	swait.ge [sflag:s23], $0x1  }
0xa3: {  	[sflag:s23] =	ssyncset.done $0x0  }
0xa4: {  	s25 =	simm.s32 $0x1B8E;
	s24 =	sld [smem:$0x3FFE];
	[sflag:s23] =	ssyncadd.s32 $0xFFFFFFFF  }
0xa5: {  	s26 =	simm.s32 $execute0_lowered;
	[smem:$0x3FD2] =	sst s25  }
0xa6: {  	s5 =	sshll.u32 s26, $0x1;
	_ =	strace $0x8000004C;
	[dreg:$0x1] =	wrdreg $0xFFFFFFFF  }
0xa7: {  	s28 =	simm.s32 $_size_execute0_lowered;
	s3 =	sadd.s32 s3, s5;
	[dreg:$0x0] =	wrdreg $0x0  }
0xa8: {  	s5 =	sshll.u32 s28, $0x1;
	[dreg:$0x2] =	wrdreg s3  }
0xa9: {  	[dreg:$0x3] =	wrdreg s5  }
0xaa: {  	[dreg:$0x4] =	wrdreg $0xC0  }
0xab: {  	_ =	task [dreg:s7], $0x5FFFF  }
0xac: {  	[dreg:$0x1] =	wrdreg $0xFFFFFFFF  }
0xad: {  	[dreg:$0x0] =	wrdreg $0x60  }
0xae: {  	[dreg:$0x2] =	wrdreg s2  }
0xaf: {  	[dreg:$0x3] =	wrdreg s24  }
0xb0: {  	[dreg:$0x4] =	wrdreg $0xA8000  }
0xb1: {  	[dreg:$0x5] =	wrdreg $0x9  }
0xb2: {  	_ =	task.clear_ibuf [dreg:s7], $0x6FFFF;
	_ =	strace $0x9000004C  }
0xb3: {  	s29 =	simm.s32 $0x9;
	_ =	strace $0x8000004E  }
0xb4: {  	_ =	swait.ge [sflag:s29], $0x1  }
0xb5: {  	[sflag:s29] =	ssyncadd.s32 $0xFFFFFFFF  }
0xb6: {  	_ =	strace $0x9000004E  }
0xb7: {  	_ =	sfence  }
0xb8: {  	s30 =	sld [smem:$0x0];
	_ =	sdelay $0x2  }
0xb9: {  	s31 =	sshll.u32 s1, $0xD;
	s1 =	sshrl.u32 s1, $0x2  }
0xba: {  	s3 =	sand.u32 $0x4000, s31;
	s1 =	sadd.s32 s1, s30  }
0xbb: {  	s0 =	sor.u32 s3, s0;
	s1 =	sshll.u32 s1, $0x11  }
0xbc: {  	s0 =	sor.u32 s1, s0  }
0xbd: {  	s0 =	sadd.s32 $0x8F2B, s0  }
0xbe: {  	[sflag:s0] =	ssyncadd.remote.s32 $0x1  }
0xbf: {  	_ =	sfence.sel $0xFFFF  }
0xc0: {  	[dreg:$0x0] =	wrdreg $0xFFFFFFFF;
	(pc) =	sbr.abs _section_cstart, $3  }
0xc1: {  	[dreg:$0x1] =	wrdreg $0xFFFFFFFF  }
0xc2: {  	_ =	task.clear_ibuf [dreg:s7], $0x2FFFF;
	_ =	strace $0x9FFFFFFF  }
0xc3: {  	(tm) =	ssettm $0x7FFFFFFF  }
tec
execute0_lowered:
.L_overlay_start_1:
0x0: {  	(tag) =	ssettag $0x1  }
0x1: {  	s1 =	rddreg [dreg:$0x0]  }
0x2: {  	s0 =	rddreg [dreg:$0x1]  }
0x3: {  	s2 =	rddreg [dreg:$0x2];
	s3 =	simm.s32 $0x0;
	s20 =	srdreg.scid  }
0x4: {  	s8 =	stileid.u32;
	s28 =	simm.s32 $0x1380;
	s29 =	simm.s32 $0x2700  }
0x5: {  	s30 =	simm.s32 $0x2780;
	s31 =	simm.s32 $0x0;
	[smem:$0x7FF] =	sst s3  }
0x6: {  	s4 =	sadd.s32 $0xCA00, s0;
	s3 =	sand.u32 $0x1, s20;
	s6 =	smul.u32 $0x50000, s8  }
0x7: {  	s13 =	sadd.s32 $0x2A00, s0;
	s0 =	sadd.s32 $0x66A00, s0;
	s12 =	smul.u32 $0x14000, s8  }
0x8: {  	_ =	strace $0x8000004D;
	s5 =	ssub.s32 $0x2, s3;
	s21 =	sshll.u32 s3, $0x4  }
0x9: {  	s3 =	smul.u32 $0x140000, s3;
	s7 =	sshrl.u32 s5, $0x1;
	s6 =	sshrl.u32 s6, $0x2  }
0xa: {  	s22 =	sor.u32 s8, s21;
	s14 =	sadd.s32 $0x4000, s12;
	s16 =	sadd.s32 $0x8000, s12  }
0xb: {  	s17 =	sadd.s32 $0xC000, s12;
	s18 =	sadd.s32 $0x10000, s12;
	s21 =	simm.s32 $0x3  }
0xc: {  	s19 =	ssub.s32 s5, s7;
	s5 =	sadd.s32 s6, s2;
	s9 =	smul.u32 $0x2800, s22  }
0xd: {  	s6 =	sadd.s32 s14, s2;
	s7 =	sadd.s32 s16, s2;
	s8 =	sadd.s32 s17, s2  }
0xe: {  	s20 =	sadd.s32 s12, s3;
	s14 =	sadd.s32 s3, s14;
	s25 =	sadd.s32 s3, s16  }
0xf: {  	s26 =	sadd.s32 s3, s17;
	s3 =	sadd.s32 s3, s18;
	s22 =	simm.s32 $0x1400  }
0x10: {  	s23 =	sshrl.u32 s20, $0x3;
	s24 =	sshrl.u32 s14, $0x3;
	s17 =	sshrl.u32 s26, $0x3  }
0x11: {  	s3 =	sshrl.u32 s3, $0x3;
	s19 =	smax.u32 s19, $0x1;
	s20 =	simm.s32 $0x2800  }
0x12: {  	s26 =	simm.s32 $0x2;
	s15 =	sshrl.u32 s9, $0x3;
	s9 =	sadd.s32 s18, s2  }
0x13: {  	s14 =	sadd.s32 s0, s23;
	s17 =	sadd.s32 s0, s17;
	s18 =	sadd.s32 s0, s3  }
0x14: {  	s10 =	sadd.s32 s4, s15;
	s11 =	sadd.s32 s13, s15;
	s15 =	sadd.s32 $0x280, s15  }
0x15: {  	s23 =	simm.s32 $0x80;
	[dreg:$0x4] =	wrdreg s10;
	s12 =	sadd.s32 s4, s15  }
0x16: {  	s13 =	sadd.s32 s13, s15;
	s15 =	sadd.s32 s0, s24;
	s4 =	sshrl.u32 s25, $0x3  }
0x17: {  	v0 =	vimm.f32 $0.0e+00;
	s24 =	simm.s32 $0x1;
	s25 =	simm.s32 $0x6800;
	s16 =	sadd.s32 s0, s4  }
.LBB2_1:
0x18: {  	s3 =	simm.s32 $0x0  }
0x19: {  	s0 =	sand.u32 $0xFE00, s3  }
0x1a: {  	s3 =	sand.u32 $0x70, s3;
	s4 =	sshrl.u32 s0, $0x2  }
0x1b: {  	s0 =	simm.s32 $0x40;
	s3 =	sor.u32 s3, s4;
	s4 =	simm.s32 $0x0  }
.LBB2_2:
0x1c: {  	p0 =	sne.s32 s0, $0xFFC0  }
0x1d: {  	[tilespmem:s3+$0x2800] =	vst v0;
	s4 =	sadd.s32 $0x10, s4;
	s3 =	smov.u32 s0;
	s0 =	sadd.s32 $0x40, s0  }
.Ltmp0:
0x1e: {  	(pc) =	sbr.rel @p0 .LBB2_2-.Ltmp0, $4  }
0x1f: {  	_ = 	snop  }
0x20: {  	s3 =	sand.u32 $0xFE00, s3  }
0x21: {  	s10 =	sand.u32 $0x70, s4;
	s3 =	sshrl.u32 s3, $0x2  }
0x22: {  	s3 =	sor.u32 s10, s3  }
0x23: {  	[tilespmem:s3+$0x2800] =	vst v0  }
0x24: {  	[spmem:s5] =	stream.linear.scatter [tilespmem:s20], [sflag:$0x3], $0x4000, $0x38;
	[tilespmem:$0x1E800] =	vst v63  }
0x25: {  	_ =	swait.ge [sflag:s21], $0x4000  }
0x26: {  	[sflag:s21] =	ssyncset.done $0x0  }
0x27: {  	[sflag:s21] =	ssyncadd.s32 $0xFFFFC000  }
0x28: {  	[spmem:s6] =	stream.linear.scatter [tilespmem:s20], [sflag:$0x3], $0x4000, $0x38;
	[tilespmem:$0x1E800] =	vst v63  }
0x29: {  	_ =	swait.ge [sflag:s21], $0x4000  }
0x2a: {  	[sflag:s21] =	ssyncset.done $0x0  }
0x2b: {  	[sflag:s21] =	ssyncadd.s32 $0xFFFFC000  }
0x2c: {  	[spmem:s7] =	stream.linear.scatter [tilespmem:s20], [sflag:$0x3], $0x4000, $0x38;
	[tilespmem:$0x1E800] =	vst v63  }
0x2d: {  	_ =	swait.ge [sflag:s21], $0x4000  }
0x2e: {  	[sflag:s21] =	ssyncset.done $0x0  }
0x2f: {  	[sflag:s21] =	ssyncadd.s32 $0xFFFFC000  }
0x30: {  	[spmem:s8] =	stream.linear.scatter [tilespmem:s20], [sflag:$0x3], $0x4000, $0x38;
	[tilespmem:$0x1E800] =	vst v63  }
0x31: {  	_ =	swait.ge [sflag:s21], $0x4000  }
0x32: {  	[sflag:s21] =	ssyncset.done $0x0  }
0x33: {  	[sflag:s21] =	ssyncadd.s32 $0xFFFFC000  }
0x34: {  	[spmem:s9] =	stream.linear.scatter [tilespmem:s20], [sflag:$0x3], $0x4000, $0x38;
	[tilespmem:$0x1E800] =	vst v63  }
0x35: {  	_ =	swait.ge [sflag:s21], $0x4000  }
0x36: {  	[sflag:s21] =	ssyncset.done $0x0  }
0x37: {  	[sflag:s21] =	ssyncadd.s32 $0xFFFFC000  }
0x38: {  	[bflag:$0x0] =	sbarrier.arrive $0xFFFF  }
0x39: {  	s0 =	simm.s32 $0x0;
	s4 =	rddreg [dreg:$0x4]  }
0x3a: {  	[tilespmem:s0], [sflag:$0x3] =	stream.linear.gather [hbm4b:s4+s0], $0x1400, $0x38;
	[tilespmem:$0x1E800] =	vst v63  }
0x3b: {  	_ =	swait.ge [sflag:s21], $0x1400  }
0x3c: {  	[sflag:s21] =	ssyncset.done $0x0  }
0x3d: {  	[sflag:s21] =	ssyncadd.s32 $0xFFFFEC00  }
0x3e: {  	[tilespmem:s22], [sflag:$0x3] =	stream.linear.gather [hbm4b:s11+s0], $0x1400, $0x38;
	[tilespmem:$0x1E800] =	vst v63  }
0x3f: {  	_ =	swait.ge [sflag:s21], $0x1400  }
0x40: {  	[sflag:s21] =	ssyncset.done $0x0  }
0x41: {  	[sflag:s21] =	ssyncadd.s32 $0xFFFFEC00  }
0x42: {  	[tilespmem:s20], [sflag:$0x1] =	stream.indirect.gather [hbm4b:s1+s23], $0x80, s0, s23, $0xb8;
	[tilespmem:$0x1E800] =	vst v63  }
0x43: {  	_ =	swait.ge [sflag:s24], $0x4000  }
0x44: {  	[sflag:s24] =	ssyncset.done $0x0  }
0x45: {  	s10 =	simm.s32 $0x80;
	[sflag:s24] =	ssyncadd.s32 $0xFFFFC000  }
0x46: {  	[tilespmem:s25], [sflag:$0x2] =	stream.indirect.gather [hbm4b:s1+s23], $0x80, s10, s23, $0xb8;
	[tilespmem:$0x1E800] =	vst v63  }
0x47: {  	s3 =	simm.s32 $0x1400  }
0x48: {  	[spmem:s2] =	stream.indirect.scatter.add.f32 [tilespmem:s20], [sflag:$0x3], $0x80, s3, s23, $0xb8;
	[tilespmem:$0x1E800] =	vst v63  }
0x49: {  	_ =	swait.ge [sflag:s21], $0x4000  }
0x4a: {  	[sflag:s21] =	ssyncset.done $0x0  }
0x4b: {  	[sflag:s21] =	ssyncadd.s32 $0xFFFFC000  }
0x4c: {  	_ =	swait.ge [sflag:s26], $0x4000  }
0x4d: {  	[sflag:s26] =	ssyncset.done $0x0  }
0x4e: {  	s4 =	simm.s32 $0x100;
	[sflag:s26] =	ssyncadd.s32 $0xFFFFC000  }
0x4f: {  	[tilespmem:s20], [sflag:$0x1] =	stream.indirect.gather [hbm4b:s1+s23], $0x80, s4, s23, $0xb8;
	[tilespmem:$0x1E800] =	vst v63  }
0x50: {  	s10 =	simm.s32 $0x1480  }
0x51: {  	[spmem:s2] =	stream.indirect.scatter.add.f32 [tilespmem:s25], [sflag:$0x3], $0x80, s10, s23, $0xb8;
	[tilespmem:$0x1E800] =	vst v63  }
0x52: {  	_ =	swait.ge [sflag:s21], $0x4000  }
0x53: {  	s0 =	simm.s32 $0x400;
	[sflag:s21] =	ssyncset.done $0x0  }
.LBB2_4:
0x54: {  	p0 =	sne.s32 s0, $0x4800  }
0x55: {  	[sflag:s21] =	ssyncadd.s32 $0xFFFFC000;
	s3 =	smov.u32 s0;
	s0 =	sadd.s32 $0x400, s0  }
0x56: {  	_ = 	snop  }
0x57: {  	_ =	swait.ge [sflag:s24], $0x4000  }
0x58: {  	s3 =	sshra.s32 s3, $0x2;
	[sflag:s24] =	ssyncset.done $0x0  }
0x59: {  	s4 =	sadd.s32 $0x80, s3;
	[sflag:s24] =	ssyncadd.s32 $0xFFFFC000  }
0x5a: {  	[tilespmem:s25], [sflag:$0x2] =	stream.indirect.gather [hbm4b:s1+s23], $0x80, s4, s23, $0xb8;
	[tilespmem:$0x1E800] =	vst v63  }
0x5b: {  	s4 =	sadd.s32 $0x1400, s3  }
0x5c: {  	[spmem:s2] =	stream.indirect.scatter.add.f32 [tilespmem:s20], [sflag:$0x3], $0x80, s4, s23, $0xb8;
	[tilespmem:$0x1E800] =	vst v63  }
0x5d: {  	_ =	swait.ge [sflag:s21], $0x4000  }
0x5e: {  	[sflag:s21] =	ssyncset.done $0x0  }
0x5f: {  	[sflag:s21] =	ssyncadd.s32 $0xFFFFC000  }
0x60: {  	_ =	swait.ge [sflag:s26], $0x4000  }
0x61: {  	[sflag:s26] =	ssyncset.done $0x0  }
0x62: {  	s4 =	sadd.s32 $0x100, s3;
	[sflag:s26] =	ssyncadd.s32 $0xFFFFC000  }
0x63: {  	[tilespmem:s20], [sflag:$0x1] =	stream.indirect.gather [hbm4b:s1+s23], $0x80, s4, s23, $0xb8;
	[tilespmem:$0x1E800] =	vst v63  }
.Ltmp1:
0x64: {  	_ = 	snop;
	(pc) =	sbr.rel @p0 .LBB2_4-.Ltmp1, $4  }
0x65: {  	s3 =	sadd.s32 $0x1480, s3  }
0x66: {  	[spmem:s2] =	stream.indirect.scatter.add.f32 [tilespmem:s25], [sflag:$0x3], $0x80, s3, s23, $0xb8;
	[tilespmem:$0x1E800] =	vst v63  }
0x67: {  	_ =	swait.ge [sflag:s21], $0x4000  }
0x68: {  	[sflag:s21] =	ssyncset.done $0x0  }
0x69: {  	[sflag:s21] =	ssyncadd.s32 $0xFFFFC000  }
0x6a: {  	_ =	swait.ge [sflag:s24], $0x4000  }
0x6b: {  	[sflag:s24] =	ssyncset.done $0x0  }
0x6c: {  	[sflag:s24] =	ssyncadd.s32 $0xFFFFC000  }
0x6d: {  	[tilespmem:s25], [sflag:$0x2] =	stream.indirect.gather [hbm4b:s1+s23], $0x80, s28, s23, $0xb8;
	[tilespmem:$0x1E800] =	vst v63  }
0x6e: {  	_ = 	snop  }
0x6f: {  	[spmem:s2] =	stream.indirect.scatter.add.f32 [tilespmem:s20], [sflag:$0x3], $0x80, s29, s23, $0xb8;
	[tilespmem:$0x1E800] =	vst v63  }
0x70: {  	_ =	swait.ge [sflag:s21], $0x4000  }
0x71: {  	[sflag:s21] =	ssyncset.done $0x0  }
0x72: {  	[sflag:s21] =	ssyncadd.s32 $0xFFFFC000  }
0x73: {  	_ =	swait.ge [sflag:s26], $0x4000  }
0x74: {  	[sflag:s26] =	ssyncset.done $0x0  }
0x75: {  	[sflag:s26] =	ssyncadd.s32 $0xFFFFC000  }
0x76: {  	[spmem:s2] =	stream.indirect.scatter.add.f32 [tilespmem:s25], [sflag:$0x3], $0x80, s30, s23, $0xb8;
	[tilespmem:$0x1E800] =	vst v63  }
0x77: {  	_ =	swait.ge [sflag:s21], $0x4000  }
0x78: {  	[sflag:s21] =	ssyncset.done $0x0  }
0x79: {  	s0 =	simm.s32 $0x0;
	[sflag:s21] =	ssyncadd.s32 $0xFFFFC000  }
0x7a: {  	[tilespmem:s0], [sflag:$0x3] =	stream.linear.gather [hbm4b:s12+s0], $0x1400, $0x38;
	[tilespmem:$0x1E800] =	vst v63  }
0x7b: {  	_ =	swait.ge [sflag:s21], $0x1400  }
0x7c: {  	[sflag:s21] =	ssyncset.done $0x0  }
0x7d: {  	[sflag:s21] =	ssyncadd.s32 $0xFFFFEC00  }
0x7e: {  	[tilespmem:s22], [sflag:$0x3] =	stream.linear.gather [hbm4b:s13+s0], $0x1400, $0x38;
	[tilespmem:$0x1E800] =	vst v63  }
0x7f: {  	_ =	swait.ge [sflag:s21], $0x1400  }
0x80: {  	[sflag:s21] =	ssyncset.done $0x0  }
0x81: {  	[sflag:s21] =	ssyncadd.s32 $0xFFFFEC00  }
0x82: {  	[tilespmem:s20], [sflag:$0x1] =	stream.indirect.gather [hbm4b:s1+s23], $0x80, s0, s23, $0xb8;
	[tilespmem:$0x1E800] =	vst v63  }
0x83: {  	_ =	swait.ge [sflag:s24], $0x4000  }
0x84: {  	[sflag:s24] =	ssyncset.done $0x0  }
0x85: {  	s10 =	simm.s32 $0x80;
	[sflag:s24] =	ssyncadd.s32 $0xFFFFC000  }
0x86: {  	[tilespmem:s25], [sflag:$0x2] =	stream.indirect.gather [hbm4b:s1+s23], $0x80, s10, s23, $0xb8;
	[tilespmem:$0x1E800] =	vst v63  }
0x87: {  	s3 =	simm.s32 $0x1400  }
0x88: {  	[spmem:s2] =	stream.indirect.scatter.add.f32 [tilespmem:s20], [sflag:$0x3], $0x80, s3, s23, $0xb8;
	[tilespmem:$0x1E800] =	vst v63  }
0x89: {  	_ =	swait.ge [sflag:s21], $0x4000  }
0x8a: {  	[sflag:s21] =	ssyncset.done $0x0  }
0x8b: {  	[sflag:s21] =	ssyncadd.s32 $0xFFFFC000  }
0x8c: {  	_ =	swait.ge [sflag:s26], $0x4000  }
0x8d: {  	[sflag:s26] =	ssyncset.done $0x0  }
0x8e: {  	s4 =	simm.s32 $0x100;
	[sflag:s26] =	ssyncadd.s32 $0xFFFFC000  }
0x8f: {  	[tilespmem:s20], [sflag:$0x1] =	stream.indirect.gather [hbm4b:s1+s23], $0x80, s4, s23, $0xb8;
	[tilespmem:$0x1E800] =	vst v63  }
0x90: {  	s10 =	simm.s32 $0x1480  }
0x91: {  	[spmem:s2] =	stream.indirect.scatter.add.f32 [tilespmem:s25], [sflag:$0x3], $0x80, s10, s23, $0xb8;
	[tilespmem:$0x1E800] =	vst v63  }
0x92: {  	_ =	swait.ge [sflag:s21], $0x4000  }
0x93: {  	s0 =	simm.s32 $0x400;
	[sflag:s21] =	ssyncset.done $0x0  }
.LBB2_6:
0x94: {  	p0 =	sne.s32 s0, $0x4800  }
0x95: {  	[sflag:s21] =	ssyncadd.s32 $0xFFFFC000;
	s3 =	smov.u32 s0;
	s0 =	sadd.s32 $0x400, s0  }
0x96: {  	_ = 	snop  }
0x97: {  	_ =	swait.ge [sflag:s24], $0x4000  }
0x98: {  	s3 =	sshra.s32 s3, $0x2;
	[sflag:s24] =	ssyncset.done $0x0  }
0x99: {  	s4 =	sadd.s32 $0x80, s3;
	[sflag:s24] =	ssyncadd.s32 $0xFFFFC000  }
0x9a: {  	[tilespmem:s25], [sflag:$0x2] =	stream.indirect.gather [hbm4b:s1+s23], $0x80, s4, s23, $0xb8;
	[tilespmem:$0x1E800] =	vst v63  }
0x9b: {  	s4 =	sadd.s32 $0x1400, s3  }
0x9c: {  	[spmem:s2] =	stream.indirect.scatter.add.f32 [tilespmem:s20], [sflag:$0x3], $0x80, s4, s23, $0xb8;
	[tilespmem:$0x1E800] =	vst v63  }
0x9d: {  	_ =	swait.ge [sflag:s21], $0x4000  }
0x9e: {  	[sflag:s21] =	ssyncset.done $0x0  }
0x9f: {  	[sflag:s21] =	ssyncadd.s32 $0xFFFFC000  }
0xa0: {  	_ =	swait.ge [sflag:s26], $0x4000  }
0xa1: {  	[sflag:s26] =	ssyncset.done $0x0  }
0xa2: {  	s4 =	sadd.s32 $0x100, s3;
	[sflag:s26] =	ssyncadd.s32 $0xFFFFC000  }
0xa3: {  	[tilespmem:s20], [sflag:$0x1] =	stream.indirect.gather [hbm4b:s1+s23], $0x80, s4, s23, $0xb8;
	[tilespmem:$0x1E800] =	vst v63  }
.Ltmp2:
0xa4: {  	_ = 	snop;
	(pc) =	sbr.rel @p0 .LBB2_6-.Ltmp2, $4  }
0xa5: {  	s3 =	sadd.s32 $0x1480, s3  }
0xa6: {  	[spmem:s2] =	stream.indirect.scatter.add.f32 [tilespmem:s25], [sflag:$0x3], $0x80, s3, s23, $0xb8;
	[tilespmem:$0x1E800] =	vst v63  }
0xa7: {  	_ =	swait.ge [sflag:s21], $0x4000  }
0xa8: {  	[sflag:s21] =	ssyncset.done $0x0  }
0xa9: {  	[sflag:s21] =	ssyncadd.s32 $0xFFFFC000  }
0xaa: {  	_ =	swait.ge [sflag:s24], $0x4000  }
0xab: {  	[sflag:s24] =	ssyncset.done $0x0  }
0xac: {  	[sflag:s24] =	ssyncadd.s32 $0xFFFFC000  }
0xad: {  	[tilespmem:s25], [sflag:$0x2] =	stream.indirect.gather [hbm4b:s1+s23], $0x80, s28, s23, $0xb8;
	[tilespmem:$0x1E800] =	vst v63  }
0xae: {  	_ = 	snop  }
0xaf: {  	[spmem:s2] =	stream.indirect.scatter.add.f32 [tilespmem:s20], [sflag:$0x3], $0x80, s29, s23, $0xb8;
	[tilespmem:$0x1E800] =	vst v63  }
0xb0: {  	_ =	swait.ge [sflag:s21], $0x4000  }
0xb1: {  	[sflag:s21] =	ssyncset.done $0x0  }
0xb2: {  	[sflag:s21] =	ssyncadd.s32 $0xFFFFC000  }
0xb3: {  	_ =	swait.ge [sflag:s26], $0x4000  }
0xb4: {  	[sflag:s26] =	ssyncset.done $0x0  }
0xb5: {  	[sflag:s26] =	ssyncadd.s32 $0xFFFFC000  }
0xb6: {  	[spmem:s2] =	stream.indirect.scatter.add.f32 [tilespmem:s25], [sflag:$0x3], $0x80, s30, s23, $0xb8;
	[tilespmem:$0x1E800] =	vst v63  }
0xb7: {  	_ =	swait.ge [sflag:s21], $0x4000  }
0xb8: {  	s0 =	stileid.u32;
	[sflag:s21] =	ssyncset.done $0x0  }
0xb9: {  	s0 =	sshll.u32 s0, $0x6;
	[sflag:s21] =	ssyncadd.s32 $0xFFFFC000  }
0xba: {  	s3 =	sshrl.u32 s5, $0x3;
	s0 =	sor.u32 $0x1C03, s0;
	[bflag:$0x0] =	sbarrier.arrive $0xFFFF  }
0xbb: {  	[hbm:s14], [sflag:s0] =	dma.local [spmem:s3], $0x800  }
0xbc: {  	_ =	swait.ge [sflag:s21], $0x800  }
0xbd: {  	[sflag:s21] =	ssyncset.done $0x0  }
0xbe: {  	s4 =	sshrl.u32 s6, $0x3;
	[sflag:s21] =	ssyncadd.s32 $0xFFFFF800  }
0xbf: {  	[hbm:s15], [sflag:s0] =	dma.local [spmem:s4], $0x800  }
0xc0: {  	_ =	swait.ge [sflag:s21], $0x800  }
0xc1: {  	[sflag:s21] =	ssyncset.done $0x0  }
0xc2: {  	s10 =	sshrl.u32 s7, $0x3;
	[sflag:s21] =	ssyncadd.s32 $0xFFFFF800  }
0xc3: {  	[hbm:s16], [sflag:s0] =	dma.local [spmem:s10], $0x800  }
0xc4: {  	_ =	swait.ge [sflag:s21], $0x800  }
0xc5: {  	[sflag:s21] =	ssyncset.done $0x0  }
0xc6: {  	s4 =	sshrl.u32 s8, $0x3;
	[sflag:s21] =	ssyncadd.s32 $0xFFFFF800  }
0xc7: {  	[hbm:s17], [sflag:s0] =	dma.local [spmem:s4], $0x800  }
0xc8: {  	s31 =	sadd.s32 $0x1, s31;
	_ =	swait.ge [sflag:s21], $0x800  }
0xc9: {  	p0 =	sne.s32 s31, s19;
	[sflag:s21] =	ssyncset.done $0x0  }
.Ltmp3:
0xca: {  	s10 =	sshrl.u32 s9, $0x3;
	[sflag:s21] =	ssyncadd.s32 $0xFFFFF800;
	(pc) =	sbr.rel @p0 .LBB2_1-.Ltmp3, $4  }
0xcb: {  	[hbm:s18], [sflag:s0] =	dma.local [spmem:s10], $0x800  }
0xcc: {  	_ =	swait.ge [sflag:s21], $0x800  }
0xcd: {  	[sflag:s21] =	ssyncset.done $0x0  }
0xce: {  	[sflag:s21] =	ssyncadd.s32 $0xFFFFF800  }
0xcf: {  	_ =	sfence.sel $0x180000  }
0xd0: {  	[bflag:$0x0] =	sbarrier.arrive $0xFFFF  }
0xd1: {  	_ =	strace $0x9000004D  }
0xd2: {  	s0 =	stileid.u32;
	[bflag:$0x2] =	sbarrier.arrive $0xFFFF  }
0xd3: {  	p0 =	sne.s32 s0, $0x0;
	s0 =	rddreg [dreg:$0x3]  }
0xd4: {  	s0 =	sadd.s32 @!p0 $0x100000, s0  }
0xd5: {  	[sflag:s0] =	ssyncadd.tile.s32 @!p0 $0x1;
	_ =	shalt  }
.Lfunc_end2:
_tile_overlayer_lowered:
.L_overlay_start_2:
0xd6: {  	(tag) =	ssettag $0x2  }
0xd7: {  	s0 =	rddreg [dreg:$0x0];
	s2 =	stileid.u32  }
0xd8: {  	s1 =	rddreg [dreg:$0x1];
	p0 =	sne.s32 s2, $0x0  }
0xd9: {  	s3 =	rddreg [dreg:$0x2];
	[bflag:$0x3] =	sbarrier.arrive $0xFFFF;
	s2 =	simm.s32 @!p0 $0x1C03  }
0xda: {  	[timem:s3], [sflag:s2] =	dma.local @!p0 [hbm:s0], s1  }
0xdb: {  	s0 =	simm.s32 @!p0 $0x3  }
0xdc: {  	_ =	swait.ge @!p0 [sflag:s0], s1  }
0xdd: {  	s1 =	ssub.s32 @!p0 $0x0, s1;
	[sflag:s0] =	ssyncset.done @!p0 $0x0  }
0xde: {  	[sflag:s0] =	ssyncadd.s32 @!p0 s1  }
0xdf: {  	[bflag:$0x3] =	sbarrier.arrive $0xFFFF  }
0xe0: {  	_ =	shalt  }

// kernel: kernel.8.cloned.1.call-start
scs
__scs_entry_jumppad:
0x0: {  	(pc) =	sbr.rel $0x88, $3  }
0x1: {  	(tag) =	ssettag $0x0;
	lr =	simm.s32 $0x1  }
0x2: {  	[smem:$0x3F9B] =	sst lr;
	_ =	strace $0xD0000000  }
0x3: {  	_ = 	snop  }
0x4: {  	_ = 	snop  }
0x5: {  	_ = 	snop  }
0x6: {  	_ = 	snop  }
0x7: {  	_ = 	snop  }
__scs_overlays_trampoline_lowered:
0x8: {  	[smem:$0x3FAA] =	sst s0  }
0x9: {  	[smem:$0x3FAB] =	sst s1  }
0xa: {  	[smem:$0x3FAC] =	sst s2  }
0xb: {  	[smem:$0x3FAD] =	sst s3  }
0xc: {  	[smem:$0x3FAE] =	sst s4  }
0xd: {  	[smem:$0x3FAF] =	sst s5  }
0xe: {  	[smem:$0x3FB0] =	sst s6  }
0xf: {  	[smem:$0x3FB1] =	sst s7  }
0x10: {  	[smem:$0x3FB2] =	sst s8  }
0x11: {  	[smem:$0x3FB3] =	sst s9;
	s0 =	simm.s32 @!p0 $0x0  }
0x12: {  	s1 =	sld [smem:$0x3F99];
	s0 =	simm.s32 @p0 $0x1  }
0x13: {  	[smem:$0x3FB4] =	sst s0;
	s0 =	simm.s32 @!p1 $0x0  }
0x14: {  	s2 =	sld [smem:$0x3F98];
	s0 =	simm.s32 @p1 $0x1  }
0x15: {  	[smem:$0x3FB5] =	sst s0;
	s0 =	simm.s32 @!p2 $0x0  }
0x16: {  	s3 =	sld [smem:$0x3FDB];
	s0 =	simm.s32 @p2 $0x1  }
0x17: {  	s4 =	simm.s32 $0x1BF5;
	[smem:$0x3FB7] =	sst s0  }
0x18: {  	s0 =	sld [smem:$0x3F9A];
	_ =	swait.ge [sflag:s4], $0x0  }
0x19: {  	s7 =	sld [smem:$0x3F9B]  }
0x1a: {  	s8 =	sadd.s32 $0xFFFFE003, lr  }
0x1b: {  	s9 =	sadd.s32 $0xFFFFFEF7, lr;
	s5 =	simm.s32 $0xFFFFFFFF;
	p2 =	slt.u32 s8, $0xFFFFF086  }
0x1c: {  	p1 =	slt.u32 s9, $0xF7A;
	s5 =	simm.s32 @!p2 $0x0  }
0x1d: {  	s5 =	simm.s32 @p1 $0x1;
	p0 =	seq.s32 s7, s2  }
0x1e: {  	s7 =	smul.u32 @!p0 $0xF7A, s2;
	p2 =	seq.s32 @!p0 s5, $0x0  }
0x1f: {  	s9 =	smul.u32 $0xF7A, s1;
	s8 =	simm.s32 @!p0 $0x1BF5;
	p2 =	por !p2, p0  }
0x20: {  	[sflag:s8] =	ssyncset.s32 @!p0 $0xFFFFF086;
	s6 =	sadd.s32 @!p0 s3, s7;
	s7 =	simm.s32 @!p0 $0x108  }
0x21: {  	s3 =	sadd.s32 s3, s9;
	s6 =	sadd.s32 @!p0 $0x88, s6;
	s7 =	simm.s32 @p2 $0x1082  }
0x22: {  	[simem:s7], [sflag:s8] =	dma.local @!p0 [hbm:s6], $0xF7A  }
0x23: {  	s9 =	sor.u32 $0xD0000000, s2;
	s6 =	simm.s32 $0x108;
	_ =	swait.ge @!p0 [sflag:s8], $0x0  }
0x24: {  	s3 =	sadd.s32 $0x88, s3;
	s6 =	simm.s32 @!p1 $0x1082;
	[sflag:s4] =	ssyncset.s32 $0xFFFFF086  }
0x25: {  	[simem:s6], [sflag:s4] =	dma.local [hbm:s3], $0xF7A  }
0x26: {  	[smem:$0x3F9B] =	sst s1;
	(tag) =	ssettag s2;
	_ =	strace s9  }
0x27: {  	s1 =	sld [smem:$0x3FAB]  }
0x28: {  	s2 =	sld [smem:$0x3FAC]  }
0x29: {  	s4 =	sld [smem:$0x3FAE]  }
0x2a: {  	p0 =	seq.s32 s5, $0x0;
	s5 =	sld [smem:$0x3FAF]  }
0x2b: {  	s6 =	sld [smem:$0x3FB0]  }
0x2c: {  	s7 =	sld [smem:$0x3FB1]  }
0x2d: {  	s3 =	simm.s32 $0x108;
	s8 =	sld [smem:$0x3FB2]  }
0x2e: {  	s3 =	simm.s32 @!p0 $0x1082;
	s9 =	sld [smem:$0x3FB3]  }
0x2f: {  	lr =	sadd.s32 s0, s3;
	s0 =	sld [smem:$0x3FAA]  }
0x30: {  	s3 =	sld [smem:$0x3FAD]  }
0x31: {  	[smem:$0x3FB6] =	sst s10  }
0x32: {  	s10 =	sld [smem:$0x3FB4];
	_ =	sdelay $0x3  }
0x33: {  	p0 =	seq.s32 s10, $0x1;
	s10 =	sld [smem:$0x3FB6];
	_ =	sdelay $0x3  }
0x34: {  	[smem:$0x3FB6] =	sst s10  }
0x35: {  	s10 =	sld [smem:$0x3FB5];
	_ =	sdelay $0x3  }
0x36: {  	p1 =	seq.s32 s10, $0x1;
	s10 =	sld [smem:$0x3FB6];
	_ =	sdelay $0x3  }
0x37: {  	[smem:$0x3FB6] =	sst s10  }
0x38: {  	s10 =	sld [smem:$0x3FB7]  }
0x39: {  	_ = 	snop;
	(pc) =	sbr.ind lr, $3  }
0x3a: {  	_ = 	snop  }
0x3b: {  	_ = 	snop  }
0x3c: {  	p2 =	seq.s32 s10, $0x1;
	s10 =	sld [smem:$0x3FB6]  }
0x3d: {  	_ =	shalt  }
0x3e: {  	_ =	shalt  }
0x3f: {  	_ =	shalt  }
0x40: {  	_ =	shalt  }
0x41: {  	_ =	shalt  }
0x42: {  	_ =	shalt  }
0x43: {  	_ =	shalt  }
0x44: {  	_ =	shalt  }
0x45: {  	_ =	shalt  }
0x46: {  	_ =	shalt  }
0x47: {  	_ =	shalt  }
0x48: {  	_ =	shalt  }
0x49: {  	_ =	shalt  }
0x4a: {  	_ =	shalt  }
0x4b: {  	_ =	shalt  }
0x4c: {  	_ =	shalt  }
0x4d: {  	_ =	shalt  }
0x4e: {  	_ =	shalt  }
0x4f: {  	_ =	shalt  }
0x50: {  	_ =	shalt  }
0x51: {  	_ =	shalt  }
0x52: {  	_ =	shalt  }
0x53: {  	_ =	shalt  }
0x54: {  	_ =	shalt  }
0x55: {  	_ =	shalt  }
0x56: {  	_ =	shalt  }
0x57: {  	_ =	shalt  }
0x58: {  	_ =	shalt  }
0x59: {  	_ =	shalt  }
0x5a: {  	_ =	shalt  }
0x5b: {  	_ =	shalt  }
0x5c: {  	_ =	shalt  }
0x5d: {  	_ =	shalt  }
0x5e: {  	_ =	shalt  }
0x5f: {  	_ =	shalt  }
0x60: {  	_ =	shalt  }
0x61: {  	_ =	shalt  }
0x62: {  	_ =	shalt  }
0x63: {  	_ =	shalt  }
0x64: {  	_ =	shalt  }
0x65: {  	_ =	shalt  }
0x66: {  	_ =	shalt  }
0x67: {  	_ =	shalt  }
0x68: {  	_ =	shalt  }
0x69: {  	_ =	shalt  }
0x6a: {  	_ =	shalt  }
0x6b: {  	_ =	shalt  }
0x6c: {  	_ =	shalt  }
0x6d: {  	_ =	shalt  }
0x6e: {  	_ =	shalt  }
0x6f: {  	_ =	shalt  }
0x70: {  	_ =	shalt  }
0x71: {  	_ =	shalt  }
0x72: {  	_ =	shalt  }
0x73: {  	_ =	shalt  }
0x74: {  	_ =	shalt  }
0x75: {  	_ =	shalt  }
0x76: {  	_ =	shalt  }
0x77: {  	_ =	shalt  }
0x78: {  	_ =	shalt  }
0x79: {  	_ =	shalt  }
0x7a: {  	_ =	shalt  }
0x7b: {  	_ =	shalt  }
0x7c: {  	_ =	shalt  }
0x7d: {  	_ =	shalt  }
0x7e: {  	_ =	shalt  }
0x7f: {  	_ =	shalt  }
0x80: {  	_ =	shalt  }
0x81: {  	_ =	shalt  }
0x82: {  	_ =	shalt  }
0x83: {  	_ =	shalt  }
0x84: {  	_ =	shalt  }
0x85: {  	_ =	shalt  }
0x86: {  	_ =	shalt  }
0x87: {  	_ =	shalt  }
.Lfunc_end0:
.L_simem_size_0:
called_computation_lowered:
.L_overlay_start_0:
0x88: {  	s2 =	sld [smem:$0x3FD9]  }
0x89: {  	s3 =	sld [smem:$0x3FFE];
	_ =	sdelay $0x1  }
0x8a: {  	s1 =	srdreg.scid  }
0x8b: {  	s0 =	sand.u32 $0x1, s1  }
0x8c: {  	s16 =	sshll.u32 s0, $0xA;
	s2 =	sadd.s32 s3, s2  }
0x8d: {  	s2 =	sadd.s32 s2, s16  }
0x8e: {  	[smem:$0x3FC2] =	sst s2  }
0x8f: {  	_ = 	snop  }
0x90: {  	(tm) =	ssettm $0x1  }
0x91: {  	s17 =	sld [smem:$0x3FFB];
	_ =	sdelay $0x3  }
0x92: {  	_ =	strace s17  }
0x93: {  	s2 =	sld [smem:$0x3FFC];
	_ =	sdelay $0x3  }
0x94: {  	_ =	strace s2  }
0x95: {  	s2 =	sld [smem:$0x3FFD];
	_ =	sdelay $0x3  }
0x96: {  	_ =	strace s2  }
0x97: {  	_ =	strace $0x8FFFFFFF  }
0x98: {  	s18 =	sld [smem:$0x3FDB];
	_ =	sdelay $0x1  }
0x99: {  	s19 =	simm.s32 $_scs_section_size  }
0x9a: {  	s4 =	simm.s32 $_size__tile_overlayer_lowered;
	s5 =	simm.s32 $_tile_overlayer_lowered  }
0x9b: {  	s22 =	simm.s32 $0x1BFF;
	s21 =	sshll.u32 s5, $0x1;
	s2 =	sadd.s32 s19, s18  }
0x9c: {  	s6 =	simm.s32 $0x0;
	s20 =	sshll.u32 s4, $0x1;
	s4 =	sadd.s32 s21, s2  }
0x9d: {  	[timem:s6], [sflag:s22] =	dma.local [hbm:s4], s20  }
0x9e: {  	_ =	swait.ge [sflag:s22], s20  }
0x9f: {  	s3 =	ssub.s32 $0x0, s20;
	[sflag:s22] =	ssyncset.done $0x0  }
0xa0: {  	[sflag:s22] =	ssyncadd.s32 s3;
	_ =	sdelay $0x1  }
0xa1: {  	s23 =	simm.s32 $0x1B8B  }
0xa2: {  	_ =	swait.ge [sflag:s23], $0x1  }
0xa3: {  	[sflag:s23] =	ssyncset.done $0x0  }
0xa4: {  	s25 =	simm.s32 $0x1B8E;
	s24 =	sld [smem:$0x3FFE];
	[sflag:s23] =	ssyncadd.s32 $0xFFFFFFFF  }
0xa5: {  	s26 =	simm.s32 $execute0_lowered;
	[smem:$0x3FD2] =	sst s25  }
0xa6: {  	s4 =	sshll.u32 s26, $0x1;
	_ =	strace $0x80000046;
	[dreg:$0x1] =	wrdreg $0xFFFFFFFF  }
0xa7: {  	s28 =	simm.s32 $_size_execute0_lowered;
	s2 =	sadd.s32 s2, s4;
	[dreg:$0x0] =	wrdreg $0x0  }
0xa8: {  	s4 =	sshll.u32 s28, $0x1;
	[dreg:$0x2] =	wrdreg s2  }
0xa9: {  	[dreg:$0x3] =	wrdreg s4  }
0xaa: {  	[dreg:$0x4] =	wrdreg $0xC0  }
0xab: {  	_ =	task [dreg:s6], $0x5FFFF  }
0xac: {  	[dreg:$0x1] =	wrdreg $0xFFFFFFFF  }
0xad: {  	[dreg:$0x0] =	wrdreg $0x60  }
0xae: {  	[dreg:$0x2] =	wrdreg s24  }
0xaf: {  	[dreg:$0x3] =	wrdreg $0x68000  }
0xb0: {  	[dreg:$0x4] =	wrdreg $0x9  }
0xb1: {  	_ =	task.clear_ibuf [dreg:s6], $0x5FFFF;
	_ =	strace $0x90000046  }
0xb2: {  	s29 =	simm.s32 $0x9;
	_ =	strace $0x80000048  }
0xb3: {  	_ =	swait.ge [sflag:s29], $0x1  }
0xb4: {  	[sflag:s29] =	ssyncadd.s32 $0xFFFFFFFF  }
0xb5: {  	_ =	strace $0x90000048  }
0xb6: {  	_ =	sfence  }
0xb7: {  	s30 =	sld [smem:$0x0];
	_ =	sdelay $0x2  }
0xb8: {  	s31 =	sshll.u32 s1, $0xD;
	s1 =	sshrl.u32 s1, $0x2  }
0xb9: {  	s3 =	sand.u32 $0x4000, s31;
	s1 =	sadd.s32 s1, s30  }
0xba: {  	s0 =	sor.u32 s3, s0;
	s1 =	sshll.u32 s1, $0x11  }
0xbb: {  	s0 =	sor.u32 s1, s0  }
0xbc: {  	s0 =	sadd.s32 $0x8F2B, s0  }
0xbd: {  	[sflag:s0] =	ssyncadd.remote.s32 $0x1  }
0xbe: {  	_ =	sfence.sel $0xFFFF  }
0xbf: {  	[dreg:$0x0] =	wrdreg $0xFFFFFFFF;
	(pc) =	sbr.abs _section_cstart, $3  }
0xc0: {  	[dreg:$0x1] =	wrdreg $0xFFFFFFFF  }
0xc1: {  	_ =	task.clear_ibuf [dreg:s6], $0x2FFFF;
	_ =	strace $0x9FFFFFFF  }
0xc2: {  	(tm) =	ssettm $0x7FFFFFFF  }
0xc3: {  	_ =	shalt  }
tec
execute0_lowered:
.L_overlay_start_1:
0x0: {  	(tag) =	ssettag $0x1  }
0x1: {  	s0 =	srdreg.scid;
	s5 =	rddreg [dreg:$0x0]  }
0x2: {  	s2 =	rddreg [dreg:$0x1];
	s3 =	simm.s32 $0x0;
	s12 =	simm.s32 $0x1  }
0x3: {  	s13 =	simm.s32 $0x2800;
	s14 =	simm.s32 $0x80;
	s4 =	sand.u32 $0x1, s0  }
0x4: {  	s17 =	simm.s32 $0x0;
	s0 =	stileid.u32;
	s7 =	smul.u32 $0x140000, s4  }
0x5: {  	[smem:$0x7FF] =	sst s3;
	s1 =	sshll.u32 s4, $0x4;
	s8 =	smul.u32 $0x14000, s0  }
0x6: {  	s9 =	smul.u32 $0x50000, s0;
	s29 =	ssub.s32 $0x2, s4;
	s15 =	sshll.u32 s0, $0x6  }
0x7: {  	s1 =	sor.u32 s0, s1;
	s31 =	sshrl.u32 s29, $0x1;
	s15 =	sor.u32 $0x1C01, s15  }
0x8: {  	s6 =	smul.u32 $0x500, s1;
	s1 =	rddreg [dreg:$0x2];
	_ =	strace $0x80000047  }
0x9: {  	s7 =	sadd.s32 s8, s7;
	s30 =	sshrl.u32 s9, $0x2;
	s11 =	ssub.s32 s29, s31  }
0xa: {  	s7 =	sshrl.u32 s7, $0x3;
	s4 =	sadd.s32 s30, s2;
	s11 =	smax.u32 s11, $0x1  }
0xb: {  	s6 =	sadd.s32 s6, s5;
	s10 =	sadd.s32 s7, s5;
	s7 =	sadd.s32 $0x8000, s4  }
0xc: {  	s8 =	sadd.s32 $0xC000, s4;
	s9 =	sadd.s32 $0x10000, s4;
	s16 =	sshrl.u32 s4, $0x3  }
0xd: {  	v0 =	vimm.f32 $0.0e+00;
	v1 =	vimm.f32 $1.000000000e+00;
	s5 =	sadd.s32 $0x2A00, s6;
	s6 =	sadd.s32 $0x4000, s4;
	s10 =	sadd.s32 $0x16A00, s10  }
.LBB2_1:
0xe: {  	[tilespmem:s3], [sflag:$0x1] =	stream.linear.gather [hbm4b:s5+s3], $0x2800, $0x38;
	[tilespmem:$0x9000] =	vst v63  }
0xf: {  	_ =	swait.ge [sflag:s12], $0x2800  }
0x10: {  	[sflag:s12] =	ssyncset.done $0x0  }
0x11: {  	s18 =	simm.s32 $0x200;
	s19 =	simm.s32 $0x0;
	[sflag:s12] =	ssyncadd.s32 $0xFFFFD800  }
.LBB2_2:
0x12: {  	p0 =	sne.s32 s18, $0xFE00;
	[tilespmem:s19+$0x2800] =	vst v0;
	s19 =	smov.u32 s18;
	s18 =	sadd.s32 $0x200, s18  }
.Ltmp0:
0x13: {  	(pc) =	sbr.rel @p0 .LBB2_2-.Ltmp0, $2  }
0x14: {  	_ =	sdelay $0x2  }
0x15: {  	s19 =	sshra.s32 s19, $0x2  }
0x16: {  	[tilespmem:s19+$0x2800] =	vst v0  }
0x17: {  	[spmem:s4] =	stream.linear.scatter [tilespmem:s13], [sflag:$0x1], $0x4000, $0x38;
	[tilespmem:$0x9000] =	vst v63  }
0x18: {  	_ =	swait.ge [sflag:s12], $0x4000  }
0x19: {  	[sflag:s12] =	ssyncset.done $0x0  }
0x1a: {  	[sflag:s12] =	ssyncadd.s32 $0xFFFFC000  }
0x1b: {  	[spmem:s6] =	stream.linear.scatter [tilespmem:s13], [sflag:$0x1], $0x4000, $0x38;
	[tilespmem:$0x9000] =	vst v63  }
0x1c: {  	_ =	swait.ge [sflag:s12], $0x4000  }
0x1d: {  	[sflag:s12] =	ssyncset.done $0x0  }
0x1e: {  	[sflag:s12] =	ssyncadd.s32 $0xFFFFC000  }
0x1f: {  	[spmem:s7] =	stream.linear.scatter [tilespmem:s13], [sflag:$0x1], $0x4000, $0x38;
	[tilespmem:$0x9000] =	vst v63  }
0x20: {  	_ =	swait.ge [sflag:s12], $0x4000  }
0x21: {  	[sflag:s12] =	ssyncset.done $0x0  }
0x22: {  	[sflag:s12] =	ssyncadd.s32 $0xFFFFC000  }
0x23: {  	[spmem:s8] =	stream.linear.scatter [tilespmem:s13], [sflag:$0x1], $0x4000, $0x38;
	[tilespmem:$0x9000] =	vst v63  }
0x24: {  	_ =	swait.ge [sflag:s12], $0x4000  }
0x25: {  	[sflag:s12] =	ssyncset.done $0x0  }
0x26: {  	[sflag:s12] =	ssyncadd.s32 $0xFFFFC000  }
0x27: {  	[spmem:s9] =	stream.linear.scatter [tilespmem:s13], [sflag:$0x1], $0x4000, $0x38;
	[tilespmem:$0x9000] =	vst v63  }
0x28: {  	_ =	swait.ge [sflag:s12], $0x4000  }
0x29: {  	[sflag:s12] =	ssyncset.done $0x0  }
0x2a: {  	s18 =	simm.s32 $0x200;
	s19 =	simm.s32 $0x0;
	[sflag:s12] =	ssyncadd.s32 $0xFFFFC000  }
.LBB2_4:
0x2b: {  	p0 =	sne.s32 s18, $0xFE00;
	[tilespmem:s19+$0x2800] =	vst v1;
	s19 =	smov.u32 s18;
	s18 =	sadd.s32 $0x200, s18  }
.Ltmp1:
0x2c: {  	(pc) =	sbr.rel @p0 .LBB2_4-.Ltmp1, $2  }
0x2d: {  	_ =	sdelay $0x2  }
0x2e: {  	s19 =	sshra.s32 s19, $0x2  }
0x2f: {  	[tilespmem:s19+$0x2800] =	vst v1  }
0x30: {  	s18 =	simm.s32 $0x0;
	[bflag:$0x0] =	sbarrier.arrive $0xFFFF  }
0x31: {  	[spmem:s2] =	stream.indirect.scatter.add.f32 [tilespmem:s13], [sflag:$0x1], $0x10, s18, s14, $0xb8;
	[tilespmem:$0x9000] =	vst v63  }
0x32: {  	_ =	swait.ge [sflag:s12], $0x800  }
0x33: {  	s18 =	simm.s32 $0x200;
	[sflag:s12] =	ssyncset.done $0x0  }
.LBB2_6:
0x34: {  	s19 =	sshra.s32 s18, $0x2;
	[sflag:s12] =	ssyncadd.s32 $0xFFFFF800;
	p0 =	sne.s32 s18, $0x9E00  }
0x35: {  	[spmem:s2] =	stream.indirect.scatter.add.f32 [tilespmem:s13], [sflag:$0x1], $0x10, s19, s14, $0xb8;
	[tilespmem:$0x9000] =	vst v63  }
.Ltmp2:
0x36: {  	_ = 	snop;
	(pc) =	sbr.rel @p0 .LBB2_6-.Ltmp2, $4  }
0x37: {  	_ = 	snop  }
0x38: {  	s18 =	sadd.s32 $0x200, s18  }
0x39: {  	_ =	swait.ge [sflag:s12], $0x800  }
0x3a: {  	[sflag:s12] =	ssyncset.done $0x0  }
0x3b: {  	s17 =	sadd.s32 $0x1, s17  }
0x3c: {  	[sflag:s12] =	ssyncadd.s32 $0xFFFFF800;
	p0 =	sne.s32 s17, s11  }
.Ltmp3:
0x3d: {  	[bflag:$0x0] =	sbarrier.arrive $0xFFFF;
	(pc) =	sbr.rel @p0 .LBB2_1-.Ltmp3, $4  }
0x3e: {  	[hbm:s10], [sflag:s15] =	dma.local [spmem:s16], $0x2800  }
0x3f: {  	_ =	swait.ge [sflag:s12], $0x2800  }
0x40: {  	[sflag:s12] =	ssyncset.done $0x0  }
0x41: {  	[sflag:s12] =	ssyncadd.s32 $0xFFFFD800  }
0x42: {  	_ =	sfence.sel $0x180000  }
0x43: {  	[bflag:$0x0] =	sbarrier.arrive $0xFFFF  }
0x44: {  	p0 =	sne.s32 s0, $0x0;
	_ =	strace $0x90000047  }
0x45: {  	s0 =	sadd.s32 @!p0 $0x100000, s1;
	[bflag:$0x2] =	sbarrier.arrive $0xFFFF  }
0x46: {  	[sflag:s0] =	ssyncadd.tile.s32 @!p0 $0x1;
	_ =	shalt  }
.Lfunc_end2:
_tile_overlayer_lowered:
.L_overlay_start_2:
0x47: {  	(tag) =	ssettag $0x2  }
0x48: {  	s0 =	rddreg [dreg:$0x0];
	s2 =	stileid.u32  }
0x49: {  	s1 =	rddreg [dreg:$0x1];
	p0 =	sne.s32 s2, $0x0  }
0x4a: {  	s3 =	rddreg [dreg:$0x2];
	[bflag:$0x3] =	sbarrier.arrive $0xFFFF;
	s2 =	simm.s32 @!p0 $0x1C01  }
0x4b: {  	[timem:s3], [sflag:s2] =	dma.local @!p0 [hbm:s0], s1  }
0x4c: {  	s0 =	simm.s32 @!p0 $0x1  }
0x4d: {  	_ =	swait.ge @!p0 [sflag:s0], s1  }
0x4e: {  	s1 =	ssub.s32 @!p0 $0x0, s1;
	[sflag:s0] =	ssyncset.done @!p0 $0x0  }
0x4f: {  	[sflag:s0] =	ssyncadd.s32 @!p0 s1  }
0x50: {  	[bflag:$0x3] =	sbarrier.arrive $0xFFFF  }
0x51: {  	_ =	shalt  }

</sc_bundles>
